<compile_context>
chip_gen: v7x
topology: tpu7x:2x2x1
jax: 0.10.2.dev20260603
libtpu: 0.0.44.dev20260713+nightly
codegen_flags: <defaults>
</compile_context>

<pallas_src>
import jax
import jax.numpy as jnp
from jax import lax
from jax.experimental import pallas as pl
from jax.experimental.pallas import tpu as pltpu
from jax.experimental.pallas import tpu_sc as plsc

N = 10000
E = 320000
D = 128
DH = D // 2
NC = 2
NS = 16
EPT = E // NS
CHUNK = 80
NCHUNK = EPT // CHUNK
NP = 10240
RPT = NP // NS
DEGW = 16
NBUF = 6
DEPTH = 3

_MESH = plsc.VectorSubcoreMesh(core_axis_name="c", subcore_axis_name="s")
_F32 = jnp.float32
_HIGH = lax.Precision.DEFAULT


def _build_sc(with_deg):
    out_type = [jax.ShapeDtypeStruct((NC, NP, DH), _F32)]
    scratch = (
        [pltpu.VMEM((NCHUNK, CHUNK), jnp.int32),
         pltpu.VMEM((NCHUNK, CHUNK), jnp.int32)]
        + [pltpu.VMEM((CHUNK, DH), _F32)] * NBUF
        + [pltpu.VMEM_SHARED((NP, DH), _F32)]
        + [pltpu.SemaphoreType.DMA] * (2 * NBUF)
    )
    if with_deg:
        out_type.append(jax.ShapeDtypeStruct((NC, NP, DEGW), _F32))
        scratch += [pltpu.VMEM((CHUNK, DEGW), _F32),
                    pltpu.VMEM_SHARED((NP, DEGW), _F32),
                    pltpu.SemaphoreType.DMA]

    def body(*refs):
        if with_deg:
            (xl_hbm, edge_hbm, ones_hbm, zacc_hbm, zdeg_hbm,
             acc_out, deg_out, src_v, dst_v) = refs[:9]
            rest = refs[9:]
        else:
            (xl_hbm, edge_hbm, zacc_hbm, acc_out, src_v, dst_v) = refs[:6]
            rest = refs[6:]
        bufs = rest[:NBUF]
        acc_sp = rest[NBUF]
        gsem = rest[NBUF + 1:2 * NBUF + 1]
        ssem = rest[2 * NBUF + 1:3 * NBUF + 1]
        if with_deg:
            ones_v, deg_sp, dsem = rest[3 * NBUF + 1:]
        src_hbm = edge_hbm.at[0]
        dst_hbm = edge_hbm.at[1]
        c = lax.axis_index("c")
        s = lax.axis_index("s")
        pltpu.sync_copy(zacc_hbm.at[pl.ds(s * RPT, RPT)],
                        acc_sp.at[pl.ds(s * RPT, RPT)])
        pltpu.sync_copy(src_hbm.at[s], src_v)
        pltpu.sync_copy(dst_hbm.at[s], dst_v)
        if with_deg:
            pltpu.sync_copy(zdeg_hbm.at[pl.ds(s * RPT, RPT)],
                            deg_sp.at[pl.ds(s * RPT, RPT)])
            pltpu.sync_copy(ones_hbm, ones_v)
        plsc.subcore_barrier()
        half = xl_hbm.at[c]

        def g_start(t, i):
            pltpu.async_copy(half.at[src_v.at[t]], bufs[i], gsem[i])

        def g_wait(i):
            pltpu.make_async_copy(half.at[src_v.at[0]], bufs[i], gsem[i]).wait()

        def s_start(t, i):
            pltpu.async_copy(bufs[i], acc_sp.at[dst_v.at[t]], ssem[i], add=True)

        def s_wait(i):
            pltpu.make_async_copy(bufs[i], acc_sp.at[dst_v.at[0]], ssem[i]).wait()

        if with_deg:
            base = c * (NCHUNK // 2)

            @pl.loop(0, NCHUNK // 2)
            def _(i):
                pltpu.async_copy(ones_v, deg_sp.at[dst_v.at[base + i]],
                                 dsem, add=True)

        def slot(t, i, has_swait=True, has_gnext=True):
            iw = (i + DEPTH) % NBUF
            if has_swait:
                s_wait(iw)
            if has_gnext:
                g_start(t + DEPTH, iw)
            g_wait(i)
            s_start(t, i)

        for j in range(DEPTH):
            g_start(j, j)
        for t in range(DEPTH):
            slot(t, t, has_swait=False)
        nloop = (NCHUNK - 2 * DEPTH) // NBUF

        @pl.loop(0, nloop)
        def _(g):
            t0 = NBUF * g + DEPTH
            for k in range(NBUF):
                slot(t0 + k, (DEPTH + k) % NBUF)

        for t in range(DEPTH + NBUF * nloop, NCHUNK - DEPTH):
            slot(t, t % NBUF)
        for t in range(NCHUNK - DEPTH, NCHUNK):
            slot(t, t % NBUF, has_gnext=False)
        for t in range(NCHUNK - DEPTH, NCHUNK):
            s_wait(t % NBUF)

        if with_deg:
            @pl.loop(0, NCHUNK // 2)
            def _(i):
                pltpu.make_async_copy(ones_v, deg_sp.at[dst_v.at[0]],
                                      dsem).wait()

        plsc.subcore_barrier()
        pltpu.sync_copy(acc_sp.at[pl.ds(s * RPT, RPT)],
                        acc_out.at[c, pl.ds(s * RPT, RPT)])
        if with_deg:
            pltpu.sync_copy(deg_sp.at[pl.ds(s * RPT, RPT)],
                            deg_out.at[c, pl.ds(s * RPT, RPT)])

    return pl.kernel(
        body,
        out_type=tuple(out_type) if with_deg else out_type[0],
        mesh=_MESH,
        compiler_params=pltpu.CompilerParams(use_tc_tiling_on_sc=False),
        scratch_types=scratch,
    )


_SC_AGG_DEG = _build_sc(True)
_SC_AGG = _build_sc(False)

_RB = 2000


def _tc_left(x, W_l):
    def body(x_ref, wl_ref, xl_ref):
        xl = jnp.dot(x_ref[...], wl_ref[...], preferred_element_type=_F32,
                     precision=_HIGH)
        xl_ref[0, ...] = xl[:, :DH]
        xl_ref[1, ...] = xl[:, DH:]
    return pl.pallas_call(
        body,
        grid=(N // _RB,),
        in_specs=[pl.BlockSpec((_RB, D), lambda i: (i, 0)),
                  pl.BlockSpec((D, D), lambda i: (0, 0))],
        out_specs=pl.BlockSpec((NC, _RB, DH), lambda i: (0, i, 0)),
        out_shape=jax.ShapeDtypeStruct((NC, N, DH), _F32),
    )(x, W_l)


def _tc_right(x, W_r, b):
    def body(x_ref, wr_ref, b_ref, xr_ref):
        xr_ref[...] = jnp.dot(x_ref[...], wr_ref[...],
                              preferred_element_type=_F32,
                              precision=_HIGH) + b_ref[...]
    return pl.pallas_call(
        body,
        grid=(N // _RB,),
        in_specs=[pl.BlockSpec((_RB, D), lambda i: (i, 0)),
                  pl.BlockSpec((D, D), lambda i: (0, 0)),
                  pl.BlockSpec((1, D), lambda i: (0, 0))],
        out_specs=pl.BlockSpec((_RB, D), lambda i: (i, 0)),
        out_shape=jax.ShapeDtypeStruct((N, D), _F32),
    )(x, W_r, b)


def _tc_mid(acc1, deg, xr, W2_l):
    def body(acc_ref, deg_ref, xr_ref, wl_ref, h_ref, hl_ref):
        a = jnp.concatenate([acc_ref[0], acc_ref[1]], axis=1)
        dcnt = deg_ref[0, :, 0:1] + deg_ref[1, :, 0:1]
        h = jnp.maximum(a / jnp.maximum(dcnt, 1.0) + xr_ref[...], 0.0)
        h_ref[...] = h
        hl = jnp.dot(h, wl_ref[...], preferred_element_type=_F32,
                     precision=_HIGH)
        hl_ref[0, ...] = hl[:, :DH]
        hl_ref[1, ...] = hl[:, DH:]
    return pl.pallas_call(
        body,
        grid=(N // _RB,),
        in_specs=[pl.BlockSpec((NC, _RB, DH), lambda i: (0, i, 0)),
                  pl.BlockSpec((NC, _RB, DEGW), lambda i: (0, i, 0)),
                  pl.BlockSpec((_RB, D), lambda i: (i, 0)),
                  pl.BlockSpec((D, D), lambda i: (0, 0))],
        out_specs=[pl.BlockSpec((_RB, D), lambda i: (i, 0)),
                   pl.BlockSpec((NC, _RB, DH), lambda i: (0, i, 0))],
        out_shape=[jax.ShapeDtypeStruct((N, D), _F32),
                   jax.ShapeDtypeStruct((NC, N, DH), _F32)],
    )(acc1, deg, xr, W2_l)


def _tc_post(acc2, deg, hr):
    def body(acc_ref, deg_ref, hr_ref, o_ref):
        a = jnp.concatenate([acc_ref[0], acc_ref[1]], axis=1)
        dcnt = deg_ref[0, :, 0:1] + deg_ref[1, :, 0:1]
        o_ref[...] = a / jnp.maximum(dcnt, 1.0) + hr_ref[...]
    return pl.pallas_call(
        body,
        grid=(N // _RB,),
        in_specs=[pl.BlockSpec((NC, _RB, DH), lambda i: (0, i, 0)),
                  pl.BlockSpec((NC, _RB, DEGW), lambda i: (0, i, 0)),
                  pl.BlockSpec((_RB, D), lambda i: (i, 0))],
        out_specs=pl.BlockSpec((_RB, D), lambda i: (i, 0)),
        out_shape=jax.ShapeDtypeStruct((N, D), _F32),
    )(acc2, deg, hr)


def kernel(x, edge_index, W1_l, b1_l, W1_r, W2_l, b2_l, W2_r):
    edge3 = edge_index.astype(jnp.int32).reshape(2, NS, NCHUNK, CHUNK)
    ones = jnp.zeros((CHUNK, DEGW), _F32).at[:, 0].set(1.0)
    zacc = jnp.zeros((NP, DH), _F32)
    zdeg = jnp.zeros((NP, DEGW), _F32)
    b1 = b1_l.reshape(1, D)
    b2 = b2_l.reshape(1, D)

    xl = _tc_left(x, W1_l)
    acc1, deg = _SC_AGG_DEG(xl, edge3, ones, zacc, zdeg)
    xr = _tc_right(x, W1_r, b1)
    h, hl = _tc_mid(acc1, deg, xr, W2_l)
    acc2 = _SC_AGG(hl, edge3, zacc)
    hr = _tc_right(h, W2_r, b2)
    return _tc_post(acc2, deg, hr)

# --- scband reference (transcript-rebuilt; emitter-appended) ---
"""Pipeline reference for scband-graph-sage-89936615178305 (READ-ONLY COPY).

The authoritative reference and input builder live on the scoring server;
editing this copy changes nothing except your own understanding.
"""

import jax, jax.numpy as jnp
import numpy as np

N_NODES = 10000
N_EDGES = 320000
D_IN = 128
D_HID = 128
D_OUT = 128


def _sage_conv(x, edge_index, W_l, b_l, W_r):
    # PyG SAGEConv with mean aggregation:
    #   out = lin_l(mean_{j in N(i)} x_j) + lin_r(x_i)
    src = edge_index[0]
    dst = edge_index[1]
    msg = jnp.take(x, src, axis=0)
    agg = jax.ops.segment_sum(msg, dst, num_segments=N_NODES)
    deg = jax.ops.segment_sum(jnp.ones((msg.shape[0],), dtype=x.dtype), dst, num_segments=N_NODES)
    mean = agg / jnp.maximum(deg, 1.0)[:, None]
    return mean @ W_l + b_l + x @ W_r


def setup_inputs(seed: int = 0) -> dict:
    key = jax.random.key(seed)
    k1, k2, k3, k4, k5, k6, k7, k8 = jax.random.split(key, 8)
    x = jax.random.normal(k1, (N_NODES, D_IN), dtype=jnp.float32)
    edge_index = jax.random.randint(k2, (2, N_EDGES), 0, N_NODES, dtype=jnp.int64)
    s1 = 1.0 / np.sqrt(D_IN)
    s2 = 1.0 / np.sqrt(D_HID)
    W1_l = jax.random.uniform(k3, (D_IN, D_HID), minval=-s1, maxval=s1, dtype=jnp.float32)
    b1_l = jax.random.uniform(k4, (D_HID,), minval=-s1, maxval=s1, dtype=jnp.float32)
    W1_r = jax.random.uniform(k5, (D_IN, D_HID), minval=-s1, maxval=s1, dtype=jnp.float32)
    W2_l = jax.random.uniform(k6, (D_HID, D_OUT), minval=-s2, maxval=s2, dtype=jnp.float32)
    b2_l = jax.random.uniform(k7, (D_OUT,), minval=-s2, maxval=s2, dtype=jnp.float32)
    W2_r = jax.random.uniform(k8, (D_HID, D_OUT), minval=-s2, maxval=s2, dtype=jnp.float32)
    return {"x": x, "edge_index": edge_index,
            "W1_l": W1_l, "b1_l": b1_l, "W1_r": W1_r,
            "W2_l": W2_l, "b2_l": b2_l, "W2_r": W2_r}


def reference(x, edge_index, W1_l, b1_l, W1_r, W2_l, b2_l, W2_r):
    h = _sage_conv(x, edge_index, W1_l, b1_l, W1_r)
    h = jax.nn.relu(h)
    # dropout is identity in eval mode
    out = _sage_conv(h, edge_index, W2_l, b2_l, W2_r)
    return out

if __name__ == "__main__":
    import jax
    _d = setup_inputs()
    print(jax.jit(kernel)(*tuple(_d.values())))

</pallas_src>

<mosaic_0001>
#map = affine_map<(d0, d1) -> (0, 0, 0)>
#map1 = affine_map<(d0, d1) -> (0, 0, 0, 0)>
#map2 = affine_map<(d0, d1) -> (0, 0)>
module attributes {stable_mosaic.version = 14 : i64} {
  func.func @body(%arg0: i32, %arg1: i32, %arg2: memref<2x10000x64xf32, #tpu.memory_space<hbm>>, %arg3: memref<2x16x250x80xi32, #tpu.memory_space<hbm>>, %arg4: memref<10240x64xf32, #tpu.memory_space<hbm>>, %arg5: memref<2x10240x64xf32, #tpu.memory_space<hbm>>, %arg6: memref<250x80xi32, #tpu.memory_space<vmem>>, %arg7: memref<250x80xi32, #tpu.memory_space<vmem>>, %arg8: memref<80x64xf32, #tpu.memory_space<vmem>>, %arg9: memref<80x64xf32, #tpu.memory_space<vmem>>, %arg10: memref<80x64xf32, #tpu.memory_space<vmem>>, %arg11: memref<80x64xf32, #tpu.memory_space<vmem>>, %arg12: memref<80x64xf32, #tpu.memory_space<vmem>>, %arg13: memref<80x64xf32, #tpu.memory_space<vmem>>, %arg14: memref<10240x64xf32, #tpu.memory_space<vmem_shared>>, %arg15: memref<!tpu.dma_semaphore, #tpu.memory_space<semaphore_mem>>, %arg16: memref<!tpu.dma_semaphore, #tpu.memory_space<semaphore_mem>>, %arg17: memref<!tpu.dma_semaphore, #tpu.memory_space<semaphore_mem>>, %arg18: memref<!tpu.dma_semaphore, #tpu.memory_space<semaphore_mem>>, %arg19: memref<!tpu.dma_semaphore, #tpu.memory_space<semaphore_mem>>, %arg20: memref<!tpu.dma_semaphore, #tpu.memory_space<semaphore_mem>>, %arg21: memref<!tpu.dma_semaphore, #tpu.memory_space<semaphore_mem>>, %arg22: memref<!tpu.dma_semaphore, #tpu.memory_space<semaphore_mem>>, %arg23: memref<!tpu.dma_semaphore, #tpu.memory_space<semaphore_mem>>, %arg24: memref<!tpu.dma_semaphore, #tpu.memory_space<semaphore_mem>>, %arg25: memref<!tpu.dma_semaphore, #tpu.memory_space<semaphore_mem>>, %arg26: memref<!tpu.dma_semaphore, #tpu.memory_space<semaphore_mem>>) attributes {dimension_semantics = [#tpu.dimension_semantics<core_parallel>, #tpu.dimension_semantics<subcore_parallel>], iteration_bounds = array<i64: 2, 16>, scalar_prefetch = 0 : i64, scratch_operands = 21 : i64, tpu.core_type = #tpu.core_type<sc_vector_subcore>, window_params = [{transform_indices = #map}, {transform_indices = #map1}, {transform_indices = #map2}, {transform_indices = #map}]} {
    %mul3A = arith.constant 640 : i32
    %mul3A_0 = arith.muli %arg1, %mul3A : i32
    %mul3A_1 = arith.constant 640 : i32
    %mul3A_2 = arith.muli %arg1, %mul3A_1 : i32
    "tpu.region"() ({
      %run_scoped3A_371 = tpu.sem_alloc : memref<!tpu.dma_semaphore, #tpu.memory_space<semaphore_mem>>
      %dma_start3A_372 = arith.constant 0 : i32
      %dma_start3A_373 = tpu.memref_slice %arg14[%mul3A_2, %dma_start3A_372] : memref<10240x64xf32, #tpu.memory_space<vmem_shared>> -> memref<640x64xf32, #tpu.memory_space<vmem_shared>>
      %dma_start3A_374 = arith.constant 0 : i32
      %dma_start3A_375 = tpu.memref_slice %arg4[%mul3A_0, %dma_start3A_374] : memref<10240x64xf32, #tpu.memory_space<hbm>> -> memref<640x64xf32, #tpu.memory_space<hbm>>
      tpu.enqueue_dma source(%dma_start3A_375 : memref<640x64xf32, #tpu.memory_space<hbm>>) target(%dma_start3A_373 : memref<640x64xf32, #tpu.memory_space<vmem_shared>>) target_semaphore(%run_scoped3A_371 : memref<!tpu.dma_semaphore, #tpu.memory_space<semaphore_mem>>)
      %dma_wait3A_376 = arith.constant 0 : i32
      %dma_wait3A_377 = tpu.memref_slice %arg14[%mul3A_2, %dma_wait3A_376] : memref<10240x64xf32, #tpu.memory_space<vmem_shared>> -> memref<640x64xf32, #tpu.memory_space<vmem_shared>>
      %dma_wait3A_378 = arith.constant 0 : i32
      %dma_wait3A_379 = tpu.memref_slice %arg4[%mul3A_0, %dma_wait3A_378] : memref<10240x64xf32, #tpu.memory_space<hbm>> -> memref<640x64xf32, #tpu.memory_space<hbm>>
      tpu.wait_dma2 semaphore(%run_scoped3A_371 : memref<!tpu.dma_semaphore, #tpu.memory_space<semaphore_mem>>) src(%dma_wait3A_379 : memref<640x64xf32, #tpu.memory_space<hbm>>) dst(%dma_wait3A_377 : memref<640x64xf32, #tpu.memory_space<vmem_shared>>)
      tpu.yield
    }) : () -> ()
    %run_scoped3A = arith.constant 0 : i32
    "tpu.region"() ({
      %run_scoped3A_371 = tpu.sem_alloc : memref<!tpu.dma_semaphore, #tpu.memory_space<semaphore_mem>>
      %dma_start3A_372 = arith.constant 0 : i32
      %dma_start3A_373 = arith.constant 0 : i32
      %dma_start3A_374 = arith.constant 0 : i32
      %dma_start3A_375 = tpu.memref_slice %arg3[%run_scoped3A, %dma_start3A_372, %dma_start3A_373, %dma_start3A_374] : memref<2x16x250x80xi32, #tpu.memory_space<hbm>> -> memref<1x16x250x80xi32, #tpu.memory_space<hbm>>
      %dma_start3A_376 = tpu.memref_squeeze %dma_start3A_375 : memref<1x16x250x80xi32, #tpu.memory_space<hbm>> -> memref<16x250x80xi32, #tpu.memory_space<hbm>>
      %dma_start3A_377 = arith.constant 0 : i32
      %dma_start3A_378 = arith.constant 0 : i32
      %dma_start3A_379 = tpu.memref_slice %dma_start3A_376[%arg1, %dma_start3A_377, %dma_start3A_378] : memref<16x250x80xi32, #tpu.memory_space<hbm>> -> memref<1x250x80xi32, #tpu.memory_space<hbm>>
      %dma_start3A_380 = tpu.memref_squeeze %dma_start3A_379 : memref<1x250x80xi32, #tpu.memory_space<hbm>> -> memref<250x80xi32, #tpu.memory_space<hbm>>
      %dma_start3A_381 = arith.constant 0 : i32
      %dma_start3A_382 = arith.constant 0 : i32
      %dma_start3A_383 = arith.constant 0 : i32
      %dma_start3A_384 = tpu.memref_slice %arg3[%run_scoped3A, %dma_start3A_381, %dma_start3A_382, %dma_start3A_383] : memref<2x16x250x80xi32, #tpu.memory_space<hbm>> -> memref<1x16x250x80xi32, #tpu.memory_space<hbm>>
      %dma_start3A_385 = tpu.memref_squeeze %dma_start3A_384 : memref<1x16x250x80xi32, #tpu.memory_space<hbm>> -> memref<16x250x80xi32, #tpu.memory_space<hbm>>
      %dma_start3A_386 = arith.constant 0 : i32
      %dma_start3A_387 = arith.constant 0 : i32
      %dma_start3A_388 = tpu.memref_slice %dma_start3A_385[%arg1, %dma_start3A_386, %dma_start3A_387] : memref<16x250x80xi32, #tpu.memory_space<hbm>> -> memref<1x250x80xi32, #tpu.memory_space<hbm>>
      %dma_start3A_389 = tpu.memref_squeeze %dma_start3A_388 : memref<1x250x80xi32, #tpu.memory_space<hbm>> -> memref<250x80xi32, #tpu.memory_space<hbm>>
      tpu.enqueue_dma source(%dma_start3A_389 : memref<250x80xi32, #tpu.memory_space<hbm>>) target(%arg6 : memref<250x80xi32, #tpu.memory_space<vmem>>) target_semaphore(%run_scoped3A_371 : memref<!tpu.dma_semaphore, #tpu.memory_space<semaphore_mem>>)
      %dma_wait3A_390 = arith.constant 0 : i32
      %dma_wait3A_391 = arith.constant 0 : i32
      %dma_wait3A_392 = arith.constant 0 : i32
      %dma_wait3A_393 = tpu.memref_slice %arg3[%run_scoped3A, %dma_wait3A_390, %dma_wait3A_391, %dma_wait3A_392] : memref<2x16x250x80xi32, #tpu.memory_space<hbm>> -> memref<1x16x250x80xi32, #tpu.memory_space<hbm>>
      %dma_wait3A_394 = tpu.memref_squeeze %dma_wait3A_393 : memref<1x16x250x80xi32, #tpu.memory_space<hbm>> -> memref<16x250x80xi32, #tpu.memory_space<hbm>>
      %dma_wait3A_395 = arith.constant 0 : i32
      %dma_wait3A_396 = arith.constant 0 : i32
      %dma_wait3A_397 = tpu.memref_slice %dma_wait3A_394[%arg1, %dma_wait3A_395, %dma_wait3A_396] : memref<16x250x80xi32, #tpu.memory_space<hbm>> -> memref<1x250x80xi32, #tpu.memory_space<hbm>>
      %dma_wait3A_398 = tpu.memref_squeeze %dma_wait3A_397 : memref<1x250x80xi32, #tpu.memory_space<hbm>> -> memref<250x80xi32, #tpu.memory_space<hbm>>
      %dma_wait3A_399 = arith.constant 0 : i32
      %dma_wait3A_400 = arith.constant 0 : i32
      %dma_wait3A_401 = arith.constant 0 : i32
      %dma_wait3A_402 = tpu.memref_slice %arg3[%run_scoped3A, %dma_wait3A_399, %dma_wait3A_400, %dma_wait3A_401] : memref<2x16x250x80xi32, #tpu.memory_space<hbm>> -> memref<1x16x250x80xi32, #tpu.memory_space<hbm>>
      %dma_wait3A_403 = tpu.memref_squeeze %dma_wait3A_402 : memref<1x16x250x80xi32, #tpu.memory_space<hbm>> -> memref<16x250x80xi32, #tpu.memory_space<hbm>>
      %dma_wait3A_404 = arith.constant 0 : i32
      %dma_wait3A_405 = arith.constant 0 : i32
      %dma_wait3A_406 = tpu.memref_slice %dma_wait3A_403[%arg1, %dma_wait3A_404, %dma_wait3A_405] : memref<16x250x80xi32, #tpu.memory_space<hbm>> -> memref<1x250x80xi32, #tpu.memory_space<hbm>>
      %dma_wait3A_407 = tpu.memref_squeeze %dma_wait3A_406 : memref<1x250x80xi32, #tpu.memory_space<hbm>> -> memref<250x80xi32, #tpu.memory_space<hbm>>
      tpu.wait_dma2 semaphore(%run_scoped3A_371 : memref<!tpu.dma_semaphore, #tpu.memory_space<semaphore_mem>>) src(%dma_wait3A_407 : memref<250x80xi32, #tpu.memory_space<hbm>>) dst(%arg6 : memref<250x80xi32, #tpu.memory_space<vmem>>)
      tpu.yield
    }) : () -> ()
    %run_scoped3A_3 = arith.constant 1 : i32
    "tpu.region"() ({
      %run_scoped3A_371 = tpu.sem_alloc : memref<!tpu.dma_semaphore, #tpu.memory_space<semaphore_mem>>
      %dma_start3A_372 = arith.constant 0 : i32
      %dma_start3A_373 = arith.constant 0 : i32
      %dma_start3A_374 = arith.constant 0 : i32
      %dma_start3A_375 = tpu.memref_slice %arg3[%run_scoped3A_3, %dma_start3A_372, %dma_start3A_373, %dma_start3A_374] : memref<2x16x250x80xi32, #tpu.memory_space<hbm>> -> memref<1x16x250x80xi32, #tpu.memory_space<hbm>>
      %dma_start3A_376 = tpu.memref_squeeze %dma_start3A_375 : memref<1x16x250x80xi32, #tpu.memory_space<hbm>> -> memref<16x250x80xi32, #tpu.memory_space<hbm>>
      %dma_start3A_377 = arith.constant 0 : i32
      %dma_start3A_378 = arith.constant 0 : i32
      %dma_start3A_379 = tpu.memref_slice %dma_start3A_376[%arg1, %dma_start3A_377, %dma_start3A_378] : memref<16x250x80xi32, #tpu.memory_space<hbm>> -> memref<1x250x80xi32, #tpu.memory_space<hbm>>
      %dma_start3A_380 = tpu.memref_squeeze %dma_start3A_379 : memref<1x250x80xi32, #tpu.memory_space<hbm>> -> memref<250x80xi32, #tpu.memory_space<hbm>>
      %dma_start3A_381 = arith.constant 0 : i32
      %dma_start3A_382 = arith.constant 0 : i32
      %dma_start3A_383 = arith.constant 0 : i32
      %dma_start3A_384 = tpu.memref_slice %arg3[%run_scoped3A_3, %dma_start3A_381, %dma_start3A_382, %dma_start3A_383] : memref<2x16x250x80xi32, #tpu.memory_space<hbm>> -> memref<1x16x250x80xi32, #tpu.memory_space<hbm>>
      %dma_start3A_385 = tpu.memref_squeeze %dma_start3A_384 : memref<1x16x250x80xi32, #tpu.memory_space<hbm>> -> memref<16x250x80xi32, #tpu.memory_space<hbm>>
      %dma_start3A_386 = arith.constant 0 : i32
      %dma_start3A_387 = arith.constant 0 : i32
      %dma_start3A_388 = tpu.memref_slice %dma_start3A_385[%arg1, %dma_start3A_386, %dma_start3A_387] : memref<16x250x80xi32, #tpu.memory_space<hbm>> -> memref<1x250x80xi32, #tpu.memory_space<hbm>>
      %dma_start3A_389 = tpu.memref_squeeze %dma_start3A_388 : memref<1x250x80xi32, #tpu.memory_space<hbm>> -> memref<250x80xi32, #tpu.memory_space<hbm>>
      tpu.enqueue_dma source(%dma_start3A_389 : memref<250x80xi32, #tpu.memory_space<hbm>>) target(%arg7 : memref<250x80xi32, #tpu.memory_space<vmem>>) target_semaphore(%run_scoped3A_371 : memref<!tpu.dma_semaphore, #tpu.memory_space<semaphore_mem>>)
      %dma_wait3A_390 = arith.constant 0 : i32
      %dma_wait3A_391 = arith.constant 0 : i32
      %dma_wait3A_392 = arith.constant 0 : i32
      %dma_wait3A_393 = tpu.memref_slice %arg3[%run_scoped3A_3, %dma_wait3A_390, %dma_wait3A_391, %dma_wait3A_392] : memref<2x16x250x80xi32, #tpu.memory_space<hbm>> -> memref<1x16x250x80xi32, #tpu.memory_space<hbm>>
      %dma_wait3A_394 = tpu.memref_squeeze %dma_wait3A_393 : memref<1x16x250x80xi32, #tpu.memory_space<hbm>> -> memref<16x250x80xi32, #tpu.memory_space<hbm>>
      %dma_wait3A_395 = arith.constant 0 : i32
      %dma_wait3A_396 = arith.constant 0 : i32
      %dma_wait3A_397 = tpu.memref_slice %dma_wait3A_394[%arg1, %dma_wait3A_395, %dma_wait3A_396] : memref<16x250x80xi32, #tpu.memory_space<hbm>> -> memref<1x250x80xi32, #tpu.memory_space<hbm>>
      %dma_wait3A_398 = tpu.memref_squeeze %dma_wait3A_397 : memref<1x250x80xi32, #tpu.memory_space<hbm>> -> memref<250x80xi32, #tpu.memory_space<hbm>>
      %dma_wait3A_399 = arith.constant 0 : i32
      %dma_wait3A_400 = arith.constant 0 : i32
      %dma_wait3A_401 = arith.constant 0 : i32
      %dma_wait3A_402 = tpu.memref_slice %arg3[%run_scoped3A_3, %dma_wait3A_399, %dma_wait3A_400, %dma_wait3A_401] : memref<2x16x250x80xi32, #tpu.memory_space<hbm>> -> memref<1x16x250x80xi32, #tpu.memory_space<hbm>>
      %dma_wait3A_403 = tpu.memref_squeeze %dma_wait3A_402 : memref<1x16x250x80xi32, #tpu.memory_space<hbm>> -> memref<16x250x80xi32, #tpu.memory_space<hbm>>
      %dma_wait3A_404 = arith.constant 0 : i32
      %dma_wait3A_405 = arith.constant 0 : i32
      %dma_wait3A_406 = tpu.memref_slice %dma_wait3A_403[%arg1, %dma_wait3A_404, %dma_wait3A_405] : memref<16x250x80xi32, #tpu.memory_space<hbm>> -> memref<1x250x80xi32, #tpu.memory_space<hbm>>
      %dma_wait3A_407 = tpu.memref_squeeze %dma_wait3A_406 : memref<1x250x80xi32, #tpu.memory_space<hbm>> -> memref<250x80xi32, #tpu.memory_space<hbm>>
      tpu.wait_dma2 semaphore(%run_scoped3A_371 : memref<!tpu.dma_semaphore, #tpu.memory_space<semaphore_mem>>) src(%dma_wait3A_407 : memref<250x80xi32, #tpu.memory_space<hbm>>) dst(%arg7 : memref<250x80xi32, #tpu.memory_space<vmem>>)
      tpu.yield
    }) : () -> ()
    %barrier3A = arith.constant 0 : index
    tpu.barrier barrier_id(%barrier3A)
    %dma_start3A = arith.constant 0 : i32
    %dma_start3A_4 = arith.constant 0 : i32
    %dma_start3A_5 = tpu.memref_slice %arg6[%dma_start3A, %dma_start3A_4] : memref<250x80xi32, #tpu.memory_space<vmem>> -> memref<1x80xi32, #tpu.memory_space<vmem>>
    %dma_start3A_6 = tpu.memref_squeeze %dma_start3A_5 : memref<1x80xi32, #tpu.memory_space<vmem>> -> memref<80xi32, #tpu.memory_space<vmem>>
    %dma_start3A_7 = arith.constant 0 : i32
    %dma_start3A_8 = arith.constant 0 : i32
    %dma_start3A_9 = tpu.memref_slice %arg2[%arg0, %dma_start3A_7, %dma_start3A_8] : memref<2x10000x64xf32, #tpu.memory_space<hbm>> -> memref<1x10000x64xf32, #tpu.memory_space<hbm>>
    %dma_start3A_10 = tpu.memref_squeeze %dma_start3A_9 : memref<1x10000x64xf32, #tpu.memory_space<hbm>> -> memref<10000x64xf32, #tpu.memory_space<hbm>>
    %dma_start3A_11 = arith.constant 0 : i32
    %dma_start3A_12 = arith.constant 0 : i32
    %dma_start3A_13 = tpu.memref_slice %dma_start3A_10[%dma_start3A_11, %dma_start3A_12] : memref<10000x64xf32, #tpu.memory_space<hbm>> -> memref<10000x64xf32, #tpu.memory_space<hbm>>
    tpu.enqueue_indirect_dma source(%dma_start3A_13 : memref<10000x64xf32, #tpu.memory_space<hbm>>) target(%arg8 : memref<80x64xf32, #tpu.memory_space<vmem>>) offsets(%dma_start3A_6 : memref<80xi32, #tpu.memory_space<vmem>>) semaphore(%arg15 : memref<!tpu.dma_semaphore, #tpu.memory_space<semaphore_mem>>)
    %dma_start3A_14 = arith.constant 1 : i32
    %dma_start3A_15 = arith.constant 0 : i32
    %dma_start3A_16 = tpu.memref_slice %arg6[%dma_start3A_14, %dma_start3A_15] : memref<250x80xi32, #tpu.memory_space<vmem>> -> memref<1x80xi32, #tpu.memory_space<vmem>>
    %dma_start3A_17 = tpu.memref_squeeze %dma_start3A_16 : memref<1x80xi32, #tpu.memory_space<vmem>> -> memref<80xi32, #tpu.memory_space<vmem>>
    %dma_start3A_18 = arith.constant 0 : i32
    %dma_start3A_19 = arith.constant 0 : i32
    %dma_start3A_20 = tpu.memref_slice %arg2[%arg0, %dma_start3A_18, %dma_start3A_19] : memref<2x10000x64xf32, #tpu.memory_space<hbm>> -> memref<1x10000x64xf32, #tpu.memory_space<hbm>>
    %dma_start3A_21 = tpu.memref_squeeze %dma_start3A_20 : memref<1x10000x64xf32, #tpu.memory_space<hbm>> -> memref<10000x64xf32, #tpu.memory_space<hbm>>
    %dma_start3A_22 = arith.constant 0 : i32
    %dma_start3A_23 = arith.constant 0 : i32
    %dma_start3A_24 = tpu.memref_slice %dma_start3A_21[%dma_start3A_22, %dma_start3A_23] : memref<10000x64xf32, #tpu.memory_space<hbm>> -> memref<10000x64xf32, #tpu.memory_space<hbm>>
    tpu.enqueue_indirect_dma source(%dma_start3A_24 : memref<10000x64xf32, #tpu.memory_space<hbm>>) target(%arg9 : memref<80x64xf32, #tpu.memory_space<vmem>>) offsets(%dma_start3A_17 : memref<80xi32, #tpu.memory_space<vmem>>) semaphore(%arg16 : memref<!tpu.dma_semaphore, #tpu.memory_space<semaphore_mem>>)
    %dma_start3A_25 = arith.constant 2 : i32
    %dma_start3A_26 = arith.constant 0 : i32
    %dma_start3A_27 = tpu.memref_slice %arg6[%dma_start3A_25, %dma_start3A_26] : memref<250x80xi32, #tpu.memory_space<vmem>> -> memref<1x80xi32, #tpu.memory_space<vmem>>
    %dma_start3A_28 = tpu.memref_squeeze %dma_start3A_27 : memref<1x80xi32, #tpu.memory_space<vmem>> -> memref<80xi32, #tpu.memory_space<vmem>>
    %dma_start3A_29 = arith.constant 0 : i32
    %dma_start3A_30 = arith.constant 0 : i32
    %dma_start3A_31 = tpu.memref_slice %arg2[%arg0, %dma_start3A_29, %dma_start3A_30] : memref<2x10000x64xf32, #tpu.memory_space<hbm>> -> memref<1x10000x64xf32, #tpu.memory_space<hbm>>
    %dma_start3A_32 = tpu.memref_squeeze %dma_start3A_31 : memref<1x10000x64xf32, #tpu.memory_space<hbm>> -> memref<10000x64xf32, #tpu.memory_space<hbm>>
    %dma_start3A_33 = arith.constant 0 : i32
    %dma_start3A_34 = arith.constant 0 : i32
    %dma_start3A_35 = tpu.memref_slice %dma_start3A_32[%dma_start3A_33, %dma_start3A_34] : memref<10000x64xf32, #tpu.memory_space<hbm>> -> memref<10000x64xf32, #tpu.memory_space<hbm>>
    tpu.enqueue_indirect_dma source(%dma_start3A_35 : memref<10000x64xf32, #tpu.memory_space<hbm>>) target(%arg10 : memref<80x64xf32, #tpu.memory_space<vmem>>) offsets(%dma_start3A_28 : memref<80xi32, #tpu.memory_space<vmem>>) semaphore(%arg17 : memref<!tpu.dma_semaphore, #tpu.memory_space<semaphore_mem>>)
    %dma_start3A_36 = arith.constant 3 : i32
    %dma_start3A_37 = arith.constant 0 : i32
    %dma_start3A_38 = tpu.memref_slice %arg6[%dma_start3A_36, %dma_start3A_37] : memref<250x80xi32, #tpu.memory_space<vmem>> -> memref<1x80xi32, #tpu.memory_space<vmem>>
    %dma_start3A_39 = tpu.memref_squeeze %dma_start3A_38 : memref<1x80xi32, #tpu.memory_space<vmem>> -> memref<80xi32, #tpu.memory_space<vmem>>
    %dma_start3A_40 = arith.constant 0 : i32
    %dma_start3A_41 = arith.constant 0 : i32
    %dma_start3A_42 = tpu.memref_slice %arg2[%arg0, %dma_start3A_40, %dma_start3A_41] : memref<2x10000x64xf32, #tpu.memory_space<hbm>> -> memref<1x10000x64xf32, #tpu.memory_space<hbm>>
    %dma_start3A_43 = tpu.memref_squeeze %dma_start3A_42 : memref<1x10000x64xf32, #tpu.memory_space<hbm>> -> memref<10000x64xf32, #tpu.memory_space<hbm>>
    %dma_start3A_44 = arith.constant 0 : i32
    %dma_start3A_45 = arith.constant 0 : i32
    %dma_start3A_46 = tpu.memref_slice %dma_start3A_43[%dma_start3A_44, %dma_start3A_45] : memref<10000x64xf32, #tpu.memory_space<hbm>> -> memref<10000x64xf32, #tpu.memory_space<hbm>>
    tpu.enqueue_indirect_dma source(%dma_start3A_46 : memref<10000x64xf32, #tpu.memory_space<hbm>>) target(%arg11 : memref<80x64xf32, #tpu.memory_space<vmem>>) offsets(%dma_start3A_39 : memref<80xi32, #tpu.memory_space<vmem>>) semaphore(%arg18 : memref<!tpu.dma_semaphore, #tpu.memory_space<semaphore_mem>>)
    %dma_wait3A = arith.constant 0 : i32
    %dma_wait3A_47 = arith.constant 0 : i32
    %dma_wait3A_48 = tpu.memref_slice %arg6[%dma_wait3A, %dma_wait3A_47] : memref<250x80xi32, #tpu.memory_space<vmem>> -> memref<1x80xi32, #tpu.memory_space<vmem>>
    %dma_wait3A_49 = tpu.memref_squeeze %dma_wait3A_48 : memref<1x80xi32, #tpu.memory_space<vmem>> -> memref<80xi32, #tpu.memory_space<vmem>>
    %dma_wait3A_50 = arith.constant 0 : i32
    %dma_wait3A_51 = arith.constant 0 : i32
    %dma_wait3A_52 = tpu.memref_slice %arg2[%arg0, %dma_wait3A_50, %dma_wait3A_51] : memref<2x10000x64xf32, #tpu.memory_space<hbm>> -> memref<1x10000x64xf32, #tpu.memory_space<hbm>>
    %dma_wait3A_53 = tpu.memref_squeeze %dma_wait3A_52 : memref<1x10000x64xf32, #tpu.memory_space<hbm>> -> memref<10000x64xf32, #tpu.memory_space<hbm>>
    %dma_wait3A_54 = arith.constant 0 : i32
    %dma_wait3A_55 = arith.constant 0 : i32
    %dma_wait3A_56 = tpu.memref_slice %dma_wait3A_53[%dma_wait3A_54, %dma_wait3A_55] : memref<10000x64xf32, #tpu.memory_space<hbm>> -> memref<10000x64xf32, #tpu.memory_space<hbm>>
    tpu.wait_indirect_dma semaphore(%arg15 : memref<!tpu.dma_semaphore, #tpu.memory_space<semaphore_mem>>) src(%dma_wait3A_56 : memref<10000x64xf32, #tpu.memory_space<hbm>>) dst(%arg8 : memref<80x64xf32, #tpu.memory_space<vmem>>)
    %dma_start3A_57 = arith.constant 0 : i32
    %dma_start3A_58 = arith.constant 0 : i32
    %dma_start3A_59 = tpu.memref_slice %arg7[%dma_start3A_57, %dma_start3A_58] : memref<250x80xi32, #tpu.memory_space<vmem>> -> memref<1x80xi32, #tpu.memory_space<vmem>>
    %dma_start3A_60 = tpu.memref_squeeze %dma_start3A_59 : memref<1x80xi32, #tpu.memory_space<vmem>> -> memref<80xi32, #tpu.memory_space<vmem>>
    %dma_start3A_61 = arith.constant 0 : i32
    %dma_start3A_62 = arith.constant 0 : i32
    %dma_start3A_63 = tpu.memref_slice %arg14[%dma_start3A_61, %dma_start3A_62] : memref<10240x64xf32, #tpu.memory_space<vmem_shared>> -> memref<10240x64xf32, #tpu.memory_space<vmem_shared>>
    tpu.enqueue_indirect_dma source(%arg8 : memref<80x64xf32, #tpu.memory_space<vmem>>) target(%dma_start3A_63 : memref<10240x64xf32, #tpu.memory_space<vmem_shared>>) offsets(%dma_start3A_60 : memref<80xi32, #tpu.memory_space<vmem>>) semaphore(%arg21 : memref<!tpu.dma_semaphore, #tpu.memory_space<semaphore_mem>>) {add = true}
    %dma_start3A_64 = arith.constant 4 : i32
    %dma_start3A_65 = arith.constant 0 : i32
    %dma_start3A_66 = tpu.memref_slice %arg6[%dma_start3A_64, %dma_start3A_65] : memref<250x80xi32, #tpu.memory_space<vmem>> -> memref<1x80xi32, #tpu.memory_space<vmem>>
    %dma_start3A_67 = tpu.memref_squeeze %dma_start3A_66 : memref<1x80xi32, #tpu.memory_space<vmem>> -> memref<80xi32, #tpu.memory_space<vmem>>
    %dma_start3A_68 = arith.constant 0 : i32
    %dma_start3A_69 = arith.constant 0 : i32
    %dma_start3A_70 = tpu.memref_slice %arg2[%arg0, %dma_start3A_68, %dma_start3A_69] : memref<2x10000x64xf32, #tpu.memory_space<hbm>> -> memref<1x10000x64xf32, #tpu.memory_space<hbm>>
    %dma_start3A_71 = tpu.memref_squeeze %dma_start3A_70 : memref<1x10000x64xf32, #tpu.memory_space<hbm>> -> memref<10000x64xf32, #tpu.memory_space<hbm>>
    %dma_start3A_72 = arith.constant 0 : i32
    %dma_start3A_73 = arith.constant 0 : i32
    %dma_start3A_74 = tpu.memref_slice %dma_start3A_71[%dma_start3A_72, %dma_start3A_73] : memref<10000x64xf32, #tpu.memory_space<hbm>> -> memref<10000x64xf32, #tpu.memory_space<hbm>>
    tpu.enqueue_indirect_dma source(%dma_start3A_74 : memref<10000x64xf32, #tpu.memory_space<hbm>>) target(%arg12 : memref<80x64xf32, #tpu.memory_space<vmem>>) offsets(%dma_start3A_67 : memref<80xi32, #tpu.memory_space<vmem>>) semaphore(%arg19 : memref<!tpu.dma_semaphore, #tpu.memory_space<semaphore_mem>>)
    %dma_wait3A_75 = arith.constant 0 : i32
    %dma_wait3A_76 = arith.constant 0 : i32
    %dma_wait3A_77 = tpu.memref_slice %arg6[%dma_wait3A_75, %dma_wait3A_76] : memref<250x80xi32, #tpu.memory_space<vmem>> -> memref<1x80xi32, #tpu.memory_space<vmem>>
    %dma_wait3A_78 = tpu.memref_squeeze %dma_wait3A_77 : memref<1x80xi32, #tpu.memory_space<vmem>> -> memref<80xi32, #tpu.memory_space<vmem>>
    %dma_wait3A_79 = arith.constant 0 : i32
    %dma_wait3A_80 = arith.constant 0 : i32
    %dma_wait3A_81 = tpu.memref_slice %arg2[%arg0, %dma_wait3A_79, %dma_wait3A_80] : memref<2x10000x64xf32, #tpu.memory_space<hbm>> -> memref<1x10000x64xf32, #tpu.memory_space<hbm>>
    %dma_wait3A_82 = tpu.memref_squeeze %dma_wait3A_81 : memref<1x10000x64xf32, #tpu.memory_space<hbm>> -> memref<10000x64xf32, #tpu.memory_space<hbm>>
    %dma_wait3A_83 = arith.constant 0 : i32
    %dma_wait3A_84 = arith.constant 0 : i32
    %dma_wait3A_85 = tpu.memref_slice %dma_wait3A_82[%dma_wait3A_83, %dma_wait3A_84] : memref<10000x64xf32, #tpu.memory_space<hbm>> -> memref<10000x64xf32, #tpu.memory_space<hbm>>
    tpu.wait_indirect_dma semaphore(%arg16 : memref<!tpu.dma_semaphore, #tpu.memory_space<semaphore_mem>>) src(%dma_wait3A_85 : memref<10000x64xf32, #tpu.memory_space<hbm>>) dst(%arg9 : memref<80x64xf32, #tpu.memory_space<vmem>>)
    %dma_start3A_86 = arith.constant 1 : i32
    %dma_start3A_87 = arith.constant 0 : i32
    %dma_start3A_88 = tpu.memref_slice %arg7[%dma_start3A_86, %dma_start3A_87] : memref<250x80xi32, #tpu.memory_space<vmem>> -> memref<1x80xi32, #tpu.memory_space<vmem>>
    %dma_start3A_89 = tpu.memref_squeeze %dma_start3A_88 : memref<1x80xi32, #tpu.memory_space<vmem>> -> memref<80xi32, #tpu.memory_space<vmem>>
    %dma_start3A_90 = arith.constant 0 : i32
    %dma_start3A_91 = arith.constant 0 : i32
    %dma_start3A_92 = tpu.memref_slice %arg14[%dma_start3A_90, %dma_start3A_91] : memref<10240x64xf32, #tpu.memory_space<vmem_shared>> -> memref<10240x64xf32, #tpu.memory_space<vmem_shared>>
    tpu.enqueue_indirect_dma source(%arg9 : memref<80x64xf32, #tpu.memory_space<vmem>>) target(%dma_start3A_92 : memref<10240x64xf32, #tpu.memory_space<vmem_shared>>) offsets(%dma_start3A_89 : memref<80xi32, #tpu.memory_space<vmem>>) semaphore(%arg22 : memref<!tpu.dma_semaphore, #tpu.memory_space<semaphore_mem>>) {add = true}
    %dma_start3A_93 = arith.constant 5 : i32
    %dma_start3A_94 = arith.constant 0 : i32
    %dma_start3A_95 = tpu.memref_slice %arg6[%dma_start3A_93, %dma_start3A_94] : memref<250x80xi32, #tpu.memory_space<vmem>> -> memref<1x80xi32, #tpu.memory_space<vmem>>
    %dma_start3A_96 = tpu.memref_squeeze %dma_start3A_95 : memref<1x80xi32, #tpu.memory_space<vmem>> -> memref<80xi32, #tpu.memory_space<vmem>>
    %dma_start3A_97 = arith.constant 0 : i32
    %dma_start3A_98 = arith.constant 0 : i32
    %dma_start3A_99 = tpu.memref_slice %arg2[%arg0, %dma_start3A_97, %dma_start3A_98] : memref<2x10000x64xf32, #tpu.memory_space<hbm>> -> memref<1x10000x64xf32, #tpu.memory_space<hbm>>
    %dma_start3A_100 = tpu.memref_squeeze %dma_start3A_99 : memref<1x10000x64xf32, #tpu.memory_space<hbm>> -> memref<10000x64xf32, #tpu.memory_space<hbm>>
    %dma_start3A_101 = arith.constant 0 : i32
    %dma_start3A_102 = arith.constant 0 : i32
    %dma_start3A_103 = tpu.memref_slice %dma_start3A_100[%dma_start3A_101, %dma_start3A_102] : memref<10000x64xf32, #tpu.memory_space<hbm>> -> memref<10000x64xf32, #tpu.memory_space<hbm>>
    tpu.enqueue_indirect_dma source(%dma_start3A_103 : memref<10000x64xf32, #tpu.memory_space<hbm>>) target(%arg13 : memref<80x64xf32, #tpu.memory_space<vmem>>) offsets(%dma_start3A_96 : memref<80xi32, #tpu.memory_space<vmem>>) semaphore(%arg20 : memref<!tpu.dma_semaphore, #tpu.memory_space<semaphore_mem>>)
    %dma_wait3A_104 = arith.constant 0 : i32
    %dma_wait3A_105 = arith.constant 0 : i32
    %dma_wait3A_106 = tpu.memref_slice %arg6[%dma_wait3A_104, %dma_wait3A_105] : memref<250x80xi32, #tpu.memory_space<vmem>> -> memref<1x80xi32, #tpu.memory_space<vmem>>
    %dma_wait3A_107 = tpu.memref_squeeze %dma_wait3A_106 : memref<1x80xi32, #tpu.memory_space<vmem>> -> memref<80xi32, #tpu.memory_space<vmem>>
    %dma_wait3A_108 = arith.constant 0 : i32
    %dma_wait3A_109 = arith.constant 0 : i32
    %dma_wait3A_110 = tpu.memref_slice %arg2[%arg0, %dma_wait3A_108, %dma_wait3A_109] : memref<2x10000x64xf32, #tpu.memory_space<hbm>> -> memref<1x10000x64xf32, #tpu.memory_space<hbm>>
    %dma_wait3A_111 = tpu.memref_squeeze %dma_wait3A_110 : memref<1x10000x64xf32, #tpu.memory_space<hbm>> -> memref<10000x64xf32, #tpu.memory_space<hbm>>
    %dma_wait3A_112 = arith.constant 0 : i32
    %dma_wait3A_113 = arith.constant 0 : i32
    %dma_wait3A_114 = tpu.memref_slice %dma_wait3A_111[%dma_wait3A_112, %dma_wait3A_113] : memref<10000x64xf32, #tpu.memory_space<hbm>> -> memref<10000x64xf32, #tpu.memory_space<hbm>>
    tpu.wait_indirect_dma semaphore(%arg17 : memref<!tpu.dma_semaphore, #tpu.memory_space<semaphore_mem>>) src(%dma_wait3A_114 : memref<10000x64xf32, #tpu.memory_space<hbm>>) dst(%arg10 : memref<80x64xf32, #tpu.memory_space<vmem>>)
    %dma_start3A_115 = arith.constant 2 : i32
    %dma_start3A_116 = arith.constant 0 : i32
    %dma_start3A_117 = tpu.memref_slice %arg7[%dma_start3A_115, %dma_start3A_116] : memref<250x80xi32, #tpu.memory_space<vmem>> -> memref<1x80xi32, #tpu.memory_space<vmem>>
    %dma_start3A_118 = tpu.memref_squeeze %dma_start3A_117 : memref<1x80xi32, #tpu.memory_space<vmem>> -> memref<80xi32, #tpu.memory_space<vmem>>
    %dma_start3A_119 = arith.constant 0 : i32
    %dma_start3A_120 = arith.constant 0 : i32
    %dma_start3A_121 = tpu.memref_slice %arg14[%dma_start3A_119, %dma_start3A_120] : memref<10240x64xf32, #tpu.memory_space<vmem_shared>> -> memref<10240x64xf32, #tpu.memory_space<vmem_shared>>
    tpu.enqueue_indirect_dma source(%arg10 : memref<80x64xf32, #tpu.memory_space<vmem>>) target(%dma_start3A_121 : memref<10240x64xf32, #tpu.memory_space<vmem_shared>>) offsets(%dma_start3A_118 : memref<80xi32, #tpu.memory_space<vmem>>) semaphore(%arg23 : memref<!tpu.dma_semaphore, #tpu.memory_space<semaphore_mem>>) {add = true}
    %scan3A = arith.constant 0 : i32
    %scan3A_122 = arith.constant 40 : i32
    %scan3A_123 = arith.addi %scan3A, %scan3A_122 : i32
    %scan3A_124 = arith.constant 1 : i32
    scf.for %scan3A_371 = %scan3A to %scan3A_123 step %scan3A_124  : i32 {
      %mul3A_372 = arith.constant 1 : i32
      %mul3A_373 = arith.muli %scan3A_371, %mul3A_372 : i32
      %add3A = arith.constant 0 : i32
      %add3A_374 = arith.addi %add3A, %mul3A_373 : i32
      %mul3A_375 = arith.constant 6 : i32
      %mul3A_376 = arith.muli %mul3A_375, %add3A_374 : i32
      %add3A_377 = arith.constant 3 : i32
      %add3A_378 = arith.addi %mul3A_376, %add3A_377 : i32
      %add3A_379 = arith.constant 0 : i32
      %add3A_380 = arith.addi %add3A_378, %add3A_379 : i32
      %dma_wait3A_381 = arith.constant 0 : i32
      %dma_wait3A_382 = arith.constant 0 : i32
      %dma_wait3A_383 = tpu.memref_slice %arg7[%dma_wait3A_381, %dma_wait3A_382] : memref<250x80xi32, #tpu.memory_space<vmem>> -> memref<1x80xi32, #tpu.memory_space<vmem>>
      %dma_wait3A_384 = tpu.memref_squeeze %dma_wait3A_383 : memref<1x80xi32, #tpu.memory_space<vmem>> -> memref<80xi32, #tpu.memory_space<vmem>>
      %dma_wait3A_385 = arith.constant 0 : i32
      %dma_wait3A_386 = arith.constant 0 : i32
      %dma_wait3A_387 = tpu.memref_slice %arg14[%dma_wait3A_385, %dma_wait3A_386] : memref<10240x64xf32, #tpu.memory_space<vmem_shared>> -> memref<10240x64xf32, #tpu.memory_space<vmem_shared>>
      tpu.wait_indirect_dma semaphore(%arg21 : memref<!tpu.dma_semaphore, #tpu.memory_space<semaphore_mem>>) src(%arg8 : memref<80x64xf32, #tpu.memory_space<vmem>>) dst(%dma_wait3A_387 : memref<10240x64xf32, #tpu.memory_space<vmem_shared>>)
      %add3A_388 = arith.constant 3 : i32
      %add3A_389 = arith.addi %add3A_380, %add3A_388 : i32
      %dma_start3A_390 = arith.constant 0 : i32
      %dma_start3A_391 = tpu.memref_slice %arg6[%add3A_389, %dma_start3A_390] : memref<250x80xi32, #tpu.memory_space<vmem>> -> memref<1x80xi32, #tpu.memory_space<vmem>>
      %dma_start3A_392 = tpu.memref_squeeze %dma_start3A_391 : memref<1x80xi32, #tpu.memory_space<vmem>> -> memref<80xi32, #tpu.memory_space<vmem>>
      %dma_start3A_393 = arith.constant 0 : i32
      %dma_start3A_394 = arith.constant 0 : i32
      %dma_start3A_395 = tpu.memref_slice %arg2[%arg0, %dma_start3A_393, %dma_start3A_394] : memref<2x10000x64xf32, #tpu.memory_space<hbm>> -> memref<1x10000x64xf32, #tpu.memory_space<hbm>>
      %dma_start3A_396 = tpu.memref_squeeze %dma_start3A_395 : memref<1x10000x64xf32, #tpu.memory_space<hbm>> -> memref<10000x64xf32, #tpu.memory_space<hbm>>
      %dma_start3A_397 = arith.constant 0 : i32
      %dma_start3A_398 = arith.constant 0 : i32
      %dma_start3A_399 = tpu.memref_slice %dma_start3A_396[%dma_start3A_397, %dma_start3A_398] : memref<10000x64xf32, #tpu.memory_space<hbm>> -> memref<10000x64xf32, #tpu.memory_space<hbm>>
      tpu.enqueue_indirect_dma source(%dma_start3A_399 : memref<10000x64xf32, #tpu.memory_space<hbm>>) target(%arg8 : memref<80x64xf32, #tpu.memory_space<vmem>>) offsets(%dma_start3A_392 : memref<80xi32, #tpu.memory_space<vmem>>) semaphore(%arg15 : memref<!tpu.dma_semaphore, #tpu.memory_space<semaphore_mem>>)
      %dma_wait3A_400 = arith.constant 0 : i32
      %dma_wait3A_401 = arith.constant 0 : i32
      %dma_wait3A_402 = tpu.memref_slice %arg6[%dma_wait3A_400, %dma_wait3A_401] : memref<250x80xi32, #tpu.memory_space<vmem>> -> memref<1x80xi32, #tpu.memory_space<vmem>>
      %dma_wait3A_403 = tpu.memref_squeeze %dma_wait3A_402 : memref<1x80xi32, #tpu.memory_space<vmem>> -> memref<80xi32, #tpu.memory_space<vmem>>
      %dma_wait3A_404 = arith.constant 0 : i32
      %dma_wait3A_405 = arith.constant 0 : i32
      %dma_wait3A_406 = tpu.memref_slice %arg2[%arg0, %dma_wait3A_404, %dma_wait3A_405] : memref<2x10000x64xf32, #tpu.memory_space<hbm>> -> memref<1x10000x64xf32, #tpu.memory_space<hbm>>
      %dma_wait3A_407 = tpu.memref_squeeze %dma_wait3A_406 : memref<1x10000x64xf32, #tpu.memory_space<hbm>> -> memref<10000x64xf32, #tpu.memory_space<hbm>>
      %dma_wait3A_408 = arith.constant 0 : i32
      %dma_wait3A_409 = arith.constant 0 : i32
      %dma_wait3A_410 = tpu.memref_slice %dma_wait3A_407[%dma_wait3A_408, %dma_wait3A_409] : memref<10000x64xf32, #tpu.memory_space<hbm>> -> memref<10000x64xf32, #tpu.memory_space<hbm>>
      tpu.wait_indirect_dma semaphore(%arg18 : memref<!tpu.dma_semaphore, #tpu.memory_space<semaphore_mem>>) src(%dma_wait3A_410 : memref<10000x64xf32, #tpu.memory_space<hbm>>) dst(%arg11 : memref<80x64xf32, #tpu.memory_space<vmem>>)
      %dma_start3A_411 = arith.constant 0 : i32
      %dma_start3A_412 = tpu.memref_slice %arg7[%add3A_380, %dma_start3A_411] : memref<250x80xi32, #tpu.memory_space<vmem>> -> memref<1x80xi32, #tpu.memory_space<vmem>>
      %dma_start3A_413 = tpu.memref_squeeze %dma_start3A_412 : memref<1x80xi32, #tpu.memory_space<vmem>> -> memref<80xi32, #tpu.memory_space<vmem>>
      %dma_start3A_414 = arith.constant 0 : i32
      %dma_start3A_415 = arith.constant 0 : i32
      %dma_start3A_416 = tpu.memref_slice %arg14[%dma_start3A_414, %dma_start3A_415] : memref<10240x64xf32, #tpu.memory_space<vmem_shared>> -> memref<10240x64xf32, #tpu.memory_space<vmem_shared>>
      tpu.enqueue_indirect_dma source(%arg11 : memref<80x64xf32, #tpu.memory_space<vmem>>) target(%dma_start3A_416 : memref<10240x64xf32, #tpu.memory_space<vmem_shared>>) offsets(%dma_start3A_413 : memref<80xi32, #tpu.memory_space<vmem>>) semaphore(%arg24 : memref<!tpu.dma_semaphore, #tpu.memory_space<semaphore_mem>>) {add = true}
      %add3A_417 = arith.constant 1 : i32
      %add3A_418 = arith.addi %add3A_378, %add3A_417 : i32
      %dma_wait3A_419 = arith.constant 0 : i32
      %dma_wait3A_420 = arith.constant 0 : i32
      %dma_wait3A_421 = tpu.memref_slice %arg7[%dma_wait3A_419, %dma_wait3A_420] : memref<250x80xi32, #tpu.memory_space<vmem>> -> memref<1x80xi32, #tpu.memory_space<vmem>>
      %dma_wait3A_422 = tpu.memref_squeeze %dma_wait3A_421 : memref<1x80xi32, #tpu.memory_space<vmem>> -> memref<80xi32, #tpu.memory_space<vmem>>
      %dma_wait3A_423 = arith.constant 0 : i32
      %dma_wait3A_424 = arith.constant 0 : i32
      %dma_wait3A_425 = tpu.memref_slice %arg14[%dma_wait3A_423, %dma_wait3A_424] : memref<10240x64xf32, #tpu.memory_space<vmem_shared>> -> memref<10240x64xf32, #tpu.memory_space<vmem_shared>>
      tpu.wait_indirect_dma semaphore(%arg22 : memref<!tpu.dma_semaphore, #tpu.memory_space<semaphore_mem>>) src(%arg9 : memref<80x64xf32, #tpu.memory_space<vmem>>) dst(%dma_wait3A_425 : memref<10240x64xf32, #tpu.memory_space<vmem_shared>>)
      %add3A_426 = arith.constant 3 : i32
      %add3A_427 = arith.addi %add3A_418, %add3A_426 : i32
      %dma_start3A_428 = arith.constant 0 : i32
      %dma_start3A_429 = tpu.memref_slice %arg6[%add3A_427, %dma_start3A_428] : memref<250x80xi32, #tpu.memory_space<vmem>> -> memref<1x80xi32, #tpu.memory_space<vmem>>
      %dma_start3A_430 = tpu.memref_squeeze %dma_start3A_429 : memref<1x80xi32, #tpu.memory_space<vmem>> -> memref<80xi32, #tpu.memory_space<vmem>>
      %dma_start3A_431 = arith.constant 0 : i32
      %dma_start3A_432 = arith.constant 0 : i32
      %dma_start3A_433 = tpu.memref_slice %arg2[%arg0, %dma_start3A_431, %dma_start3A_432] : memref<2x10000x64xf32, #tpu.memory_space<hbm>> -> memref<1x10000x64xf32, #tpu.memory_space<hbm>>
      %dma_start3A_434 = tpu.memref_squeeze %dma_start3A_433 : memref<1x10000x64xf32, #tpu.memory_space<hbm>> -> memref<10000x64xf32, #tpu.memory_space<hbm>>
      %dma_start3A_435 = arith.constant 0 : i32
      %dma_start3A_436 = arith.constant 0 : i32
      %dma_start3A_437 = tpu.memref_slice %dma_start3A_434[%dma_start3A_435, %dma_start3A_436] : memref<10000x64xf32, #tpu.memory_space<hbm>> -> memref<10000x64xf32, #tpu.memory_space<hbm>>
      tpu.enqueue_indirect_dma source(%dma_start3A_437 : memref<10000x64xf32, #tpu.memory_space<hbm>>) target(%arg9 : memref<80x64xf32, #tpu.memory_space<vmem>>) offsets(%dma_start3A_430 : memref<80xi32, #tpu.memory_space<vmem>>) semaphore(%arg16 : memref<!tpu.dma_semaphore, #tpu.memory_space<semaphore_mem>>)
      %dma_wait3A_438 = arith.constant 0 : i32
      %dma_wait3A_439 = arith.constant 0 : i32
      %dma_wait3A_440 = tpu.memref_slice %arg6[%dma_wait3A_438, %dma_wait3A_439] : memref<250x80xi32, #tpu.memory_space<vmem>> -> memref<1x80xi32, #tpu.memory_space<vmem>>
      %dma_wait3A_441 = tpu.memref_squeeze %dma_wait3A_440 : memref<1x80xi32, #tpu.memory_space<vmem>> -> memref<80xi32, #tpu.memory_space<vmem>>
      %dma_wait3A_442 = arith.constant 0 : i32
      %dma_wait3A_443 = arith.constant 0 : i32
      %dma_wait3A_444 = tpu.memref_slice %arg2[%arg0, %dma_wait3A_442, %dma_wait3A_443] : memref<2x10000x64xf32, #tpu.memory_space<hbm>> -> memref<1x10000x64xf32, #tpu.memory_space<hbm>>
      %dma_wait3A_445 = tpu.memref_squeeze %dma_wait3A_444 : memref<1x10000x64xf32, #tpu.memory_space<hbm>> -> memref<10000x64xf32, #tpu.memory_space<hbm>>
      %dma_wait3A_446 = arith.constant 0 : i32
      %dma_wait3A_447 = arith.constant 0 : i32
      %dma_wait3A_448 = tpu.memref_slice %dma_wait3A_445[%dma_wait3A_446, %dma_wait3A_447] : memref<10000x64xf32, #tpu.memory_space<hbm>> -> memref<10000x64xf32, #tpu.memory_space<hbm>>
      tpu.wait_indirect_dma semaphore(%arg19 : memref<!tpu.dma_semaphore, #tpu.memory_space<semaphore_mem>>) src(%dma_wait3A_448 : memref<10000x64xf32, #tpu.memory_space<hbm>>) dst(%arg12 : memref<80x64xf32, #tpu.memory_space<vmem>>)
      %dma_start3A_449 = arith.constant 0 : i32
      %dma_start3A_450 = tpu.memref_slice %arg7[%add3A_418, %dma_start3A_449] : memref<250x80xi32, #tpu.memory_space<vmem>> -> memref<1x80xi32, #tpu.memory_space<vmem>>
      %dma_start3A_451 = tpu.memref_squeeze %dma_start3A_450 : memref<1x80xi32, #tpu.memory_space<vmem>> -> memref<80xi32, #tpu.memory_space<vmem>>
      %dma_start3A_452 = arith.constant 0 : i32
      %dma_start3A_453 = arith.constant 0 : i32
      %dma_start3A_454 = tpu.memref_slice %arg14[%dma_start3A_452, %dma_start3A_453] : memref<10240x64xf32, #tpu.memory_space<vmem_shared>> -> memref<10240x64xf32, #tpu.memory_space<vmem_shared>>
      tpu.enqueue_indirect_dma source(%arg12 : memref<80x64xf32, #tpu.memory_space<vmem>>) target(%dma_start3A_454 : memref<10240x64xf32, #tpu.memory_space<vmem_shared>>) offsets(%dma_start3A_451 : memref<80xi32, #tpu.memory_space<vmem>>) semaphore(%arg25 : memref<!tpu.dma_semaphore, #tpu.memory_space<semaphore_mem>>) {add = true}
      %add3A_455 = arith.constant 2 : i32
      %add3A_456 = arith.addi %add3A_378, %add3A_455 : i32
      %dma_wait3A_457 = arith.constant 0 : i32
      %dma_wait3A_458 = arith.constant 0 : i32
      %dma_wait3A_459 = tpu.memref_slice %arg7[%dma_wait3A_457, %dma_wait3A_458] : memref<250x80xi32, #tpu.memory_space<vmem>> -> memref<1x80xi32, #tpu.memory_space<vmem>>
      %dma_wait3A_460 = tpu.memref_squeeze %dma_wait3A_459 : memref<1x80xi32, #tpu.memory_space<vmem>> -> memref<80xi32, #tpu.memory_space<vmem>>
      %dma_wait3A_461 = arith.constant 0 : i32
      %dma_wait3A_462 = arith.constant 0 : i32
      %dma_wait3A_463 = tpu.memref_slice %arg14[%dma_wait3A_461, %dma_wait3A_462] : memref<10240x64xf32, #tpu.memory_space<vmem_shared>> -> memref<10240x64xf32, #tpu.memory_space<vmem_shared>>
      tpu.wait_indirect_dma semaphore(%arg23 : memref<!tpu.dma_semaphore, #tpu.memory_space<semaphore_mem>>) src(%arg10 : memref<80x64xf32, #tpu.memory_space<vmem>>) dst(%dma_wait3A_463 : memref<10240x64xf32, #tpu.memory_space<vmem_shared>>)
      %add3A_464 = arith.constant 3 : i32
      %add3A_465 = arith.addi %add3A_456, %add3A_464 : i32
      %dma_start3A_466 = arith.constant 0 : i32
      %dma_start3A_467 = tpu.memref_slice %arg6[%add3A_465, %dma_start3A_466] : memref<250x80xi32, #tpu.memory_space<vmem>> -> memref<1x80xi32, #tpu.memory_space<vmem>>
      %dma_start3A_468 = tpu.memref_squeeze %dma_start3A_467 : memref<1x80xi32, #tpu.memory_space<vmem>> -> memref<80xi32, #tpu.memory_space<vmem>>
      %dma_start3A_469 = arith.constant 0 : i32
      %dma_start3A_470 = arith.constant 0 : i32
      %dma_start3A_471 = tpu.memref_slice %arg2[%arg0, %dma_start3A_469, %dma_start3A_470] : memref<2x10000x64xf32, #tpu.memory_space<hbm>> -> memref<1x10000x64xf32, #tpu.memory_space<hbm>>
      %dma_start3A_472 = tpu.memref_squeeze %dma_start3A_471 : memref<1x10000x64xf32, #tpu.memory_space<hbm>> -> memref<10000x64xf32, #tpu.memory_space<hbm>>
      %dma_start3A_473 = arith.constant 0 : i32
      %dma_start3A_474 = arith.constant 0 : i32
      %dma_start3A_475 = tpu.memref_slice %dma_start3A_472[%dma_start3A_473, %dma_start3A_474] : memref<10000x64xf32, #tpu.memory_space<hbm>> -> memref<10000x64xf32, #tpu.memory_space<hbm>>
      tpu.enqueue_indirect_dma source(%dma_start3A_475 : memref<10000x64xf32, #tpu.memory_space<hbm>>) target(%arg10 : memref<80x64xf32, #tpu.memory_space<vmem>>) offsets(%dma_start3A_468 : memref<80xi32, #tpu.memory_space<vmem>>) semaphore(%arg17 : memref<!tpu.dma_semaphore, #tpu.memory_space<semaphore_mem>>)
      %dma_wait3A_476 = arith.constant 0 : i32
      %dma_wait3A_477 = arith.constant 0 : i32
      %dma_wait3A_478 = tpu.memref_slice %arg6[%dma_wait3A_476, %dma_wait3A_477] : memref<250x80xi32, #tpu.memory_space<vmem>> -> memref<1x80xi32, #tpu.memory_space<vmem>>
      %dma_wait3A_479 = tpu.memref_squeeze %dma_wait3A_478 : memref<1x80xi32, #tpu.memory_space<vmem>> -> memref<80xi32, #tpu.memory_space<vmem>>
      %dma_wait3A_480 = arith.constant 0 : i32
      %dma_wait3A_481 = arith.constant 0 : i32
      %dma_wait3A_482 = tpu.memref_slice %arg2[%arg0, %dma_wait3A_480, %dma_wait3A_481] : memref<2x10000x64xf32, #tpu.memory_space<hbm>> -> memref<1x10000x64xf32, #tpu.memory_space<hbm>>
      %dma_wait3A_483 = tpu.memref_squeeze %dma_wait3A_482 : memref<1x10000x64xf32, #tpu.memory_space<hbm>> -> memref<10000x64xf32, #tpu.memory_space<hbm>>
      %dma_wait3A_484 = arith.constant 0 : i32
      %dma_wait3A_485 = arith.constant 0 : i32
      %dma_wait3A_486 = tpu.memref_slice %dma_wait3A_483[%dma_wait3A_484, %dma_wait3A_485] : memref<10000x64xf32, #tpu.memory_space<hbm>> -> memref<10000x64xf32, #tpu.memory_space<hbm>>
      tpu.wait_indirect_dma semaphore(%arg20 : memref<!tpu.dma_semaphore, #tpu.memory_space<semaphore_mem>>) src(%dma_wait3A_486 : memref<10000x64xf32, #tpu.memory_space<hbm>>) dst(%arg13 : memref<80x64xf32, #tpu.memory_space<vmem>>)
      %dma_start3A_487 = arith.constant 0 : i32
      %dma_start3A_488 = tpu.memref_slice %arg7[%add3A_456, %dma_start3A_487] : memref<250x80xi32, #tpu.memory_space<vmem>> -> memref<1x80xi32, #tpu.memory_space<vmem>>
      %dma_start3A_489 = tpu.memref_squeeze %dma_start3A_488 : memref<1x80xi32, #tpu.memory_space<vmem>> -> memref<80xi32, #tpu.memory_space<vmem>>
      %dma_start3A_490 = arith.constant 0 : i32
      %dma_start3A_491 = arith.constant 0 : i32
      %dma_start3A_492 = tpu.memref_slice %arg14[%dma_start3A_490, %dma_start3A_491] : memref<10240x64xf32, #tpu.memory_space<vmem_shared>> -> memref<10240x64xf32, #tpu.memory_space<vmem_shared>>
      tpu.enqueue_indirect_dma source(%arg13 : memref<80x64xf32, #tpu.memory_space<vmem>>) target(%dma_start3A_492 : memref<10240x64xf32, #tpu.memory_space<vmem_shared>>) offsets(%dma_start3A_489 : memref<80xi32, #tpu.memory_space<vmem>>) semaphore(%arg26 : memref<!tpu.dma_semaphore, #tpu.memory_space<semaphore_mem>>) {add = true}
      %add3A_493 = arith.constant 3 : i32
      %add3A_494 = arith.addi %add3A_378, %add3A_493 : i32
      %dma_wait3A_495 = arith.constant 0 : i32
      %dma_wait3A_496 = arith.constant 0 : i32
      %dma_wait3A_497 = tpu.memref_slice %arg7[%dma_wait3A_495, %dma_wait3A_496] : memref<250x80xi32, #tpu.memory_space<vmem>> -> memref<1x80xi32, #tpu.memory_space<vmem>>
      %dma_wait3A_498 = tpu.memref_squeeze %dma_wait3A_497 : memref<1x80xi32, #tpu.memory_space<vmem>> -> memref<80xi32, #tpu.memory_space<vmem>>
      %dma_wait3A_499 = arith.constant 0 : i32
      %dma_wait3A_500 = arith.constant 0 : i32
      %dma_wait3A_501 = tpu.memref_slice %arg14[%dma_wait3A_499, %dma_wait3A_500] : memref<10240x64xf32, #tpu.memory_space<vmem_shared>> -> memref<10240x64xf32, #tpu.memory_space<vmem_shared>>
      tpu.wait_indirect_dma semaphore(%arg24 : memref<!tpu.dma_semaphore, #tpu.memory_space<semaphore_mem>>) src(%arg11 : memref<80x64xf32, #tpu.memory_space<vmem>>) dst(%dma_wait3A_501 : memref<10240x64xf32, #tpu.memory_space<vmem_shared>>)
      %add3A_502 = arith.constant 3 : i32
      %add3A_503 = arith.addi %add3A_494, %add3A_502 : i32
      %dma_start3A_504 = arith.constant 0 : i32
      %dma_start3A_505 = tpu.memref_slice %arg6[%add3A_503, %dma_start3A_504] : memref<250x80xi32, #tpu.memory_space<vmem>> -> memref<1x80xi32, #tpu.memory_space<vmem>>
      %dma_start3A_506 = tpu.memref_squeeze %dma_start3A_505 : memref<1x80xi32, #tpu.memory_space<vmem>> -> memref<80xi32, #tpu.memory_space<vmem>>
      %dma_start3A_507 = arith.constant 0 : i32
      %dma_start3A_508 = arith.constant 0 : i32
      %dma_start3A_509 = tpu.memref_slice %arg2[%arg0, %dma_start3A_507, %dma_start3A_508] : memref<2x10000x64xf32, #tpu.memory_space<hbm>> -> memref<1x10000x64xf32, #tpu.memory_space<hbm>>
      %dma_start3A_510 = tpu.memref_squeeze %dma_start3A_509 : memref<1x10000x64xf32, #tpu.memory_space<hbm>> -> memref<10000x64xf32, #tpu.memory_space<hbm>>
      %dma_start3A_511 = arith.constant 0 : i32
      %dma_start3A_512 = arith.constant 0 : i32
      %dma_start3A_513 = tpu.memref_slice %dma_start3A_510[%dma_start3A_511, %dma_start3A_512] : memref<10000x64xf32, #tpu.memory_space<hbm>> -> memref<10000x64xf32, #tpu.memory_space<hbm>>
      tpu.enqueue_indirect_dma source(%dma_start3A_513 : memref<10000x64xf32, #tpu.memory_space<hbm>>) target(%arg11 : memref<80x64xf32, #tpu.memory_space<vmem>>) offsets(%dma_start3A_506 : memref<80xi32, #tpu.memory_space<vmem>>) semaphore(%arg18 : memref<!tpu.dma_semaphore, #tpu.memory_space<semaphore_mem>>)
      %dma_wait3A_514 = arith.constant 0 : i32
      %dma_wait3A_515 = arith.constant 0 : i32
      %dma_wait3A_516 = tpu.memref_slice %arg6[%dma_wait3A_514, %dma_wait3A_515] : memref<250x80xi32, #tpu.memory_space<vmem>> -> memref<1x80xi32, #tpu.memory_space<vmem>>
      %dma_wait3A_517 = tpu.memref_squeeze %dma_wait3A_516 : memref<1x80xi32, #tpu.memory_space<vmem>> -> memref<80xi32, #tpu.memory_space<vmem>>
      %dma_wait3A_518 = arith.constant 0 : i32
      %dma_wait3A_519 = arith.constant 0 : i32
      %dma_wait3A_520 = tpu.memref_slice %arg2[%arg0, %dma_wait3A_518, %dma_wait3A_519] : memref<2x10000x64xf32, #tpu.memory_space<hbm>> -> memref<1x10000x64xf32, #tpu.memory_space<hbm>>
      %dma_wait3A_521 = tpu.memref_squeeze %dma_wait3A_520 : memref<1x10000x64xf32, #tpu.memory_space<hbm>> -> memref<10000x64xf32, #tpu.memory_space<hbm>>
      %dma_wait3A_522 = arith.constant 0 : i32
      %dma_wait3A_523 = arith.constant 0 : i32
      %dma_wait3A_524 = tpu.memref_slice %dma_wait3A_521[%dma_wait3A_522, %dma_wait3A_523] : memref<10000x64xf32, #tpu.memory_space<hbm>> -> memref<10000x64xf32, #tpu.memory_space<hbm>>
      tpu.wait_indirect_dma semaphore(%arg15 : memref<!tpu.dma_semaphore, #tpu.memory_space<semaphore_mem>>) src(%dma_wait3A_524 : memref<10000x64xf32, #tpu.memory_space<hbm>>) dst(%arg8 : memref<80x64xf32, #tpu.memory_space<vmem>>)
      %dma_start3A_525 = arith.constant 0 : i32
      %dma_start3A_526 = tpu.memref_slice %arg7[%add3A_494, %dma_start3A_525] : memref<250x80xi32, #tpu.memory_space<vmem>> -> memref<1x80xi32, #tpu.memory_space<vmem>>
      %dma_start3A_527 = tpu.memref_squeeze %dma_start3A_526 : memref<1x80xi32, #tpu.memory_space<vmem>> -> memref<80xi32, #tpu.memory_space<vmem>>
      %dma_start3A_528 = arith.constant 0 : i32
      %dma_start3A_529 = arith.constant 0 : i32
      %dma_start3A_530 = tpu.memref_slice %arg14[%dma_start3A_528, %dma_start3A_529] : memref<10240x64xf32, #tpu.memory_space<vmem_shared>> -> memref<10240x64xf32, #tpu.memory_space<vmem_shared>>
      tpu.enqueue_indirect_dma source(%arg8 : memref<80x64xf32, #tpu.memory_space<vmem>>) target(%dma_start3A_530 : memref<10240x64xf32, #tpu.memory_space<vmem_shared>>) offsets(%dma_start3A_527 : memref<80xi32, #tpu.memory_space<vmem>>) semaphore(%arg21 : memref<!tpu.dma_semaphore, #tpu.memory_space<semaphore_mem>>) {add = true}
      %add3A_531 = arith.constant 4 : i32
      %add3A_532 = arith.addi %add3A_378, %add3A_531 : i32
      %dma_wait3A_533 = arith.constant 0 : i32
      %dma_wait3A_534 = arith.constant 0 : i32
      %dma_wait3A_535 = tpu.memref_slice %arg7[%dma_wait3A_533, %dma_wait3A_534] : memref<250x80xi32, #tpu.memory_space<vmem>> -> memref<1x80xi32, #tpu.memory_space<vmem>>
      %dma_wait3A_536 = tpu.memref_squeeze %dma_wait3A_535 : memref<1x80xi32, #tpu.memory_space<vmem>> -> memref<80xi32, #tpu.memory_space<vmem>>
      %dma_wait3A_537 = arith.constant 0 : i32
      %dma_wait3A_538 = arith.constant 0 : i32
      %dma_wait3A_539 = tpu.memref_slice %arg14[%dma_wait3A_537, %dma_wait3A_538] : memref<10240x64xf32, #tpu.memory_space<vmem_shared>> -> memref<10240x64xf32, #tpu.memory_space<vmem_shared>>
      tpu.wait_indirect_dma semaphore(%arg25 : memref<!tpu.dma_semaphore, #tpu.memory_space<semaphore_mem>>) src(%arg12 : memref<80x64xf32, #tpu.memory_space<vmem>>) dst(%dma_wait3A_539 : memref<10240x64xf32, #tpu.memory_space<vmem_shared>>)
      %add3A_540 = arith.constant 3 : i32
      %add3A_541 = arith.addi %add3A_532, %add3A_540 : i32
      %dma_start3A_542 = arith.constant 0 : i32
      %dma_start3A_543 = tpu.memref_slice %arg6[%add3A_541, %dma_start3A_542] : memref<250x80xi32, #tpu.memory_space<vmem>> -> memref<1x80xi32, #tpu.memory_space<vmem>>
      %dma_start3A_544 = tpu.memref_squeeze %dma_start3A_543 : memref<1x80xi32, #tpu.memory_space<vmem>> -> memref<80xi32, #tpu.memory_space<vmem>>
      %dma_start3A_545 = arith.constant 0 : i32
      %dma_start3A_546 = arith.constant 0 : i32
      %dma_start3A_547 = tpu.memref_slice %arg2[%arg0, %dma_start3A_545, %dma_start3A_546] : memref<2x10000x64xf32, #tpu.memory_space<hbm>> -> memref<1x10000x64xf32, #tpu.memory_space<hbm>>
      %dma_start3A_548 = tpu.memref_squeeze %dma_start3A_547 : memref<1x10000x64xf32, #tpu.memory_space<hbm>> -> memref<10000x64xf32, #tpu.memory_space<hbm>>
      %dma_start3A_549 = arith.constant 0 : i32
      %dma_start3A_550 = arith.constant 0 : i32
      %dma_start3A_551 = tpu.memref_slice %dma_start3A_548[%dma_start3A_549, %dma_start3A_550] : memref<10000x64xf32, #tpu.memory_space<hbm>> -> memref<10000x64xf32, #tpu.memory_space<hbm>>
      tpu.enqueue_indirect_dma source(%dma_start3A_551 : memref<10000x64xf32, #tpu.memory_space<hbm>>) target(%arg12 : memref<80x64xf32, #tpu.memory_space<vmem>>) offsets(%dma_start3A_544 : memref<80xi32, #tpu.memory_space<vmem>>) semaphore(%arg19 : memref<!tpu.dma_semaphore, #tpu.memory_space<semaphore_mem>>)
      %dma_wait3A_552 = arith.constant 0 : i32
      %dma_wait3A_553 = arith.constant 0 : i32
      %dma_wait3A_554 = tpu.memref_slice %arg6[%dma_wait3A_552, %dma_wait3A_553] : memref<250x80xi32, #tpu.memory_space<vmem>> -> memref<1x80xi32, #tpu.memory_space<vmem>>
      %dma_wait3A_555 = tpu.memref_squeeze %dma_wait3A_554 : memref<1x80xi32, #tpu.memory_space<vmem>> -> memref<80xi32, #tpu.memory_space<vmem>>
      %dma_wait3A_556 = arith.constant 0 : i32
      %dma_wait3A_557 = arith.constant 0 : i32
      %dma_wait3A_558 = tpu.memref_slice %arg2[%arg0, %dma_wait3A_556, %dma_wait3A_557] : memref<2x10000x64xf32, #tpu.memory_space<hbm>> -> memref<1x10000x64xf32, #tpu.memory_space<hbm>>
      %dma_wait3A_559 = tpu.memref_squeeze %dma_wait3A_558 : memref<1x10000x64xf32, #tpu.memory_space<hbm>> -> memref<10000x64xf32, #tpu.memory_space<hbm>>
      %dma_wait3A_560 = arith.constant 0 : i32
      %dma_wait3A_561 = arith.constant 0 : i32
      %dma_wait3A_562 = tpu.memref_slice %dma_wait3A_559[%dma_wait3A_560, %dma_wait3A_561] : memref<10000x64xf32, #tpu.memory_space<hbm>> -> memref<10000x64xf32, #tpu.memory_space<hbm>>
      tpu.wait_indirect_dma semaphore(%arg16 : memref<!tpu.dma_semaphore, #tpu.memory_space<semaphore_mem>>) src(%dma_wait3A_562 : memref<10000x64xf32, #tpu.memory_space<hbm>>) dst(%arg9 : memref<80x64xf32, #tpu.memory_space<vmem>>)
      %dma_start3A_563 = arith.constant 0 : i32
      %dma_start3A_564 = tpu.memref_slice %arg7[%add3A_532, %dma_start3A_563] : memref<250x80xi32, #tpu.memory_space<vmem>> -> memref<1x80xi32, #tpu.memory_space<vmem>>
      %dma_start3A_565 = tpu.memref_squeeze %dma_start3A_564 : memref<1x80xi32, #tpu.memory_space<vmem>> -> memref<80xi32, #tpu.memory_space<vmem>>
      %dma_start3A_566 = arith.constant 0 : i32
      %dma_start3A_567 = arith.constant 0 : i32
      %dma_start3A_568 = tpu.memref_slice %arg14[%dma_start3A_566, %dma_start3A_567] : memref<10240x64xf32, #tpu.memory_space<vmem_shared>> -> memref<10240x64xf32, #tpu.memory_space<vmem_shared>>
      tpu.enqueue_indirect_dma source(%arg9 : memref<80x64xf32, #tpu.memory_space<vmem>>) target(%dma_start3A_568 : memref<10240x64xf32, #tpu.memory_space<vmem_shared>>) offsets(%dma_start3A_565 : memref<80xi32, #tpu.memory_space<vmem>>) semaphore(%arg22 : memref<!tpu.dma_semaphore, #tpu.memory_space<semaphore_mem>>) {add = true}
      %add3A_569 = arith.constant 5 : i32
      %add3A_570 = arith.addi %add3A_378, %add3A_569 : i32
      %dma_wait3A_571 = arith.constant 0 : i32
      %dma_wait3A_572 = arith.constant 0 : i32
      %dma_wait3A_573 = tpu.memref_slice %arg7[%dma_wait3A_571, %dma_wait3A_572] : memref<250x80xi32, #tpu.memory_space<vmem>> -> memref<1x80xi32, #tpu.memory_space<vmem>>
      %dma_wait3A_574 = tpu.memref_squeeze %dma_wait3A_573 : memref<1x80xi32, #tpu.memory_space<vmem>> -> memref<80xi32, #tpu.memory_space<vmem>>
      %dma_wait3A_575 = arith.constant 0 : i32
      %dma_wait3A_576 = arith.constant 0 : i32
      %dma_wait3A_577 = tpu.memref_slice %arg14[%dma_wait3A_575, %dma_wait3A_576] : memref<10240x64xf32, #tpu.memory_space<vmem_shared>> -> memref<10240x64xf32, #tpu.memory_space<vmem_shared>>
      tpu.wait_indirect_dma semaphore(%arg26 : memref<!tpu.dma_semaphore, #tpu.memory_space<semaphore_mem>>) src(%arg13 : memref<80x64xf32, #tpu.memory_space<vmem>>) dst(%dma_wait3A_577 : memref<10240x64xf32, #tpu.memory_space<vmem_shared>>)
      %add3A_578 = arith.constant 3 : i32
      %add3A_579 = arith.addi %add3A_570, %add3A_578 : i32
      %dma_start3A_580 = arith.constant 0 : i32
      %dma_start3A_581 = tpu.memref_slice %arg6[%add3A_579, %dma_start3A_580] : memref<250x80xi32, #tpu.memory_space<vmem>> -> memref<1x80xi32, #tpu.memory_space<vmem>>
      %dma_start3A_582 = tpu.memref_squeeze %dma_start3A_581 : memref<1x80xi32, #tpu.memory_space<vmem>> -> memref<80xi32, #tpu.memory_space<vmem>>
      %dma_start3A_583 = arith.constant 0 : i32
      %dma_start3A_584 = arith.constant 0 : i32
      %dma_start3A_585 = tpu.memref_slice %arg2[%arg0, %dma_start3A_583, %dma_start3A_584] : memref<2x10000x64xf32, #tpu.memory_space<hbm>> -> memref<1x10000x64xf32, #tpu.memory_space<hbm>>
      %dma_start3A_586 = tpu.memref_squeeze %dma_start3A_585 : memref<1x10000x64xf32, #tpu.memory_space<hbm>> -> memref<10000x64xf32, #tpu.memory_space<hbm>>
      %dma_start3A_587 = arith.constant 0 : i32
      %dma_start3A_588 = arith.constant 0 : i32
      %dma_start3A_589 = tpu.memref_slice %dma_start3A_586[%dma_start3A_587, %dma_start3A_588] : memref<10000x64xf32, #tpu.memory_space<hbm>> -> memref<10000x64xf32, #tpu.memory_space<hbm>>
      tpu.enqueue_indirect_dma source(%dma_start3A_589 : memref<10000x64xf32, #tpu.memory_space<hbm>>) target(%arg13 : memref<80x64xf32, #tpu.memory_space<vmem>>) offsets(%dma_start3A_582 : memref<80xi32, #tpu.memory_space<vmem>>) semaphore(%arg20 : memref<!tpu.dma_semaphore, #tpu.memory_space<semaphore_mem>>)
      %dma_wait3A_590 = arith.constant 0 : i32
      %dma_wait3A_591 = arith.constant 0 : i32
      %dma_wait3A_592 = tpu.memref_slice %arg6[%dma_wait3A_590, %dma_wait3A_591] : memref<250x80xi32, #tpu.memory_space<vmem>> -> memref<1x80xi32, #tpu.memory_space<vmem>>
      %dma_wait3A_593 = tpu.memref_squeeze %dma_wait3A_592 : memref<1x80xi32, #tpu.memory_space<vmem>> -> memref<80xi32, #tpu.memory_space<vmem>>
      %dma_wait3A_594 = arith.constant 0 : i32
      %dma_wait3A_595 = arith.constant 0 : i32
      %dma_wait3A_596 = tpu.memref_slice %arg2[%arg0, %dma_wait3A_594, %dma_wait3A_595] : memref<2x10000x64xf32, #tpu.memory_space<hbm>> -> memref<1x10000x64xf32, #tpu.memory_space<hbm>>
      %dma_wait3A_597 = tpu.memref_squeeze %dma_wait3A_596 : memref<1x10000x64xf32, #tpu.memory_space<hbm>> -> memref<10000x64xf32, #tpu.memory_space<hbm>>
      %dma_wait3A_598 = arith.constant 0 : i32
      %dma_wait3A_599 = arith.constant 0 : i32
      %dma_wait3A_600 = tpu.memref_slice %dma_wait3A_597[%dma_wait3A_598, %dma_wait3A_599] : memref<10000x64xf32, #tpu.memory_space<hbm>> -> memref<10000x64xf32, #tpu.memory_space<hbm>>
      tpu.wait_indirect_dma semaphore(%arg17 : memref<!tpu.dma_semaphore, #tpu.memory_space<semaphore_mem>>) src(%dma_wait3A_600 : memref<10000x64xf32, #tpu.memory_space<hbm>>) dst(%arg10 : memref<80x64xf32, #tpu.memory_space<vmem>>)
      %dma_start3A_601 = arith.constant 0 : i32
      %dma_start3A_602 = tpu.memref_slice %arg7[%add3A_570, %dma_start3A_601] : memref<250x80xi32, #tpu.memory_space<vmem>> -> memref<1x80xi32, #tpu.memory_space<vmem>>
      %dma_start3A_603 = tpu.memref_squeeze %dma_start3A_602 : memref<1x80xi32, #tpu.memory_space<vmem>> -> memref<80xi32, #tpu.memory_space<vmem>>
      %dma_start3A_604 = arith.constant 0 : i32
      %dma_start3A_605 = arith.constant 0 : i32
      %dma_start3A_606 = tpu.memref_slice %arg14[%dma_start3A_604, %dma_start3A_605] : memref<10240x64xf32, #tpu.memory_space<vmem_shared>> -> memref<10240x64xf32, #tpu.memory_space<vmem_shared>>
      tpu.enqueue_indirect_dma source(%arg10 : memref<80x64xf32, #tpu.memory_space<vmem>>) target(%dma_start3A_606 : memref<10240x64xf32, #tpu.memory_space<vmem_shared>>) offsets(%dma_start3A_603 : memref<80xi32, #tpu.memory_space<vmem>>) semaphore(%arg23 : memref<!tpu.dma_semaphore, #tpu.memory_space<semaphore_mem>>) {add = true}
    }
    %scan3A_125 = arith.constant 40 : i32
    %dma_wait3A_126 = arith.constant 0 : i32
    %dma_wait3A_127 = arith.constant 0 : i32
    %dma_wait3A_128 = tpu.memref_slice %arg7[%dma_wait3A_126, %dma_wait3A_127] : memref<250x80xi32, #tpu.memory_space<vmem>> -> memref<1x80xi32, #tpu.memory_space<vmem>>
    %dma_wait3A_129 = tpu.memref_squeeze %dma_wait3A_128 : memref<1x80xi32, #tpu.memory_space<vmem>> -> memref<80xi32, #tpu.memory_space<vmem>>
    %dma_wait3A_130 = arith.constant 0 : i32
    %dma_wait3A_131 = arith.constant 0 : i32
    %dma_wait3A_132 = tpu.memref_slice %arg14[%dma_wait3A_130, %dma_wait3A_131] : memref<10240x64xf32, #tpu.memory_space<vmem_shared>> -> memref<10240x64xf32, #tpu.memory_space<vmem_shared>>
    tpu.wait_indirect_dma semaphore(%arg21 : memref<!tpu.dma_semaphore, #tpu.memory_space<semaphore_mem>>) src(%arg8 : memref<80x64xf32, #tpu.memory_space<vmem>>) dst(%dma_wait3A_132 : memref<10240x64xf32, #tpu.memory_space<vmem_shared>>)
    %dma_start3A_133 = arith.constant 246 : i32
    %dma_start3A_134 = arith.constant 0 : i32
    %dma_start3A_135 = tpu.memref_slice %arg6[%dma_start3A_133, %dma_start3A_134] : memref<250x80xi32, #tpu.memory_space<vmem>> -> memref<1x80xi32, #tpu.memory_space<vmem>>
    %dma_start3A_136 = tpu.memref_squeeze %dma_start3A_135 : memref<1x80xi32, #tpu.memory_space<vmem>> -> memref<80xi32, #tpu.memory_space<vmem>>
    %dma_start3A_137 = arith.constant 0 : i32
    %dma_start3A_138 = arith.constant 0 : i32
    %dma_start3A_139 = tpu.memref_slice %arg2[%arg0, %dma_start3A_137, %dma_start3A_138] : memref<2x10000x64xf32, #tpu.memory_space<hbm>> -> memref<1x10000x64xf32, #tpu.memory_space<hbm>>
    %dma_start3A_140 = tpu.memref_squeeze %dma_start3A_139 : memref<1x10000x64xf32, #tpu.memory_space<hbm>> -> memref<10000x64xf32, #tpu.memory_space<hbm>>
    %dma_start3A_141 = arith.constant 0 : i32
    %dma_start3A_142 = arith.constant 0 : i32
    %dma_start3A_143 = tpu.memref_slice %dma_start3A_140[%dma_start3A_141, %dma_start3A_142] : memref<10000x64xf32, #tpu.memory_space<hbm>> -> memref<10000x64xf32, #tpu.memory_space<hbm>>
    tpu.enqueue_indirect_dma source(%dma_start3A_143 : memref<10000x64xf32, #tpu.memory_space<hbm>>) target(%arg8 : memref<80x64xf32, #tpu.memory_space<vmem>>) offsets(%dma_start3A_136 : memref<80xi32, #tpu.memory_space<vmem>>) semaphore(%arg15 : memref<!tpu.dma_semaphore, #tpu.memory_space<semaphore_mem>>)
    %dma_wait3A_144 = arith.constant 0 : i32
    %dma_wait3A_145 = arith.constant 0 : i32
    %dma_wait3A_146 = tpu.memref_slice %arg6[%dma_wait3A_144, %dma_wait3A_145] : memref<250x80xi32, #tpu.memory_space<vmem>> -> memref<1x80xi32, #tpu.memory_space<vmem>>
    %dma_wait3A_147 = tpu.memref_squeeze %dma_wait3A_146 : memref<1x80xi32, #tpu.memory_space<vmem>> -> memref<80xi32, #tpu.memory_space<vmem>>
    %dma_wait3A_148 = arith.constant 0 : i32
    %dma_wait3A_149 = arith.constant 0 : i32
    %dma_wait3A_150 = tpu.memref_slice %arg2[%arg0, %dma_wait3A_148, %dma_wait3A_149] : memref<2x10000x64xf32, #tpu.memory_space<hbm>> -> memref<1x10000x64xf32, #tpu.memory_space<hbm>>
    %dma_wait3A_151 = tpu.memref_squeeze %dma_wait3A_150 : memref<1x10000x64xf32, #tpu.memory_space<hbm>> -> memref<10000x64xf32, #tpu.memory_space<hbm>>
    %dma_wait3A_152 = arith.constant 0 : i32
    %dma_wait3A_153 = arith.constant 0 : i32
    %dma_wait3A_154 = tpu.memref_slice %dma_wait3A_151[%dma_wait3A_152, %dma_wait3A_153] : memref<10000x64xf32, #tpu.memory_space<hbm>> -> memref<10000x64xf32, #tpu.memory_space<hbm>>
    tpu.wait_indirect_dma semaphore(%arg18 : memref<!tpu.dma_semaphore, #tpu.memory_space<semaphore_mem>>) src(%dma_wait3A_154 : memref<10000x64xf32, #tpu.memory_space<hbm>>) dst(%arg11 : memref<80x64xf32, #tpu.memory_space<vmem>>)
    %dma_start3A_155 = arith.constant 243 : i32
    %dma_start3A_156 = arith.constant 0 : i32
    %dma_start3A_157 = tpu.memref_slice %arg7[%dma_start3A_155, %dma_start3A_156] : memref<250x80xi32, #tpu.memory_space<vmem>> -> memref<1x80xi32, #tpu.memory_space<vmem>>
    %dma_start3A_158 = tpu.memref_squeeze %dma_start3A_157 : memref<1x80xi32, #tpu.memory_space<vmem>> -> memref<80xi32, #tpu.memory_space<vmem>>
    %dma_start3A_159 = arith.constant 0 : i32
    %dma_start3A_160 = arith.constant 0 : i32
    %dma_start3A_161 = tpu.memref_slice %arg14[%dma_start3A_159, %dma_start3A_160] : memref<10240x64xf32, #tpu.memory_space<vmem_shared>> -> memref<10240x64xf32, #tpu.memory_space<vmem_shared>>
    tpu.enqueue_indirect_dma source(%arg11 : memref<80x64xf32, #tpu.memory_space<vmem>>) target(%dma_start3A_161 : memref<10240x64xf32, #tpu.memory_space<vmem_shared>>) offsets(%dma_start3A_158 : memref<80xi32, #tpu.memory_space<vmem>>) semaphore(%arg24 : memref<!tpu.dma_semaphore, #tpu.memory_space<semaphore_mem>>) {add = true}
    %dma_wait3A_162 = arith.constant 0 : i32
    %dma_wait3A_163 = arith.constant 0 : i32
    %dma_wait3A_164 = tpu.memref_slice %arg7[%dma_wait3A_162, %dma_wait3A_163] : memref<250x80xi32, #tpu.memory_space<vmem>> -> memref<1x80xi32, #tpu.memory_space<vmem>>
    %dma_wait3A_165 = tpu.memref_squeeze %dma_wait3A_164 : memref<1x80xi32, #tpu.memory_space<vmem>> -> memref<80xi32, #tpu.memory_space<vmem>>
    %dma_wait3A_166 = arith.constant 0 : i32
    %dma_wait3A_167 = arith.constant 0 : i32
    %dma_wait3A_168 = tpu.memref_slice %arg14[%dma_wait3A_166, %dma_wait3A_167] : memref<10240x64xf32, #tpu.memory_space<vmem_shared>> -> memref<10240x64xf32, #tpu.memory_space<vmem_shared>>
    tpu.wait_indirect_dma semaphore(%arg22 : memref<!tpu.dma_semaphore, #tpu.memory_space<semaphore_mem>>) src(%arg9 : memref<80x64xf32, #tpu.memory_space<vmem>>) dst(%dma_wait3A_168 : memref<10240x64xf32, #tpu.memory_space<vmem_shared>>)
    %dma_start3A_169 = arith.constant 247 : i32
    %dma_start3A_170 = arith.constant 0 : i32
    %dma_start3A_171 = tpu.memref_slice %arg6[%dma_start3A_169, %dma_start3A_170] : memref<250x80xi32, #tpu.memory_space<vmem>> -> memref<1x80xi32, #tpu.memory_space<vmem>>
    %dma_start3A_172 = tpu.memref_squeeze %dma_start3A_171 : memref<1x80xi32, #tpu.memory_space<vmem>> -> memref<80xi32, #tpu.memory_space<vmem>>
    %dma_start3A_173 = arith.constant 0 : i32
    %dma_start3A_174 = arith.constant 0 : i32
    %dma_start3A_175 = tpu.memref_slice %arg2[%arg0, %dma_start3A_173, %dma_start3A_174] : memref<2x10000x64xf32, #tpu.memory_space<hbm>> -> memref<1x10000x64xf32, #tpu.memory_space<hbm>>
    %dma_start3A_176 = tpu.memref_squeeze %dma_start3A_175 : memref<1x10000x64xf32, #tpu.memory_space<hbm>> -> memref<10000x64xf32, #tpu.memory_space<hbm>>
    %dma_start3A_177 = arith.constant 0 : i32
    %dma_start3A_178 = arith.constant 0 : i32
    %dma_start3A_179 = tpu.memref_slice %dma_start3A_176[%dma_start3A_177, %dma_start3A_178] : memref<10000x64xf32, #tpu.memory_space<hbm>> -> memref<10000x64xf32, #tpu.memory_space<hbm>>
    tpu.enqueue_indirect_dma source(%dma_start3A_179 : memref<10000x64xf32, #tpu.memory_space<hbm>>) target(%arg9 : memref<80x64xf32, #tpu.memory_space<vmem>>) offsets(%dma_start3A_172 : memref<80xi32, #tpu.memory_space<vmem>>) semaphore(%arg16 : memref<!tpu.dma_semaphore, #tpu.memory_space<semaphore_mem>>)
    %dma_wait3A_180 = arith.constant 0 : i32
    %dma_wait3A_181 = arith.constant 0 : i32
    %dma_wait3A_182 = tpu.memref_slice %arg6[%dma_wait3A_180, %dma_wait3A_181] : memref<250x80xi32, #tpu.memory_space<vmem>> -> memref<1x80xi32, #tpu.memory_space<vmem>>
    %dma_wait3A_183 = tpu.memref_squeeze %dma_wait3A_182 : memref<1x80xi32, #tpu.memory_space<vmem>> -> memref<80xi32, #tpu.memory_space<vmem>>
    %dma_wait3A_184 = arith.constant 0 : i32
    %dma_wait3A_185 = arith.constant 0 : i32
    %dma_wait3A_186 = tpu.memref_slice %arg2[%arg0, %dma_wait3A_184, %dma_wait3A_185] : memref<2x10000x64xf32, #tpu.memory_space<hbm>> -> memref<1x10000x64xf32, #tpu.memory_space<hbm>>
    %dma_wait3A_187 = tpu.memref_squeeze %dma_wait3A_186 : memref<1x10000x64xf32, #tpu.memory_space<hbm>> -> memref<10000x64xf32, #tpu.memory_space<hbm>>
    %dma_wait3A_188 = arith.constant 0 : i32
    %dma_wait3A_189 = arith.constant 0 : i32
    %dma_wait3A_190 = tpu.memref_slice %dma_wait3A_187[%dma_wait3A_188, %dma_wait3A_189] : memref<10000x64xf32, #tpu.memory_space<hbm>> -> memref<10000x64xf32, #tpu.memory_space<hbm>>
    tpu.wait_indirect_dma semaphore(%arg19 : memref<!tpu.dma_semaphore, #tpu.memory_space<semaphore_mem>>) src(%dma_wait3A_190 : memref<10000x64xf32, #tpu.memory_space<hbm>>) dst(%arg12 : memref<80x64xf32, #tpu.memory_space<vmem>>)
    %dma_start3A_191 = arith.constant 244 : i32
    %dma_start3A_192 = arith.constant 0 : i32
    %dma_start3A_193 = tpu.memref_slice %arg7[%dma_start3A_191, %dma_start3A_192] : memref<250x80xi32, #tpu.memory_space<vmem>> -> memref<1x80xi32, #tpu.memory_space<vmem>>
    %dma_start3A_194 = tpu.memref_squeeze %dma_start3A_193 : memref<1x80xi32, #tpu.memory_space<vmem>> -> memref<80xi32, #tpu.memory_space<vmem>>
    %dma_start3A_195 = arith.constant 0 : i32
    %dma_start3A_196 = arith.constant 0 : i32
    %dma_start3A_197 = tpu.memref_slice %arg14[%dma_start3A_195, %dma_start3A_196] : memref<10240x64xf32, #tpu.memory_space<vmem_shared>> -> memref<10240x64xf32, #tpu.memory_space<vmem_shared>>
    tpu.enqueue_indirect_dma source(%arg12 : memref<80x64xf32, #tpu.memory_space<vmem>>) target(%dma_start3A_197 : memref<10240x64xf32, #tpu.memory_space<vmem_shared>>) offsets(%dma_start3A_194 : memref<80xi32, #tpu.memory_space<vmem>>) semaphore(%arg25 : memref<!tpu.dma_semaphore, #tpu.memory_space<semaphore_mem>>) {add = true}
    %dma_wait3A_198 = arith.constant 0 : i32
    %dma_wait3A_199 = arith.constant 0 : i32
    %dma_wait3A_200 = tpu.memref_slice %arg7[%dma_wait3A_198, %dma_wait3A_199] : memref<250x80xi32, #tpu.memory_space<vmem>> -> memref<1x80xi32, #tpu.memory_space<vmem>>
    %dma_wait3A_201 = tpu.memref_squeeze %dma_wait3A_200 : memref<1x80xi32, #tpu.memory_space<vmem>> -> memref<80xi32, #tpu.memory_space<vmem>>
    %dma_wait3A_202 = arith.constant 0 : i32
    %dma_wait3A_203 = arith.constant 0 : i32
    %dma_wait3A_204 = tpu.memref_slice %arg14[%dma_wait3A_202, %dma_wait3A_203] : memref<10240x64xf32, #tpu.memory_space<vmem_shared>> -> memref<10240x64xf32, #tpu.memory_space<vmem_shared>>
    tpu.wait_indirect_dma semaphore(%arg23 : memref<!tpu.dma_semaphore, #tpu.memory_space<semaphore_mem>>) src(%arg10 : memref<80x64xf32, #tpu.memory_space<vmem>>) dst(%dma_wait3A_204 : memref<10240x64xf32, #tpu.memory_space<vmem_shared>>)
    %dma_start3A_205 = arith.constant 248 : i32
    %dma_start3A_206 = arith.constant 0 : i32
    %dma_start3A_207 = tpu.memref_slice %arg6[%dma_start3A_205, %dma_start3A_206] : memref<250x80xi32, #tpu.memory_space<vmem>> -> memref<1x80xi32, #tpu.memory_space<vmem>>
    %dma_start3A_208 = tpu.memref_squeeze %dma_start3A_207 : memref<1x80xi32, #tpu.memory_space<vmem>> -> memref<80xi32, #tpu.memory_space<vmem>>
    %dma_start3A_209 = arith.constant 0 : i32
    %dma_start3A_210 = arith.constant 0 : i32
    %dma_start3A_211 = tpu.memref_slice %arg2[%arg0, %dma_start3A_209, %dma_start3A_210] : memref<2x10000x64xf32, #tpu.memory_space<hbm>> -> memref<1x10000x64xf32, #tpu.memory_space<hbm>>
    %dma_start3A_212 = tpu.memref_squeeze %dma_start3A_211 : memref<1x10000x64xf32, #tpu.memory_space<hbm>> -> memref<10000x64xf32, #tpu.memory_space<hbm>>
    %dma_start3A_213 = arith.constant 0 : i32
    %dma_start3A_214 = arith.constant 0 : i32
    %dma_start3A_215 = tpu.memref_slice %dma_start3A_212[%dma_start3A_213, %dma_start3A_214] : memref<10000x64xf32, #tpu.memory_space<hbm>> -> memref<10000x64xf32, #tpu.memory_space<hbm>>
    tpu.enqueue_indirect_dma source(%dma_start3A_215 : memref<10000x64xf32, #tpu.memory_space<hbm>>) target(%arg10 : memref<80x64xf32, #tpu.memory_space<vmem>>) offsets(%dma_start3A_208 : memref<80xi32, #tpu.memory_space<vmem>>) semaphore(%arg17 : memref<!tpu.dma_semaphore, #tpu.memory_space<semaphore_mem>>)
    %dma_wait3A_216 = arith.constant 0 : i32
    %dma_wait3A_217 = arith.constant 0 : i32
    %dma_wait3A_218 = tpu.memref_slice %arg6[%dma_wait3A_216, %dma_wait3A_217] : memref<250x80xi32, #tpu.memory_space<vmem>> -> memref<1x80xi32, #tpu.memory_space<vmem>>
    %dma_wait3A_219 = tpu.memref_squeeze %dma_wait3A_218 : memref<1x80xi32, #tpu.memory_space<vmem>> -> memref<80xi32, #tpu.memory_space<vmem>>
    %dma_wait3A_220 = arith.constant 0 : i32
    %dma_wait3A_221 = arith.constant 0 : i32
    %dma_wait3A_222 = tpu.memref_slice %arg2[%arg0, %dma_wait3A_220, %dma_wait3A_221] : memref<2x10000x64xf32, #tpu.memory_space<hbm>> -> memref<1x10000x64xf32, #tpu.memory_space<hbm>>
    %dma_wait3A_223 = tpu.memref_squeeze %dma_wait3A_222 : memref<1x10000x64xf32, #tpu.memory_space<hbm>> -> memref<10000x64xf32, #tpu.memory_space<hbm>>
    %dma_wait3A_224 = arith.constant 0 : i32
    %dma_wait3A_225 = arith.constant 0 : i32
    %dma_wait3A_226 = tpu.memref_slice %dma_wait3A_223[%dma_wait3A_224, %dma_wait3A_225] : memref<10000x64xf32, #tpu.memory_space<hbm>> -> memref<10000x64xf32, #tpu.memory_space<hbm>>
    tpu.wait_indirect_dma semaphore(%arg20 : memref<!tpu.dma_semaphore, #tpu.memory_space<semaphore_mem>>) src(%dma_wait3A_226 : memref<10000x64xf32, #tpu.memory_space<hbm>>) dst(%arg13 : memref<80x64xf32, #tpu.memory_space<vmem>>)
    %dma_start3A_227 = arith.constant 245 : i32
    %dma_start3A_228 = arith.constant 0 : i32
    %dma_start3A_229 = tpu.memref_slice %arg7[%dma_start3A_227, %dma_start3A_228] : memref<250x80xi32, #tpu.memory_space<vmem>> -> memref<1x80xi32, #tpu.memory_space<vmem>>
    %dma_start3A_230 = tpu.memref_squeeze %dma_start3A_229 : memref<1x80xi32, #tpu.memory_space<vmem>> -> memref<80xi32, #tpu.memory_space<vmem>>
    %dma_start3A_231 = arith.constant 0 : i32
    %dma_start3A_232 = arith.constant 0 : i32
    %dma_start3A_233 = tpu.memref_slice %arg14[%dma_start3A_231, %dma_start3A_232] : memref<10240x64xf32, #tpu.memory_space<vmem_shared>> -> memref<10240x64xf32, #tpu.memory_space<vmem_shared>>
    tpu.enqueue_indirect_dma source(%arg13 : memref<80x64xf32, #tpu.memory_space<vmem>>) target(%dma_start3A_233 : memref<10240x64xf32, #tpu.memory_space<vmem_shared>>) offsets(%dma_start3A_230 : memref<80xi32, #tpu.memory_space<vmem>>) semaphore(%arg26 : memref<!tpu.dma_semaphore, #tpu.memory_space<semaphore_mem>>) {add = true}
    %dma_wait3A_234 = arith.constant 0 : i32
    %dma_wait3A_235 = arith.constant 0 : i32
    %dma_wait3A_236 = tpu.memref_slice %arg7[%dma_wait3A_234, %dma_wait3A_235] : memref<250x80xi32, #tpu.memory_space<vmem>> -> memref<1x80xi32, #tpu.memory_space<vmem>>
    %dma_wait3A_237 = tpu.memref_squeeze %dma_wait3A_236 : memref<1x80xi32, #tpu.memory_space<vmem>> -> memref<80xi32, #tpu.memory_space<vmem>>
    %dma_wait3A_238 = arith.constant 0 : i32
    %dma_wait3A_239 = arith.constant 0 : i32
    %dma_wait3A_240 = tpu.memref_slice %arg14[%dma_wait3A_238, %dma_wait3A_239] : memref<10240x64xf32, #tpu.memory_space<vmem_shared>> -> memref<10240x64xf32, #tpu.memory_space<vmem_shared>>
    tpu.wait_indirect_dma semaphore(%arg24 : memref<!tpu.dma_semaphore, #tpu.memory_space<semaphore_mem>>) src(%arg11 : memref<80x64xf32, #tpu.memory_space<vmem>>) dst(%dma_wait3A_240 : memref<10240x64xf32, #tpu.memory_space<vmem_shared>>)
    %dma_start3A_241 = arith.constant 249 : i32
    %dma_start3A_242 = arith.constant 0 : i32
    %dma_start3A_243 = tpu.memref_slice %arg6[%dma_start3A_241, %dma_start3A_242] : memref<250x80xi32, #tpu.memory_space<vmem>> -> memref<1x80xi32, #tpu.memory_space<vmem>>
    %dma_start3A_244 = tpu.memref_squeeze %dma_start3A_243 : memref<1x80xi32, #tpu.memory_space<vmem>> -> memref<80xi32, #tpu.memory_space<vmem>>
    %dma_start3A_245 = arith.constant 0 : i32
    %dma_start3A_246 = arith.constant 0 : i32
    %dma_start3A_247 = tpu.memref_slice %arg2[%arg0, %dma_start3A_245, %dma_start3A_246] : memref<2x10000x64xf32, #tpu.memory_space<hbm>> -> memref<1x10000x64xf32, #tpu.memory_space<hbm>>
    %dma_start3A_248 = tpu.memref_squeeze %dma_start3A_247 : memref<1x10000x64xf32, #tpu.memory_space<hbm>> -> memref<10000x64xf32, #tpu.memory_space<hbm>>
    %dma_start3A_249 = arith.constant 0 : i32
    %dma_start3A_250 = arith.constant 0 : i32
    %dma_start3A_251 = tpu.memref_slice %dma_start3A_248[%dma_start3A_249, %dma_start3A_250] : memref<10000x64xf32, #tpu.memory_space<hbm>> -> memref<10000x64xf32, #tpu.memory_space<hbm>>
    tpu.enqueue_indirect_dma source(%dma_start3A_251 : memref<10000x64xf32, #tpu.memory_space<hbm>>) target(%arg11 : memref<80x64xf32, #tpu.memory_space<vmem>>) offsets(%dma_start3A_244 : memref<80xi32, #tpu.memory_space<vmem>>) semaphore(%arg18 : memref<!tpu.dma_semaphore, #tpu.memory_space<semaphore_mem>>)
    %dma_wait3A_252 = arith.constant 0 : i32
    %dma_wait3A_253 = arith.constant 0 : i32
    %dma_wait3A_254 = tpu.memref_slice %arg6[%dma_wait3A_252, %dma_wait3A_253] : memref<250x80xi32, #tpu.memory_space<vmem>> -> memref<1x80xi32, #tpu.memory_space<vmem>>
    %dma_wait3A_255 = tpu.memref_squeeze %dma_wait3A_254 : memref<1x80xi32, #tpu.memory_space<vmem>> -> memref<80xi32, #tpu.memory_space<vmem>>
    %dma_wait3A_256 = arith.constant 0 : i32
    %dma_wait3A_257 = arith.constant 0 : i32
    %dma_wait3A_258 = tpu.memref_slice %arg2[%arg0, %dma_wait3A_256, %dma_wait3A_257] : memref<2x10000x64xf32, #tpu.memory_space<hbm>> -> memref<1x10000x64xf32, #tpu.memory_space<hbm>>
    %dma_wait3A_259 = tpu.memref_squeeze %dma_wait3A_258 : memref<1x10000x64xf32, #tpu.memory_space<hbm>> -> memref<10000x64xf32, #tpu.memory_space<hbm>>
    %dma_wait3A_260 = arith.constant 0 : i32
    %dma_wait3A_261 = arith.constant 0 : i32
    %dma_wait3A_262 = tpu.memref_slice %dma_wait3A_259[%dma_wait3A_260, %dma_wait3A_261] : memref<10000x64xf32, #tpu.memory_space<hbm>> -> memref<10000x64xf32, #tpu.memory_space<hbm>>
    tpu.wait_indirect_dma semaphore(%arg15 : memref<!tpu.dma_semaphore, #tpu.memory_space<semaphore_mem>>) src(%dma_wait3A_262 : memref<10000x64xf32, #tpu.memory_space<hbm>>) dst(%arg8 : memref<80x64xf32, #tpu.memory_space<vmem>>)
    %dma_start3A_263 = arith.constant 246 : i32
    %dma_start3A_264 = arith.constant 0 : i32
    %dma_start3A_265 = tpu.memref_slice %arg7[%dma_start3A_263, %dma_start3A_264] : memref<250x80xi32, #tpu.memory_space<vmem>> -> memref<1x80xi32, #tpu.memory_space<vmem>>
    %dma_start3A_266 = tpu.memref_squeeze %dma_start3A_265 : memref<1x80xi32, #tpu.memory_space<vmem>> -> memref<80xi32, #tpu.memory_space<vmem>>
    %dma_start3A_267 = arith.constant 0 : i32
    %dma_start3A_268 = arith.constant 0 : i32
    %dma_start3A_269 = tpu.memref_slice %arg14[%dma_start3A_267, %dma_start3A_268] : memref<10240x64xf32, #tpu.memory_space<vmem_shared>> -> memref<10240x64xf32, #tpu.memory_space<vmem_shared>>
    tpu.enqueue_indirect_dma source(%arg8 : memref<80x64xf32, #tpu.memory_space<vmem>>) target(%dma_start3A_269 : memref<10240x64xf32, #tpu.memory_space<vmem_shared>>) offsets(%dma_start3A_266 : memref<80xi32, #tpu.memory_space<vmem>>) semaphore(%arg21 : memref<!tpu.dma_semaphore, #tpu.memory_space<semaphore_mem>>) {add = true}
    %dma_wait3A_270 = arith.constant 0 : i32
    %dma_wait3A_271 = arith.constant 0 : i32
    %dma_wait3A_272 = tpu.memref_slice %arg7[%dma_wait3A_270, %dma_wait3A_271] : memref<250x80xi32, #tpu.memory_space<vmem>> -> memref<1x80xi32, #tpu.memory_space<vmem>>
    %dma_wait3A_273 = tpu.memref_squeeze %dma_wait3A_272 : memref<1x80xi32, #tpu.memory_space<vmem>> -> memref<80xi32, #tpu.memory_space<vmem>>
    %dma_wait3A_274 = arith.constant 0 : i32
    %dma_wait3A_275 = arith.constant 0 : i32
    %dma_wait3A_276 = tpu.memref_slice %arg14[%dma_wait3A_274, %dma_wait3A_275] : memref<10240x64xf32, #tpu.memory_space<vmem_shared>> -> memref<10240x64xf32, #tpu.memory_space<vmem_shared>>
    tpu.wait_indirect_dma semaphore(%arg25 : memref<!tpu.dma_semaphore, #tpu.memory_space<semaphore_mem>>) src(%arg12 : memref<80x64xf32, #tpu.memory_space<vmem>>) dst(%dma_wait3A_276 : memref<10240x64xf32, #tpu.memory_space<vmem_shared>>)
    %dma_wait3A_277 = arith.constant 0 : i32
    %dma_wait3A_278 = arith.constant 0 : i32
    %dma_wait3A_279 = tpu.memref_slice %arg6[%dma_wait3A_277, %dma_wait3A_278] : memref<250x80xi32, #tpu.memory_space<vmem>> -> memref<1x80xi32, #tpu.memory_space<vmem>>
    %dma_wait3A_280 = tpu.memref_squeeze %dma_wait3A_279 : memref<1x80xi32, #tpu.memory_space<vmem>> -> memref<80xi32, #tpu.memory_space<vmem>>
    %dma_wait3A_281 = arith.constant 0 : i32
    %dma_wait3A_282 = arith.constant 0 : i32
    %dma_wait3A_283 = tpu.memref_slice %arg2[%arg0, %dma_wait3A_281, %dma_wait3A_282] : memref<2x10000x64xf32, #tpu.memory_space<hbm>> -> memref<1x10000x64xf32, #tpu.memory_space<hbm>>
    %dma_wait3A_284 = tpu.memref_squeeze %dma_wait3A_283 : memref<1x10000x64xf32, #tpu.memory_space<hbm>> -> memref<10000x64xf32, #tpu.memory_space<hbm>>
    %dma_wait3A_285 = arith.constant 0 : i32
    %dma_wait3A_286 = arith.constant 0 : i32
    %dma_wait3A_287 = tpu.memref_slice %dma_wait3A_284[%dma_wait3A_285, %dma_wait3A_286] : memref<10000x64xf32, #tpu.memory_space<hbm>> -> memref<10000x64xf32, #tpu.memory_space<hbm>>
    tpu.wait_indirect_dma semaphore(%arg16 : memref<!tpu.dma_semaphore, #tpu.memory_space<semaphore_mem>>) src(%dma_wait3A_287 : memref<10000x64xf32, #tpu.memory_space<hbm>>) dst(%arg9 : memref<80x64xf32, #tpu.memory_space<vmem>>)
    %dma_start3A_288 = arith.constant 247 : i32
    %dma_start3A_289 = arith.constant 0 : i32
    %dma_start3A_290 = tpu.memref_slice %arg7[%dma_start3A_288, %dma_start3A_289] : memref<250x80xi32, #tpu.memory_space<vmem>> -> memref<1x80xi32, #tpu.memory_space<vmem>>
    %dma_start3A_291 = tpu.memref_squeeze %dma_start3A_290 : memref<1x80xi32, #tpu.memory_space<vmem>> -> memref<80xi32, #tpu.memory_space<vmem>>
    %dma_start3A_292 = arith.constant 0 : i32
    %dma_start3A_293 = arith.constant 0 : i32
    %dma_start3A_294 = tpu.memref_slice %arg14[%dma_start3A_292, %dma_start3A_293] : memref<10240x64xf32, #tpu.memory_space<vmem_shared>> -> memref<10240x64xf32, #tpu.memory_space<vmem_shared>>
    tpu.enqueue_indirect_dma source(%arg9 : memref<80x64xf32, #tpu.memory_space<vmem>>) target(%dma_start3A_294 : memref<10240x64xf32, #tpu.memory_space<vmem_shared>>) offsets(%dma_start3A_291 : memref<80xi32, #tpu.memory_space<vmem>>) semaphore(%arg22 : memref<!tpu.dma_semaphore, #tpu.memory_space<semaphore_mem>>) {add = true}
    %dma_wait3A_295 = arith.constant 0 : i32
    %dma_wait3A_296 = arith.constant 0 : i32
    %dma_wait3A_297 = tpu.memref_slice %arg7[%dma_wait3A_295, %dma_wait3A_296] : memref<250x80xi32, #tpu.memory_space<vmem>> -> memref<1x80xi32, #tpu.memory_space<vmem>>
    %dma_wait3A_298 = tpu.memref_squeeze %dma_wait3A_297 : memref<1x80xi32, #tpu.memory_space<vmem>> -> memref<80xi32, #tpu.memory_space<vmem>>
    %dma_wait3A_299 = arith.constant 0 : i32
    %dma_wait3A_300 = arith.constant 0 : i32
    %dma_wait3A_301 = tpu.memref_slice %arg14[%dma_wait3A_299, %dma_wait3A_300] : memref<10240x64xf32, #tpu.memory_space<vmem_shared>> -> memref<10240x64xf32, #tpu.memory_space<vmem_shared>>
    tpu.wait_indirect_dma semaphore(%arg26 : memref<!tpu.dma_semaphore, #tpu.memory_space<semaphore_mem>>) src(%arg13 : memref<80x64xf32, #tpu.memory_space<vmem>>) dst(%dma_wait3A_301 : memref<10240x64xf32, #tpu.memory_space<vmem_shared>>)
    %dma_wait3A_302 = arith.constant 0 : i32
    %dma_wait3A_303 = arith.constant 0 : i32
    %dma_wait3A_304 = tpu.memref_slice %arg6[%dma_wait3A_302, %dma_wait3A_303] : memref<250x80xi32, #tpu.memory_space<vmem>> -> memref<1x80xi32, #tpu.memory_space<vmem>>
    %dma_wait3A_305 = tpu.memref_squeeze %dma_wait3A_304 : memref<1x80xi32, #tpu.memory_space<vmem>> -> memref<80xi32, #tpu.memory_space<vmem>>
    %dma_wait3A_306 = arith.constant 0 : i32
    %dma_wait3A_307 = arith.constant 0 : i32
    %dma_wait3A_308 = tpu.memref_slice %arg2[%arg0, %dma_wait3A_306, %dma_wait3A_307] : memref<2x10000x64xf32, #tpu.memory_space<hbm>> -> memref<1x10000x64xf32, #tpu.memory_space<hbm>>
    %dma_wait3A_309 = tpu.memref_squeeze %dma_wait3A_308 : memref<1x10000x64xf32, #tpu.memory_space<hbm>> -> memref<10000x64xf32, #tpu.memory_space<hbm>>
    %dma_wait3A_310 = arith.constant 0 : i32
    %dma_wait3A_311 = arith.constant 0 : i32
    %dma_wait3A_312 = tpu.memref_slice %dma_wait3A_309[%dma_wait3A_310, %dma_wait3A_311] : memref<10000x64xf32, #tpu.memory_space<hbm>> -> memref<10000x64xf32, #tpu.memory_space<hbm>>
    tpu.wait_indirect_dma semaphore(%arg17 : memref<!tpu.dma_semaphore, #tpu.memory_space<semaphore_mem>>) src(%dma_wait3A_312 : memref<10000x64xf32, #tpu.memory_space<hbm>>) dst(%arg10 : memref<80x64xf32, #tpu.memory_space<vmem>>)
    %dma_start3A_313 = arith.constant 248 : i32
    %dma_start3A_314 = arith.constant 0 : i32
    %dma_start3A_315 = tpu.memref_slice %arg7[%dma_start3A_313, %dma_start3A_314] : memref<250x80xi32, #tpu.memory_space<vmem>> -> memref<1x80xi32, #tpu.memory_space<vmem>>
    %dma_start3A_316 = tpu.memref_squeeze %dma_start3A_315 : memref<1x80xi32, #tpu.memory_space<vmem>> -> memref<80xi32, #tpu.memory_space<vmem>>
    %dma_start3A_317 = arith.constant 0 : i32
    %dma_start3A_318 = arith.constant 0 : i32
    %dma_start3A_319 = tpu.memref_slice %arg14[%dma_start3A_317, %dma_start3A_318] : memref<10240x64xf32, #tpu.memory_space<vmem_shared>> -> memref<10240x64xf32, #tpu.memory_space<vmem_shared>>
    tpu.enqueue_indirect_dma source(%arg10 : memref<80x64xf32, #tpu.memory_space<vmem>>) target(%dma_start3A_319 : memref<10240x64xf32, #tpu.memory_space<vmem_shared>>) offsets(%dma_start3A_316 : memref<80xi32, #tpu.memory_space<vmem>>) semaphore(%arg23 : memref<!tpu.dma_semaphore, #tpu.memory_space<semaphore_mem>>) {add = true}
    %dma_wait3A_320 = arith.constant 0 : i32
    %dma_wait3A_321 = arith.constant 0 : i32
    %dma_wait3A_322 = tpu.memref_slice %arg7[%dma_wait3A_320, %dma_wait3A_321] : memref<250x80xi32, #tpu.memory_space<vmem>> -> memref<1x80xi32, #tpu.memory_space<vmem>>
    %dma_wait3A_323 = tpu.memref_squeeze %dma_wait3A_322 : memref<1x80xi32, #tpu.memory_space<vmem>> -> memref<80xi32, #tpu.memory_space<vmem>>
    %dma_wait3A_324 = arith.constant 0 : i32
    %dma_wait3A_325 = arith.constant 0 : i32
    %dma_wait3A_326 = tpu.memref_slice %arg14[%dma_wait3A_324, %dma_wait3A_325] : memref<10240x64xf32, #tpu.memory_space<vmem_shared>> -> memref<10240x64xf32, #tpu.memory_space<vmem_shared>>
    tpu.wait_indirect_dma semaphore(%arg21 : memref<!tpu.dma_semaphore, #tpu.memory_space<semaphore_mem>>) src(%arg8 : memref<80x64xf32, #tpu.memory_space<vmem>>) dst(%dma_wait3A_326 : memref<10240x64xf32, #tpu.memory_space<vmem_shared>>)
    %dma_wait3A_327 = arith.constant 0 : i32
    %dma_wait3A_328 = arith.constant 0 : i32
    %dma_wait3A_329 = tpu.memref_slice %arg6[%dma_wait3A_327, %dma_wait3A_328] : memref<250x80xi32, #tpu.memory_space<vmem>> -> memref<1x80xi32, #tpu.memory_space<vmem>>
    %dma_wait3A_330 = tpu.memref_squeeze %dma_wait3A_329 : memref<1x80xi32, #tpu.memory_space<vmem>> -> memref<80xi32, #tpu.memory_space<vmem>>
    %dma_wait3A_331 = arith.constant 0 : i32
    %dma_wait3A_332 = arith.constant 0 : i32
    %dma_wait3A_333 = tpu.memref_slice %arg2[%arg0, %dma_wait3A_331, %dma_wait3A_332] : memref<2x10000x64xf32, #tpu.memory_space<hbm>> -> memref<1x10000x64xf32, #tpu.memory_space<hbm>>
    %dma_wait3A_334 = tpu.memref_squeeze %dma_wait3A_333 : memref<1x10000x64xf32, #tpu.memory_space<hbm>> -> memref<10000x64xf32, #tpu.memory_space<hbm>>
    %dma_wait3A_335 = arith.constant 0 : i32
    %dma_wait3A_336 = arith.constant 0 : i32
    %dma_wait3A_337 = tpu.memref_slice %dma_wait3A_334[%dma_wait3A_335, %dma_wait3A_336] : memref<10000x64xf32, #tpu.memory_space<hbm>> -> memref<10000x64xf32, #tpu.memory_space<hbm>>
    tpu.wait_indirect_dma semaphore(%arg18 : memref<!tpu.dma_semaphore, #tpu.memory_space<semaphore_mem>>) src(%dma_wait3A_337 : memref<10000x64xf32, #tpu.memory_space<hbm>>) dst(%arg11 : memref<80x64xf32, #tpu.memory_space<vmem>>)
    %dma_start3A_338 = arith.constant 249 : i32
    %dma_start3A_339 = arith.constant 0 : i32
    %dma_start3A_340 = tpu.memref_slice %arg7[%dma_start3A_338, %dma_start3A_339] : memref<250x80xi32, #tpu.memory_space<vmem>> -> memref<1x80xi32, #tpu.memory_space<vmem>>
    %dma_start3A_341 = tpu.memref_squeeze %dma_start3A_340 : memref<1x80xi32, #tpu.memory_space<vmem>> -> memref<80xi32, #tpu.memory_space<vmem>>
    %dma_start3A_342 = arith.constant 0 : i32
    %dma_start3A_343 = arith.constant 0 : i32
    %dma_start3A_344 = tpu.memref_slice %arg14[%dma_start3A_342, %dma_start3A_343] : memref<10240x64xf32, #tpu.memory_space<vmem_shared>> -> memref<10240x64xf32, #tpu.memory_space<vmem_shared>>
    tpu.enqueue_indirect_dma source(%arg11 : memref<80x64xf32, #tpu.memory_space<vmem>>) target(%dma_start3A_344 : memref<10240x64xf32, #tpu.memory_space<vmem_shared>>) offsets(%dma_start3A_341 : memref<80xi32, #tpu.memory_space<vmem>>) semaphore(%arg24 : memref<!tpu.dma_semaphore, #tpu.memory_space<semaphore_mem>>) {add = true}
    %dma_wait3A_345 = arith.constant 0 : i32
    %dma_wait3A_346 = arith.constant 0 : i32
    %dma_wait3A_347 = tpu.memref_slice %arg7[%dma_wait3A_345, %dma_wait3A_346] : memref<250x80xi32, #tpu.memory_space<vmem>> -> memref<1x80xi32, #tpu.memory_space<vmem>>
    %dma_wait3A_348 = tpu.memref_squeeze %dma_wait3A_347 : memref<1x80xi32, #tpu.memory_space<vmem>> -> memref<80xi32, #tpu.memory_space<vmem>>
    %dma_wait3A_349 = arith.constant 0 : i32
    %dma_wait3A_350 = arith.constant 0 : i32
    %dma_wait3A_351 = tpu.memref_slice %arg14[%dma_wait3A_349, %dma_wait3A_350] : memref<10240x64xf32, #tpu.memory_space<vmem_shared>> -> memref<10240x64xf32, #tpu.memory_space<vmem_shared>>
    tpu.wait_indirect_dma semaphore(%arg22 : memref<!tpu.dma_semaphore, #tpu.memory_space<semaphore_mem>>) src(%arg9 : memref<80x64xf32, #tpu.memory_space<vmem>>) dst(%dma_wait3A_351 : memref<10240x64xf32, #tpu.memory_space<vmem_shared>>)
    %dma_wait3A_352 = arith.constant 0 : i32
    %dma_wait3A_353 = arith.constant 0 : i32
    %dma_wait3A_354 = tpu.memref_slice %arg7[%dma_wait3A_352, %dma_wait3A_353] : memref<250x80xi32, #tpu.memory_space<vmem>> -> memref<1x80xi32, #tpu.memory_space<vmem>>
    %dma_wait3A_355 = tpu.memref_squeeze %dma_wait3A_354 : memref<1x80xi32, #tpu.memory_space<vmem>> -> memref<80xi32, #tpu.memory_space<vmem>>
    %dma_wait3A_356 = arith.constant 0 : i32
    %dma_wait3A_357 = arith.constant 0 : i32
    %dma_wait3A_358 = tpu.memref_slice %arg14[%dma_wait3A_356, %dma_wait3A_357] : memref<10240x64xf32, #tpu.memory_space<vmem_shared>> -> memref<10240x64xf32, #tpu.memory_space<vmem_shared>>
    tpu.wait_indirect_dma semaphore(%arg23 : memref<!tpu.dma_semaphore, #tpu.memory_space<semaphore_mem>>) src(%arg10 : memref<80x64xf32, #tpu.memory_space<vmem>>) dst(%dma_wait3A_358 : memref<10240x64xf32, #tpu.memory_space<vmem_shared>>)
    %dma_wait3A_359 = arith.constant 0 : i32
    %dma_wait3A_360 = arith.constant 0 : i32
    %dma_wait3A_361 = tpu.memref_slice %arg7[%dma_wait3A_359, %dma_wait3A_360] : memref<250x80xi32, #tpu.memory_space<vmem>> -> memref<1x80xi32, #tpu.memory_space<vmem>>
    %dma_wait3A_362 = tpu.memref_squeeze %dma_wait3A_361 : memref<1x80xi32, #tpu.memory_space<vmem>> -> memref<80xi32, #tpu.memory_space<vmem>>
    %dma_wait3A_363 = arith.constant 0 : i32
    %dma_wait3A_364 = arith.constant 0 : i32
    %dma_wait3A_365 = tpu.memref_slice %arg14[%dma_wait3A_363, %dma_wait3A_364] : memref<10240x64xf32, #tpu.memory_space<vmem_shared>> -> memref<10240x64xf32, #tpu.memory_space<vmem_shared>>
    tpu.wait_indirect_dma semaphore(%arg24 : memref<!tpu.dma_semaphore, #tpu.memory_space<semaphore_mem>>) src(%arg11 : memref<80x64xf32, #tpu.memory_space<vmem>>) dst(%dma_wait3A_365 : memref<10240x64xf32, #tpu.memory_space<vmem_shared>>)
    %barrier3A_366 = arith.constant 0 : index
    tpu.barrier barrier_id(%barrier3A_366)
    %mul3A_367 = arith.constant 640 : i32
    %mul3A_368 = arith.muli %arg1, %mul3A_367 : i32
    %mul3A_369 = arith.constant 640 : i32
    %mul3A_370 = arith.muli %arg1, %mul3A_369 : i32
    "tpu.region"() ({
      %run_scoped3A_371 = tpu.sem_alloc : memref<!tpu.dma_semaphore, #tpu.memory_space<semaphore_mem>>
      %dma_start3A_372 = arith.constant 0 : i32
      %dma_start3A_373 = tpu.memref_slice %arg5[%arg0, %mul3A_370, %dma_start3A_372] : memref<2x10240x64xf32, #tpu.memory_space<hbm>> -> memref<1x640x64xf32, #tpu.memory_space<hbm>>
      %dma_start3A_374 = tpu.memref_squeeze %dma_start3A_373 : memref<1x640x64xf32, #tpu.memory_space<hbm>> -> memref<640x64xf32, #tpu.memory_space<hbm>>
      %dma_start3A_375 = arith.constant 0 : i32
      %dma_start3A_376 = tpu.memref_slice %arg14[%mul3A_368, %dma_start3A_375] : memref<10240x64xf32, #tpu.memory_space<vmem_shared>> -> memref<640x64xf32, #tpu.memory_space<vmem_shared>>
      tpu.enqueue_dma source(%dma_start3A_376 : memref<640x64xf32, #tpu.memory_space<vmem_shared>>) target(%dma_start3A_374 : memref<640x64xf32, #tpu.memory_space<hbm>>) target_semaphore(%run_scoped3A_371 : memref<!tpu.dma_semaphore, #tpu.memory_space<semaphore_mem>>)
      %dma_wait3A_377 = arith.constant 0 : i32
      %dma_wait3A_378 = tpu.memref_slice %arg5[%arg0, %mul3A_370, %dma_wait3A_377] : memref<2x10240x64xf32, #tpu.memory_space<hbm>> -> memref<1x640x64xf32, #tpu.memory_space<hbm>>
      %dma_wait3A_379 = tpu.memref_squeeze %dma_wait3A_378 : memref<1x640x64xf32, #tpu.memory_space<hbm>> -> memref<640x64xf32, #tpu.memory_space<hbm>>
      %dma_wait3A_380 = arith.constant 0 : i32
      %dma_wait3A_381 = tpu.memref_slice %arg14[%mul3A_368, %dma_wait3A_380] : memref<10240x64xf32, #tpu.memory_space<vmem_shared>> -> memref<640x64xf32, #tpu.memory_space<vmem_shared>>
      tpu.wait_dma2 semaphore(%run_scoped3A_371 : memref<!tpu.dma_semaphore, #tpu.memory_space<semaphore_mem>>) src(%dma_wait3A_381 : memref<640x64xf32, #tpu.memory_space<vmem_shared>>) dst(%dma_wait3A_379 : memref<640x64xf32, #tpu.memory_space<hbm>>)
      tpu.yield
    }) : () -> ()
    return
  }
}

#map = affine_map<(d0, d1) -> (0, 0, 0)>
#map1 = affine_map<(d0, d1) -> (0, 0, 0, 0)>
#map2 = affine_map<(d0, d1) -> (0, 0)>
module attributes {stable_mosaic.version = 14 : i64} {
  func.func @body(%arg0: i32, %arg1: i32, %arg2: memref<2x10000x64xf32, #tpu.memory_space<hbm>>, %arg3: memref<2x16x250x80xi32, #tpu.memory_space<hbm>>, %arg4: memref<80x16xf32, #tpu.memory_space<hbm>>, %arg5: memref<10240x64xf32, #tpu.memory_space<hbm>>, %arg6: memref<10240x16xf32, #tpu.memory_space<hbm>>, %arg7: memref<2x10240x64xf32, #tpu.memory_space<hbm>>, %arg8: memref<2x10240x16xf32, #tpu.memory_space<hbm>>, %arg9: memref<250x80xi32, #tpu.memory_space<vmem>>, %arg10: memref<250x80xi32, #tpu.memory_space<vmem>>, %arg11: memref<80x64xf32, #tpu.memory_space<vmem>>, %arg12: memref<80x64xf32, #tpu.memory_space<vmem>>, %arg13: memref<80x64xf32, #tpu.memory_space<vmem>>, %arg14: memref<80x64xf32, #tpu.memory_space<vmem>>, %arg15: memref<80x64xf32, #tpu.memory_space<vmem>>, %arg16: memref<80x64xf32, #tpu.memory_space<vmem>>, %arg17: memref<10240x64xf32, #tpu.memory_space<vmem_shared>>, %arg18: memref<!tpu.dma_semaphore, #tpu.memory_space<semaphore_mem>>, %arg19: memref<!tpu.dma_semaphore, #tpu.memory_space<semaphore_mem>>, %arg20: memref<!tpu.dma_semaphore, #tpu.memory_space<semaphore_mem>>, %arg21: memref<!tpu.dma_semaphore, #tpu.memory_space<semaphore_mem>>, %arg22: memref<!tpu.dma_semaphore, #tpu.memory_space<semaphore_mem>>, %arg23: memref<!tpu.dma_semaphore, #tpu.memory_space<semaphore_mem>>, %arg24: memref<!tpu.dma_semaphore, #tpu.memory_space<semaphore_mem>>, %arg25: memref<!tpu.dma_semaphore, #tpu.memory_space<semaphore_mem>>, %arg26: memref<!tpu.dma_semaphore, #tpu.memory_space<semaphore_mem>>, %arg27: memref<!tpu.dma_semaphore, #tpu.memory_space<semaphore_mem>>, %arg28: memref<!tpu.dma_semaphore, #tpu.memory_space<semaphore_mem>>, %arg29: memref<!tpu.dma_semaphore, #tpu.memory_space<semaphore_mem>>, %arg30: memref<80x16xf32, #tpu.memory_space<vmem>>, %arg31: memref<10240x16xf32, #tpu.memory_space<vmem_shared>>, %arg32: memref<!tpu.dma_semaphore, #tpu.memory_space<semaphore_mem>>) attributes {dimension_semantics = [#tpu.dimension_semantics<core_parallel>, #tpu.dimension_semantics<subcore_parallel>], iteration_bounds = array<i64: 2, 16>, scalar_prefetch = 0 : i64, scratch_operands = 24 : i64, tpu.core_type = #tpu.core_type<sc_vector_subcore>, window_params = [{transform_indices = #map}, {transform_indices = #map1}, {transform_indices = #map2}, {transform_indices = #map2}, {transform_indices = #map2}, {transform_indices = #map}, {transform_indices = #map}]} {
    %mul3A = arith.constant 640 : i32
    %mul3A_0 = arith.muli %arg1, %mul3A : i32
    %mul3A_1 = arith.constant 640 : i32
    %mul3A_2 = arith.muli %arg1, %mul3A_1 : i32
    "tpu.region"() ({
      %run_scoped3A_391 = tpu.sem_alloc : memref<!tpu.dma_semaphore, #tpu.memory_space<semaphore_mem>>
      %dma_start3A_392 = arith.constant 0 : i32
      %dma_start3A_393 = tpu.memref_slice %arg17[%mul3A_2, %dma_start3A_392] : memref<10240x64xf32, #tpu.memory_space<vmem_shared>> -> memref<640x64xf32, #tpu.memory_space<vmem_shared>>
      %dma_start3A_394 = arith.constant 0 : i32
      %dma_start3A_395 = tpu.memref_slice %arg5[%mul3A_0, %dma_start3A_394] : memref<10240x64xf32, #tpu.memory_space<hbm>> -> memref<640x64xf32, #tpu.memory_space<hbm>>
      tpu.enqueue_dma source(%dma_start3A_395 : memref<640x64xf32, #tpu.memory_space<hbm>>) target(%dma_start3A_393 : memref<640x64xf32, #tpu.memory_space<vmem_shared>>) target_semaphore(%run_scoped3A_391 : memref<!tpu.dma_semaphore, #tpu.memory_space<semaphore_mem>>)
      %dma_wait3A_396 = arith.constant 0 : i32
      %dma_wait3A_397 = tpu.memref_slice %arg17[%mul3A_2, %dma_wait3A_396] : memref<10240x64xf32, #tpu.memory_space<vmem_shared>> -> memref<640x64xf32, #tpu.memory_space<vmem_shared>>
      %dma_wait3A_398 = arith.constant 0 : i32
      %dma_wait3A_399 = tpu.memref_slice %arg5[%mul3A_0, %dma_wait3A_398] : memref<10240x64xf32, #tpu.memory_space<hbm>> -> memref<640x64xf32, #tpu.memory_space<hbm>>
      tpu.wait_dma2 semaphore(%run_scoped3A_391 : memref<!tpu.dma_semaphore, #tpu.memory_space<semaphore_mem>>) src(%dma_wait3A_399 : memref<640x64xf32, #tpu.memory_space<hbm>>) dst(%dma_wait3A_397 : memref<640x64xf32, #tpu.memory_space<vmem_shared>>)
      tpu.yield
    }) : () -> ()
    %run_scoped3A = arith.constant 0 : i32
    "tpu.region"() ({
      %run_scoped3A_391 = tpu.sem_alloc : memref<!tpu.dma_semaphore, #tpu.memory_space<semaphore_mem>>
      %dma_start3A_392 = arith.constant 0 : i32
      %dma_start3A_393 = arith.constant 0 : i32
      %dma_start3A_394 = arith.constant 0 : i32
      %dma_start3A_395 = tpu.memref_slice %arg3[%run_scoped3A, %dma_start3A_392, %dma_start3A_393, %dma_start3A_394] : memref<2x16x250x80xi32, #tpu.memory_space<hbm>> -> memref<1x16x250x80xi32, #tpu.memory_space<hbm>>
      %dma_start3A_396 = tpu.memref_squeeze %dma_start3A_395 : memref<1x16x250x80xi32, #tpu.memory_space<hbm>> -> memref<16x250x80xi32, #tpu.memory_space<hbm>>
      %dma_start3A_397 = arith.constant 0 : i32
      %dma_start3A_398 = arith.constant 0 : i32
      %dma_start3A_399 = tpu.memref_slice %dma_start3A_396[%arg1, %dma_start3A_397, %dma_start3A_398] : memref<16x250x80xi32, #tpu.memory_space<hbm>> -> memref<1x250x80xi32, #tpu.memory_space<hbm>>
      %dma_start3A_400 = tpu.memref_squeeze %dma_start3A_399 : memref<1x250x80xi32, #tpu.memory_space<hbm>> -> memref<250x80xi32, #tpu.memory_space<hbm>>
      %dma_start3A_401 = arith.constant 0 : i32
      %dma_start3A_402 = arith.constant 0 : i32
      %dma_start3A_403 = arith.constant 0 : i32
      %dma_start3A_404 = tpu.memref_slice %arg3[%run_scoped3A, %dma_start3A_401, %dma_start3A_402, %dma_start3A_403] : memref<2x16x250x80xi32, #tpu.memory_space<hbm>> -> memref<1x16x250x80xi32, #tpu.memory_space<hbm>>
      %dma_start3A_405 = tpu.memref_squeeze %dma_start3A_404 : memref<1x16x250x80xi32, #tpu.memory_space<hbm>> -> memref<16x250x80xi32, #tpu.memory_space<hbm>>
      %dma_start3A_406 = arith.constant 0 : i32
      %dma_start3A_407 = arith.constant 0 : i32
      %dma_start3A_408 = tpu.memref_slice %dma_start3A_405[%arg1, %dma_start3A_406, %dma_start3A_407] : memref<16x250x80xi32, #tpu.memory_space<hbm>> -> memref<1x250x80xi32, #tpu.memory_space<hbm>>
      %dma_start3A_409 = tpu.memref_squeeze %dma_start3A_408 : memref<1x250x80xi32, #tpu.memory_space<hbm>> -> memref<250x80xi32, #tpu.memory_space<hbm>>
      tpu.enqueue_dma source(%dma_start3A_409 : memref<250x80xi32, #tpu.memory_space<hbm>>) target(%arg9 : memref<250x80xi32, #tpu.memory_space<vmem>>) target_semaphore(%run_scoped3A_391 : memref<!tpu.dma_semaphore, #tpu.memory_space<semaphore_mem>>)
      %dma_wait3A_410 = arith.constant 0 : i32
      %dma_wait3A_411 = arith.constant 0 : i32
      %dma_wait3A_412 = arith.constant 0 : i32
      %dma_wait3A_413 = tpu.memref_slice %arg3[%run_scoped3A, %dma_wait3A_410, %dma_wait3A_411, %dma_wait3A_412] : memref<2x16x250x80xi32, #tpu.memory_space<hbm>> -> memref<1x16x250x80xi32, #tpu.memory_space<hbm>>
      %dma_wait3A_414 = tpu.memref_squeeze %dma_wait3A_413 : memref<1x16x250x80xi32, #tpu.memory_space<hbm>> -> memref<16x250x80xi32, #tpu.memory_space<hbm>>
      %dma_wait3A_415 = arith.constant 0 : i32
      %dma_wait3A_416 = arith.constant 0 : i32
      %dma_wait3A_417 = tpu.memref_slice %dma_wait3A_414[%arg1, %dma_wait3A_415, %dma_wait3A_416] : memref<16x250x80xi32, #tpu.memory_space<hbm>> -> memref<1x250x80xi32, #tpu.memory_space<hbm>>
      %dma_wait3A_418 = tpu.memref_squeeze %dma_wait3A_417 : memref<1x250x80xi32, #tpu.memory_space<hbm>> -> memref<250x80xi32, #tpu.memory_space<hbm>>
      %dma_wait3A_419 = arith.constant 0 : i32
      %dma_wait3A_420 = arith.constant 0 : i32
      %dma_wait3A_421 = arith.constant 0 : i32
      %dma_wait3A_422 = tpu.memref_slice %arg3[%run_scoped3A, %dma_wait3A_419, %dma_wait3A_420, %dma_wait3A_421] : memref<2x16x250x80xi32, #tpu.memory_space<hbm>> -> memref<1x16x250x80xi32, #tpu.memory_space<hbm>>
      %dma_wait3A_423 = tpu.memref_squeeze %dma_wait3A_422 : memref<1x16x250x80xi32, #tpu.memory_space<hbm>> -> memref<16x250x80xi32, #tpu.memory_space<hbm>>
      %dma_wait3A_424 = arith.constant 0 : i32
      %dma_wait3A_425 = arith.constant 0 : i32
      %dma_wait3A_426 = tpu.memref_slice %dma_wait3A_423[%arg1, %dma_wait3A_424, %dma_wait3A_425] : memref<16x250x80xi32, #tpu.memory_space<hbm>> -> memref<1x250x80xi32, #tpu.memory_space<hbm>>
      %dma_wait3A_427 = tpu.memref_squeeze %dma_wait3A_426 : memref<1x250x80xi32, #tpu.memory_space<hbm>> -> memref<250x80xi32, #tpu.memory_space<hbm>>
      tpu.wait_dma2 semaphore(%run_scoped3A_391 : memref<!tpu.dma_semaphore, #tpu.memory_space<semaphore_mem>>) src(%dma_wait3A_427 : memref<250x80xi32, #tpu.memory_space<hbm>>) dst(%arg9 : memref<250x80xi32, #tpu.memory_space<vmem>>)
      tpu.yield
    }) : () -> ()
    %run_scoped3A_3 = arith.constant 1 : i32
    "tpu.region"() ({
      %run_scoped3A_391 = tpu.sem_alloc : memref<!tpu.dma_semaphore, #tpu.memory_space<semaphore_mem>>
      %dma_start3A_392 = arith.constant 0 : i32
      %dma_start3A_393 = arith.constant 0 : i32
      %dma_start3A_394 = arith.constant 0 : i32
      %dma_start3A_395 = tpu.memref_slice %arg3[%run_scoped3A_3, %dma_start3A_392, %dma_start3A_393, %dma_start3A_394] : memref<2x16x250x80xi32, #tpu.memory_space<hbm>> -> memref<1x16x250x80xi32, #tpu.memory_space<hbm>>
      %dma_start3A_396 = tpu.memref_squeeze %dma_start3A_395 : memref<1x16x250x80xi32, #tpu.memory_space<hbm>> -> memref<16x250x80xi32, #tpu.memory_space<hbm>>
      %dma_start3A_397 = arith.constant 0 : i32
      %dma_start3A_398 = arith.constant 0 : i32
      %dma_start3A_399 = tpu.memref_slice %dma_start3A_396[%arg1, %dma_start3A_397, %dma_start3A_398] : memref<16x250x80xi32, #tpu.memory_space<hbm>> -> memref<1x250x80xi32, #tpu.memory_space<hbm>>
      %dma_start3A_400 = tpu.memref_squeeze %dma_start3A_399 : memref<1x250x80xi32, #tpu.memory_space<hbm>> -> memref<250x80xi32, #tpu.memory_space<hbm>>
      %dma_start3A_401 = arith.constant 0 : i32
      %dma_start3A_402 = arith.constant 0 : i32
      %dma_start3A_403 = arith.constant 0 : i32
      %dma_start3A_404 = tpu.memref_slice %arg3[%run_scoped3A_3, %dma_start3A_401, %dma_start3A_402, %dma_start3A_403] : memref<2x16x250x80xi32, #tpu.memory_space<hbm>> -> memref<1x16x250x80xi32, #tpu.memory_space<hbm>>
      %dma_start3A_405 = tpu.memref_squeeze %dma_start3A_404 : memref<1x16x250x80xi32, #tpu.memory_space<hbm>> -> memref<16x250x80xi32, #tpu.memory_space<hbm>>
      %dma_start3A_406 = arith.constant 0 : i32
      %dma_start3A_407 = arith.constant 0 : i32
      %dma_start3A_408 = tpu.memref_slice %dma_start3A_405[%arg1, %dma_start3A_406, %dma_start3A_407] : memref<16x250x80xi32, #tpu.memory_space<hbm>> -> memref<1x250x80xi32, #tpu.memory_space<hbm>>
      %dma_start3A_409 = tpu.memref_squeeze %dma_start3A_408 : memref<1x250x80xi32, #tpu.memory_space<hbm>> -> memref<250x80xi32, #tpu.memory_space<hbm>>
      tpu.enqueue_dma source(%dma_start3A_409 : memref<250x80xi32, #tpu.memory_space<hbm>>) target(%arg10 : memref<250x80xi32, #tpu.memory_space<vmem>>) target_semaphore(%run_scoped3A_391 : memref<!tpu.dma_semaphore, #tpu.memory_space<semaphore_mem>>)
      %dma_wait3A_410 = arith.constant 0 : i32
      %dma_wait3A_411 = arith.constant 0 : i32
      %dma_wait3A_412 = arith.constant 0 : i32
      %dma_wait3A_413 = tpu.memref_slice %arg3[%run_scoped3A_3, %dma_wait3A_410, %dma_wait3A_411, %dma_wait3A_412] : memref<2x16x250x80xi32, #tpu.memory_space<hbm>> -> memref<1x16x250x80xi32, #tpu.memory_space<hbm>>
      %dma_wait3A_414 = tpu.memref_squeeze %dma_wait3A_413 : memref<1x16x250x80xi32, #tpu.memory_space<hbm>> -> memref<16x250x80xi32, #tpu.memory_space<hbm>>
      %dma_wait3A_415 = arith.constant 0 : i32
      %dma_wait3A_416 = arith.constant 0 : i32
      %dma_wait3A_417 = tpu.memref_slice %dma_wait3A_414[%arg1, %dma_wait3A_415, %dma_wait3A_416] : memref<16x250x80xi32, #tpu.memory_space<hbm>> -> memref<1x250x80xi32, #tpu.memory_space<hbm>>
      %dma_wait3A_418 = tpu.memref_squeeze %dma_wait3A_417 : memref<1x250x80xi32, #tpu.memory_space<hbm>> -> memref<250x80xi32, #tpu.memory_space<hbm>>
      %dma_wait3A_419 = arith.constant 0 : i32
      %dma_wait3A_420 = arith.constant 0 : i32
      %dma_wait3A_421 = arith.constant 0 : i32
      %dma_wait3A_422 = tpu.memref_slice %arg3[%run_scoped3A_3, %dma_wait3A_419, %dma_wait3A_420, %dma_wait3A_421] : memref<2x16x250x80xi32, #tpu.memory_space<hbm>> -> memref<1x16x250x80xi32, #tpu.memory_space<hbm>>
      %dma_wait3A_423 = tpu.memref_squeeze %dma_wait3A_422 : memref<1x16x250x80xi32, #tpu.memory_space<hbm>> -> memref<16x250x80xi32, #tpu.memory_space<hbm>>
      %dma_wait3A_424 = arith.constant 0 : i32
      %dma_wait3A_425 = arith.constant 0 : i32
      %dma_wait3A_426 = tpu.memref_slice %dma_wait3A_423[%arg1, %dma_wait3A_424, %dma_wait3A_425] : memref<16x250x80xi32, #tpu.memory_space<hbm>> -> memref<1x250x80xi32, #tpu.memory_space<hbm>>
      %dma_wait3A_427 = tpu.memref_squeeze %dma_wait3A_426 : memref<1x250x80xi32, #tpu.memory_space<hbm>> -> memref<250x80xi32, #tpu.memory_space<hbm>>
      tpu.wait_dma2 semaphore(%run_scoped3A_391 : memref<!tpu.dma_semaphore, #tpu.memory_space<semaphore_mem>>) src(%dma_wait3A_427 : memref<250x80xi32, #tpu.memory_space<hbm>>) dst(%arg10 : memref<250x80xi32, #tpu.memory_space<vmem>>)
      tpu.yield
    }) : () -> ()
    %mul3A_4 = arith.constant 640 : i32
    %mul3A_5 = arith.muli %arg1, %mul3A_4 : i32
    %mul3A_6 = arith.constant 640 : i32
    %mul3A_7 = arith.muli %arg1, %mul3A_6 : i32
    "tpu.region"() ({
      %run_scoped3A_391 = tpu.sem_alloc : memref<!tpu.dma_semaphore, #tpu.memory_space<semaphore_mem>>
      %dma_start3A_392 = arith.constant 0 : i32
      %dma_start3A_393 = tpu.memref_slice %arg31[%mul3A_7, %dma_start3A_392] : memref<10240x16xf32, #tpu.memory_space<vmem_shared>> -> memref<640x16xf32, #tpu.memory_space<vmem_shared>>
      %dma_start3A_394 = arith.constant 0 : i32
      %dma_start3A_395 = tpu.memref_slice %arg6[%mul3A_5, %dma_start3A_394] : memref<10240x16xf32, #tpu.memory_space<hbm>> -> memref<640x16xf32, #tpu.memory_space<hbm>>
      tpu.enqueue_dma source(%dma_start3A_395 : memref<640x16xf32, #tpu.memory_space<hbm>>) target(%dma_start3A_393 : memref<640x16xf32, #tpu.memory_space<vmem_shared>>) target_semaphore(%run_scoped3A_391 : memref<!tpu.dma_semaphore, #tpu.memory_space<semaphore_mem>>)
      %dma_wait3A_396 = arith.constant 0 : i32
      %dma_wait3A_397 = tpu.memref_slice %arg31[%mul3A_7, %dma_wait3A_396] : memref<10240x16xf32, #tpu.memory_space<vmem_shared>> -> memref<640x16xf32, #tpu.memory_space<vmem_shared>>
      %dma_wait3A_398 = arith.constant 0 : i32
      %dma_wait3A_399 = tpu.memref_slice %arg6[%mul3A_5, %dma_wait3A_398] : memref<10240x16xf32, #tpu.memory_space<hbm>> -> memref<640x16xf32, #tpu.memory_space<hbm>>
      tpu.wait_dma2 semaphore(%run_scoped3A_391 : memref<!tpu.dma_semaphore, #tpu.memory_space<semaphore_mem>>) src(%dma_wait3A_399 : memref<640x16xf32, #tpu.memory_space<hbm>>) dst(%dma_wait3A_397 : memref<640x16xf32, #tpu.memory_space<vmem_shared>>)
      tpu.yield
    }) : () -> ()
    "tpu.region"() ({
      %run_scoped3A_391 = tpu.sem_alloc : memref<!tpu.dma_semaphore, #tpu.memory_space<semaphore_mem>>
      tpu.enqueue_dma source(%arg4 : memref<80x16xf32, #tpu.memory_space<hbm>>) target(%arg30 : memref<80x16xf32, #tpu.memory_space<vmem>>) target_semaphore(%run_scoped3A_391 : memref<!tpu.dma_semaphore, #tpu.memory_space<semaphore_mem>>)
      tpu.wait_dma2 semaphore(%run_scoped3A_391 : memref<!tpu.dma_semaphore, #tpu.memory_space<semaphore_mem>>) src(%arg4 : memref<80x16xf32, #tpu.memory_space<hbm>>) dst(%arg30 : memref<80x16xf32, #tpu.memory_space<vmem>>)
      tpu.yield
    }) : () -> ()
    %barrier3A = arith.constant 0 : index
    tpu.barrier barrier_id(%barrier3A)
    %mul3A_8 = arith.constant 125 : i32
    %mul3A_9 = arith.muli %arg0, %mul3A_8 : i32
    %scan3A = arith.constant 0 : i32
    %scan3A_10 = arith.constant 125 : i32
    %scan3A_11 = arith.addi %scan3A, %scan3A_10 : i32
    %scan3A_12 = arith.constant 1 : i32
    scf.for %scan3A_391 = %scan3A to %scan3A_11 step %scan3A_12  : i32 {
      %mul3A_392 = arith.constant 1 : i32
      %mul3A_393 = arith.muli %scan3A_391, %mul3A_392 : i32
      %add3A = arith.constant 0 : i32
      %add3A_394 = arith.addi %add3A, %mul3A_393 : i32
      %add3A_395 = arith.addi %mul3A_9, %add3A_394 : i32
      %dma_start3A_396 = arith.constant 0 : i32
      %dma_start3A_397 = tpu.memref_slice %arg10[%add3A_395, %dma_start3A_396] : memref<250x80xi32, #tpu.memory_space<vmem>> -> memref<1x80xi32, #tpu.memory_space<vmem>>
      %dma_start3A_398 = tpu.memref_squeeze %dma_start3A_397 : memref<1x80xi32, #tpu.memory_space<vmem>> -> memref<80xi32, #tpu.memory_space<vmem>>
      %dma_start3A_399 = arith.constant 0 : i32
      %dma_start3A_400 = arith.constant 0 : i32
      %dma_start3A_401 = tpu.memref_slice %arg31[%dma_start3A_399, %dma_start3A_400] : memref<10240x16xf32, #tpu.memory_space<vmem_shared>> -> memref<10240x16xf32, #tpu.memory_space<vmem_shared>>
      tpu.enqueue_indirect_dma source(%arg30 : memref<80x16xf32, #tpu.memory_space<vmem>>) target(%dma_start3A_401 : memref<10240x16xf32, #tpu.memory_space<vmem_shared>>) offsets(%dma_start3A_398 : memref<80xi32, #tpu.memory_space<vmem>>) semaphore(%arg32 : memref<!tpu.dma_semaphore, #tpu.memory_space<semaphore_mem>>) {add = true}
    }
    %scan3A_13 = arith.constant 125 : i32
    %dma_start3A = arith.constant 0 : i32
    %dma_start3A_14 = arith.constant 0 : i32
    %dma_start3A_15 = tpu.memref_slice %arg9[%dma_start3A, %dma_start3A_14] : memref<250x80xi32, #tpu.memory_space<vmem>> -> memref<1x80xi32, #tpu.memory_space<vmem>>
    %dma_start3A_16 = tpu.memref_squeeze %dma_start3A_15 : memref<1x80xi32, #tpu.memory_space<vmem>> -> memref<80xi32, #tpu.memory_space<vmem>>
    %dma_start3A_17 = arith.constant 0 : i32
    %dma_start3A_18 = arith.constant 0 : i32
    %dma_start3A_19 = tpu.memref_slice %arg2[%arg0, %dma_start3A_17, %dma_start3A_18] : memref<2x10000x64xf32, #tpu.memory_space<hbm>> -> memref<1x10000x64xf32, #tpu.memory_space<hbm>>
    %dma_start3A_20 = tpu.memref_squeeze %dma_start3A_19 : memref<1x10000x64xf32, #tpu.memory_space<hbm>> -> memref<10000x64xf32, #tpu.memory_space<hbm>>
    %dma_start3A_21 = arith.constant 0 : i32
    %dma_start3A_22 = arith.constant 0 : i32
    %dma_start3A_23 = tpu.memref_slice %dma_start3A_20[%dma_start3A_21, %dma_start3A_22] : memref<10000x64xf32, #tpu.memory_space<hbm>> -> memref<10000x64xf32, #tpu.memory_space<hbm>>
    tpu.enqueue_indirect_dma source(%dma_start3A_23 : memref<10000x64xf32, #tpu.memory_space<hbm>>) target(%arg11 : memref<80x64xf32, #tpu.memory_space<vmem>>) offsets(%dma_start3A_16 : memref<80xi32, #tpu.memory_space<vmem>>) semaphore(%arg18 : memref<!tpu.dma_semaphore, #tpu.memory_space<semaphore_mem>>)
    %dma_start3A_24 = arith.constant 1 : i32
    %dma_start3A_25 = arith.constant 0 : i32
    %dma_start3A_26 = tpu.memref_slice %arg9[%dma_start3A_24, %dma_start3A_25] : memref<250x80xi32, #tpu.memory_space<vmem>> -> memref<1x80xi32, #tpu.memory_space<vmem>>
    %dma_start3A_27 = tpu.memref_squeeze %dma_start3A_26 : memref<1x80xi32, #tpu.memory_space<vmem>> -> memref<80xi32, #tpu.memory_space<vmem>>
    %dma_start3A_28 = arith.constant 0 : i32
    %dma_start3A_29 = arith.constant 0 : i32
    %dma_start3A_30 = tpu.memref_slice %arg2[%arg0, %dma_start3A_28, %dma_start3A_29] : memref<2x10000x64xf32, #tpu.memory_space<hbm>> -> memref<1x10000x64xf32, #tpu.memory_space<hbm>>
    %dma_start3A_31 = tpu.memref_squeeze %dma_start3A_30 : memref<1x10000x64xf32, #tpu.memory_space<hbm>> -> memref<10000x64xf32, #tpu.memory_space<hbm>>
    %dma_start3A_32 = arith.constant 0 : i32
    %dma_start3A_33 = arith.constant 0 : i32
    %dma_start3A_34 = tpu.memref_slice %dma_start3A_31[%dma_start3A_32, %dma_start3A_33] : memref<10000x64xf32, #tpu.memory_space<hbm>> -> memref<10000x64xf32, #tpu.memory_space<hbm>>
    tpu.enqueue_indirect_dma source(%dma_start3A_34 : memref<10000x64xf32, #tpu.memory_space<hbm>>) target(%arg12 : memref<80x64xf32, #tpu.memory_space<vmem>>) offsets(%dma_start3A_27 : memref<80xi32, #tpu.memory_space<vmem>>) semaphore(%arg19 : memref<!tpu.dma_semaphore, #tpu.memory_space<semaphore_mem>>)
    %dma_start3A_35 = arith.constant 2 : i32
    %dma_start3A_36 = arith.constant 0 : i32
    %dma_start3A_37 = tpu.memref_slice %arg9[%dma_start3A_35, %dma_start3A_36] : memref<250x80xi32, #tpu.memory_space<vmem>> -> memref<1x80xi32, #tpu.memory_space<vmem>>
    %dma_start3A_38 = tpu.memref_squeeze %dma_start3A_37 : memref<1x80xi32, #tpu.memory_space<vmem>> -> memref<80xi32, #tpu.memory_space<vmem>>
    %dma_start3A_39 = arith.constant 0 : i32
    %dma_start3A_40 = arith.constant 0 : i32
    %dma_start3A_41 = tpu.memref_slice %arg2[%arg0, %dma_start3A_39, %dma_start3A_40] : memref<2x10000x64xf32, #tpu.memory_space<hbm>> -> memref<1x10000x64xf32, #tpu.memory_space<hbm>>
    %dma_start3A_42 = tpu.memref_squeeze %dma_start3A_41 : memref<1x10000x64xf32, #tpu.memory_space<hbm>> -> memref<10000x64xf32, #tpu.memory_space<hbm>>
    %dma_start3A_43 = arith.constant 0 : i32
    %dma_start3A_44 = arith.constant 0 : i32
    %dma_start3A_45 = tpu.memref_slice %dma_start3A_42[%dma_start3A_43, %dma_start3A_44] : memref<10000x64xf32, #tpu.memory_space<hbm>> -> memref<10000x64xf32, #tpu.memory_space<hbm>>
    tpu.enqueue_indirect_dma source(%dma_start3A_45 : memref<10000x64xf32, #tpu.memory_space<hbm>>) target(%arg13 : memref<80x64xf32, #tpu.memory_space<vmem>>) offsets(%dma_start3A_38 : memref<80xi32, #tpu.memory_space<vmem>>) semaphore(%arg20 : memref<!tpu.dma_semaphore, #tpu.memory_space<semaphore_mem>>)
    %dma_start3A_46 = arith.constant 3 : i32
    %dma_start3A_47 = arith.constant 0 : i32
    %dma_start3A_48 = tpu.memref_slice %arg9[%dma_start3A_46, %dma_start3A_47] : memref<250x80xi32, #tpu.memory_space<vmem>> -> memref<1x80xi32, #tpu.memory_space<vmem>>
    %dma_start3A_49 = tpu.memref_squeeze %dma_start3A_48 : memref<1x80xi32, #tpu.memory_space<vmem>> -> memref<80xi32, #tpu.memory_space<vmem>>
    %dma_start3A_50 = arith.constant 0 : i32
    %dma_start3A_51 = arith.constant 0 : i32
    %dma_start3A_52 = tpu.memref_slice %arg2[%arg0, %dma_start3A_50, %dma_start3A_51] : memref<2x10000x64xf32, #tpu.memory_space<hbm>> -> memref<1x10000x64xf32, #tpu.memory_space<hbm>>
    %dma_start3A_53 = tpu.memref_squeeze %dma_start3A_52 : memref<1x10000x64xf32, #tpu.memory_space<hbm>> -> memref<10000x64xf32, #tpu.memory_space<hbm>>
    %dma_start3A_54 = arith.constant 0 : i32
    %dma_start3A_55 = arith.constant 0 : i32
    %dma_start3A_56 = tpu.memref_slice %dma_start3A_53[%dma_start3A_54, %dma_start3A_55] : memref<10000x64xf32, #tpu.memory_space<hbm>> -> memref<10000x64xf32, #tpu.memory_space<hbm>>
    tpu.enqueue_indirect_dma source(%dma_start3A_56 : memref<10000x64xf32, #tpu.memory_space<hbm>>) target(%arg14 : memref<80x64xf32, #tpu.memory_space<vmem>>) offsets(%dma_start3A_49 : memref<80xi32, #tpu.memory_space<vmem>>) semaphore(%arg21 : memref<!tpu.dma_semaphore, #tpu.memory_space<semaphore_mem>>)
    %dma_wait3A = arith.constant 0 : i32
    %dma_wait3A_57 = arith.constant 0 : i32
    %dma_wait3A_58 = tpu.memref_slice %arg9[%dma_wait3A, %dma_wait3A_57] : memref<250x80xi32, #tpu.memory_space<vmem>> -> memref<1x80xi32, #tpu.memory_space<vmem>>
    %dma_wait3A_59 = tpu.memref_squeeze %dma_wait3A_58 : memref<1x80xi32, #tpu.memory_space<vmem>> -> memref<80xi32, #tpu.memory_space<vmem>>
    %dma_wait3A_60 = arith.constant 0 : i32
    %dma_wait3A_61 = arith.constant 0 : i32
    %dma_wait3A_62 = tpu.memref_slice %arg2[%arg0, %dma_wait3A_60, %dma_wait3A_61] : memref<2x10000x64xf32, #tpu.memory_space<hbm>> -> memref<1x10000x64xf32, #tpu.memory_space<hbm>>
    %dma_wait3A_63 = tpu.memref_squeeze %dma_wait3A_62 : memref<1x10000x64xf32, #tpu.memory_space<hbm>> -> memref<10000x64xf32, #tpu.memory_space<hbm>>
    %dma_wait3A_64 = arith.constant 0 : i32
    %dma_wait3A_65 = arith.constant 0 : i32
    %dma_wait3A_66 = tpu.memref_slice %dma_wait3A_63[%dma_wait3A_64, %dma_wait3A_65] : memref<10000x64xf32, #tpu.memory_space<hbm>> -> memref<10000x64xf32, #tpu.memory_space<hbm>>
    tpu.wait_indirect_dma semaphore(%arg18 : memref<!tpu.dma_semaphore, #tpu.memory_space<semaphore_mem>>) src(%dma_wait3A_66 : memref<10000x64xf32, #tpu.memory_space<hbm>>) dst(%arg11 : memref<80x64xf32, #tpu.memory_space<vmem>>)
    %dma_start3A_67 = arith.constant 0 : i32
    %dma_start3A_68 = arith.constant 0 : i32
    %dma_start3A_69 = tpu.memref_slice %arg10[%dma_start3A_67, %dma_start3A_68] : memref<250x80xi32, #tpu.memory_space<vmem>> -> memref<1x80xi32, #tpu.memory_space<vmem>>
    %dma_start3A_70 = tpu.memref_squeeze %dma_start3A_69 : memref<1x80xi32, #tpu.memory_space<vmem>> -> memref<80xi32, #tpu.memory_space<vmem>>
    %dma_start3A_71 = arith.constant 0 : i32
    %dma_start3A_72 = arith.constant 0 : i32
    %dma_start3A_73 = tpu.memref_slice %arg17[%dma_start3A_71, %dma_start3A_72] : memref<10240x64xf32, #tpu.memory_space<vmem_shared>> -> memref<10240x64xf32, #tpu.memory_space<vmem_shared>>
    tpu.enqueue_indirect_dma source(%arg11 : memref<80x64xf32, #tpu.memory_space<vmem>>) target(%dma_start3A_73 : memref<10240x64xf32, #tpu.memory_space<vmem_shared>>) offsets(%dma_start3A_70 : memref<80xi32, #tpu.memory_space<vmem>>) semaphore(%arg24 : memref<!tpu.dma_semaphore, #tpu.memory_space<semaphore_mem>>) {add = true}
    %dma_start3A_74 = arith.constant 4 : i32
    %dma_start3A_75 = arith.constant 0 : i32
    %dma_start3A_76 = tpu.memref_slice %arg9[%dma_start3A_74, %dma_start3A_75] : memref<250x80xi32, #tpu.memory_space<vmem>> -> memref<1x80xi32, #tpu.memory_space<vmem>>
    %dma_start3A_77 = tpu.memref_squeeze %dma_start3A_76 : memref<1x80xi32, #tpu.memory_space<vmem>> -> memref<80xi32, #tpu.memory_space<vmem>>
    %dma_start3A_78 = arith.constant 0 : i32
    %dma_start3A_79 = arith.constant 0 : i32
    %dma_start3A_80 = tpu.memref_slice %arg2[%arg0, %dma_start3A_78, %dma_start3A_79] : memref<2x10000x64xf32, #tpu.memory_space<hbm>> -> memref<1x10000x64xf32, #tpu.memory_space<hbm>>
    %dma_start3A_81 = tpu.memref_squeeze %dma_start3A_80 : memref<1x10000x64xf32, #tpu.memory_space<hbm>> -> memref<10000x64xf32, #tpu.memory_space<hbm>>
    %dma_start3A_82 = arith.constant 0 : i32
    %dma_start3A_83 = arith.constant 0 : i32
    %dma_start3A_84 = tpu.memref_slice %dma_start3A_81[%dma_start3A_82, %dma_start3A_83] : memref<10000x64xf32, #tpu.memory_space<hbm>> -> memref<10000x64xf32, #tpu.memory_space<hbm>>
    tpu.enqueue_indirect_dma source(%dma_start3A_84 : memref<10000x64xf32, #tpu.memory_space<hbm>>) target(%arg15 : memref<80x64xf32, #tpu.memory_space<vmem>>) offsets(%dma_start3A_77 : memref<80xi32, #tpu.memory_space<vmem>>) semaphore(%arg22 : memref<!tpu.dma_semaphore, #tpu.memory_space<semaphore_mem>>)
    %dma_wait3A_85 = arith.constant 0 : i32
    %dma_wait3A_86 = arith.constant 0 : i32
    %dma_wait3A_87 = tpu.memref_slice %arg9[%dma_wait3A_85, %dma_wait3A_86] : memref<250x80xi32, #tpu.memory_space<vmem>> -> memref<1x80xi32, #tpu.memory_space<vmem>>
    %dma_wait3A_88 = tpu.memref_squeeze %dma_wait3A_87 : memref<1x80xi32, #tpu.memory_space<vmem>> -> memref<80xi32, #tpu.memory_space<vmem>>
    %dma_wait3A_89 = arith.constant 0 : i32
    %dma_wait3A_90 = arith.constant 0 : i32
    %dma_wait3A_91 = tpu.memref_slice %arg2[%arg0, %dma_wait3A_89, %dma_wait3A_90] : memref<2x10000x64xf32, #tpu.memory_space<hbm>> -> memref<1x10000x64xf32, #tpu.memory_space<hbm>>
    %dma_wait3A_92 = tpu.memref_squeeze %dma_wait3A_91 : memref<1x10000x64xf32, #tpu.memory_space<hbm>> -> memref<10000x64xf32, #tpu.memory_space<hbm>>
    %dma_wait3A_93 = arith.constant 0 : i32
    %dma_wait3A_94 = arith.constant 0 : i32
    %dma_wait3A_95 = tpu.memref_slice %dma_wait3A_92[%dma_wait3A_93, %dma_wait3A_94] : memref<10000x64xf32, #tpu.memory_space<hbm>> -> memref<10000x64xf32, #tpu.memory_space<hbm>>
    tpu.wait_indirect_dma semaphore(%arg19 : memref<!tpu.dma_semaphore, #tpu.memory_space<semaphore_mem>>) src(%dma_wait3A_95 : memref<10000x64xf32, #tpu.memory_space<hbm>>) dst(%arg12 : memref<80x64xf32, #tpu.memory_space<vmem>>)
    %dma_start3A_96 = arith.constant 1 : i32
    %dma_start3A_97 = arith.constant 0 : i32
    %dma_start3A_98 = tpu.memref_slice %arg10[%dma_start3A_96, %dma_start3A_97] : memref<250x80xi32, #tpu.memory_space<vmem>> -> memref<1x80xi32, #tpu.memory_space<vmem>>
    %dma_start3A_99 = tpu.memref_squeeze %dma_start3A_98 : memref<1x80xi32, #tpu.memory_space<vmem>> -> memref<80xi32, #tpu.memory_space<vmem>>
    %dma_start3A_100 = arith.constant 0 : i32
    %dma_start3A_101 = arith.constant 0 : i32
    %dma_start3A_102 = tpu.memref_slice %arg17[%dma_start3A_100, %dma_start3A_101] : memref<10240x64xf32, #tpu.memory_space<vmem_shared>> -> memref<10240x64xf32, #tpu.memory_space<vmem_shared>>
    tpu.enqueue_indirect_dma source(%arg12 : memref<80x64xf32, #tpu.memory_space<vmem>>) target(%dma_start3A_102 : memref<10240x64xf32, #tpu.memory_space<vmem_shared>>) offsets(%dma_start3A_99 : memref<80xi32, #tpu.memory_space<vmem>>) semaphore(%arg25 : memref<!tpu.dma_semaphore, #tpu.memory_space<semaphore_mem>>) {add = true}
    %dma_start3A_103 = arith.constant 5 : i32
    %dma_start3A_104 = arith.constant 0 : i32
    %dma_start3A_105 = tpu.memref_slice %arg9[%dma_start3A_103, %dma_start3A_104] : memref<250x80xi32, #tpu.memory_space<vmem>> -> memref<1x80xi32, #tpu.memory_space<vmem>>
    %dma_start3A_106 = tpu.memref_squeeze %dma_start3A_105 : memref<1x80xi32, #tpu.memory_space<vmem>> -> memref<80xi32, #tpu.memory_space<vmem>>
    %dma_start3A_107 = arith.constant 0 : i32
    %dma_start3A_108 = arith.constant 0 : i32
    %dma_start3A_109 = tpu.memref_slice %arg2[%arg0, %dma_start3A_107, %dma_start3A_108] : memref<2x10000x64xf32, #tpu.memory_space<hbm>> -> memref<1x10000x64xf32, #tpu.memory_space<hbm>>
    %dma_start3A_110 = tpu.memref_squeeze %dma_start3A_109 : memref<1x10000x64xf32, #tpu.memory_space<hbm>> -> memref<10000x64xf32, #tpu.memory_space<hbm>>
    %dma_start3A_111 = arith.constant 0 : i32
    %dma_start3A_112 = arith.constant 0 : i32
    %dma_start3A_113 = tpu.memref_slice %dma_start3A_110[%dma_start3A_111, %dma_start3A_112] : memref<10000x64xf32, #tpu.memory_space<hbm>> -> memref<10000x64xf32, #tpu.memory_space<hbm>>
    tpu.enqueue_indirect_dma source(%dma_start3A_113 : memref<10000x64xf32, #tpu.memory_space<hbm>>) target(%arg16 : memref<80x64xf32, #tpu.memory_space<vmem>>) offsets(%dma_start3A_106 : memref<80xi32, #tpu.memory_space<vmem>>) semaphore(%arg23 : memref<!tpu.dma_semaphore, #tpu.memory_space<semaphore_mem>>)
    %dma_wait3A_114 = arith.constant 0 : i32
    %dma_wait3A_115 = arith.constant 0 : i32
    %dma_wait3A_116 = tpu.memref_slice %arg9[%dma_wait3A_114, %dma_wait3A_115] : memref<250x80xi32, #tpu.memory_space<vmem>> -> memref<1x80xi32, #tpu.memory_space<vmem>>
    %dma_wait3A_117 = tpu.memref_squeeze %dma_wait3A_116 : memref<1x80xi32, #tpu.memory_space<vmem>> -> memref<80xi32, #tpu.memory_space<vmem>>
    %dma_wait3A_118 = arith.constant 0 : i32
    %dma_wait3A_119 = arith.constant 0 : i32
    %dma_wait3A_120 = tpu.memref_slice %arg2[%arg0, %dma_wait3A_118, %dma_wait3A_119] : memref<2x10000x64xf32, #tpu.memory_space<hbm>> -> memref<1x10000x64xf32, #tpu.memory_space<hbm>>
    %dma_wait3A_121 = tpu.memref_squeeze %dma_wait3A_120 : memref<1x10000x64xf32, #tpu.memory_space<hbm>> -> memref<10000x64xf32, #tpu.memory_space<hbm>>
    %dma_wait3A_122 = arith.constant 0 : i32
    %dma_wait3A_123 = arith.constant 0 : i32
    %dma_wait3A_124 = tpu.memref_slice %dma_wait3A_121[%dma_wait3A_122, %dma_wait3A_123] : memref<10000x64xf32, #tpu.memory_space<hbm>> -> memref<10000x64xf32, #tpu.memory_space<hbm>>
    tpu.wait_indirect_dma semaphore(%arg20 : memref<!tpu.dma_semaphore, #tpu.memory_space<semaphore_mem>>) src(%dma_wait3A_124 : memref<10000x64xf32, #tpu.memory_space<hbm>>) dst(%arg13 : memref<80x64xf32, #tpu.memory_space<vmem>>)
    %dma_start3A_125 = arith.constant 2 : i32
    %dma_start3A_126 = arith.constant 0 : i32
    %dma_start3A_127 = tpu.memref_slice %arg10[%dma_start3A_125, %dma_start3A_126] : memref<250x80xi32, #tpu.memory_space<vmem>> -> memref<1x80xi32, #tpu.memory_space<vmem>>
    %dma_start3A_128 = tpu.memref_squeeze %dma_start3A_127 : memref<1x80xi32, #tpu.memory_space<vmem>> -> memref<80xi32, #tpu.memory_space<vmem>>
    %dma_start3A_129 = arith.constant 0 : i32
    %dma_start3A_130 = arith.constant 0 : i32
    %dma_start3A_131 = tpu.memref_slice %arg17[%dma_start3A_129, %dma_start3A_130] : memref<10240x64xf32, #tpu.memory_space<vmem_shared>> -> memref<10240x64xf32, #tpu.memory_space<vmem_shared>>
    tpu.enqueue_indirect_dma source(%arg13 : memref<80x64xf32, #tpu.memory_space<vmem>>) target(%dma_start3A_131 : memref<10240x64xf32, #tpu.memory_space<vmem_shared>>) offsets(%dma_start3A_128 : memref<80xi32, #tpu.memory_space<vmem>>) semaphore(%arg26 : memref<!tpu.dma_semaphore, #tpu.memory_space<semaphore_mem>>) {add = true}
    %scan3A_132 = arith.constant 0 : i32
    %scan3A_133 = arith.constant 40 : i32
    %scan3A_134 = arith.addi %scan3A_132, %scan3A_133 : i32
    %scan3A_135 = arith.constant 1 : i32
    scf.for %scan3A_391 = %scan3A_132 to %scan3A_134 step %scan3A_135  : i32 {
      %mul3A_392 = arith.constant 1 : i32
      %mul3A_393 = arith.muli %scan3A_391, %mul3A_392 : i32
      %add3A = arith.constant 0 : i32
      %add3A_394 = arith.addi %add3A, %mul3A_393 : i32
      %mul3A_395 = arith.constant 6 : i32
      %mul3A_396 = arith.muli %mul3A_395, %add3A_394 : i32
      %add3A_397 = arith.constant 3 : i32
      %add3A_398 = arith.addi %mul3A_396, %add3A_397 : i32
      %add3A_399 = arith.constant 0 : i32
      %add3A_400 = arith.addi %add3A_398, %add3A_399 : i32
      %dma_wait3A_401 = arith.constant 0 : i32
      %dma_wait3A_402 = arith.constant 0 : i32
      %dma_wait3A_403 = tpu.memref_slice %arg10[%dma_wait3A_401, %dma_wait3A_402] : memref<250x80xi32, #tpu.memory_space<vmem>> -> memref<1x80xi32, #tpu.memory_space<vmem>>
      %dma_wait3A_404 = tpu.memref_squeeze %dma_wait3A_403 : memref<1x80xi32, #tpu.memory_space<vmem>> -> memref<80xi32, #tpu.memory_space<vmem>>
      %dma_wait3A_405 = arith.constant 0 : i32
      %dma_wait3A_406 = arith.constant 0 : i32
      %dma_wait3A_407 = tpu.memref_slice %arg17[%dma_wait3A_405, %dma_wait3A_406] : memref<10240x64xf32, #tpu.memory_space<vmem_shared>> -> memref<10240x64xf32, #tpu.memory_space<vmem_shared>>
      tpu.wait_indirect_dma semaphore(%arg24 : memref<!tpu.dma_semaphore, #tpu.memory_space<semaphore_mem>>) src(%arg11 : memref<80x64xf32, #tpu.memory_space<vmem>>) dst(%dma_wait3A_407 : memref<10240x64xf32, #tpu.memory_space<vmem_shared>>)
      %add3A_408 = arith.constant 3 : i32
      %add3A_409 = arith.addi %add3A_400, %add3A_408 : i32
      %dma_start3A_410 = arith.constant 0 : i32
      %dma_start3A_411 = tpu.memref_slice %arg9[%add3A_409, %dma_start3A_410] : memref<250x80xi32, #tpu.memory_space<vmem>> -> memref<1x80xi32, #tpu.memory_space<vmem>>
      %dma_start3A_412 = tpu.memref_squeeze %dma_start3A_411 : memref<1x80xi32, #tpu.memory_space<vmem>> -> memref<80xi32, #tpu.memory_space<vmem>>
      %dma_start3A_413 = arith.constant 0 : i32
      %dma_start3A_414 = arith.constant 0 : i32
      %dma_start3A_415 = tpu.memref_slice %arg2[%arg0, %dma_start3A_413, %dma_start3A_414] : memref<2x10000x64xf32, #tpu.memory_space<hbm>> -> memref<1x10000x64xf32, #tpu.memory_space<hbm>>
      %dma_start3A_416 = tpu.memref_squeeze %dma_start3A_415 : memref<1x10000x64xf32, #tpu.memory_space<hbm>> -> memref<10000x64xf32, #tpu.memory_space<hbm>>
      %dma_start3A_417 = arith.constant 0 : i32
      %dma_start3A_418 = arith.constant 0 : i32
      %dma_start3A_419 = tpu.memref_slice %dma_start3A_416[%dma_start3A_417, %dma_start3A_418] : memref<10000x64xf32, #tpu.memory_space<hbm>> -> memref<10000x64xf32, #tpu.memory_space<hbm>>
      tpu.enqueue_indirect_dma source(%dma_start3A_419 : memref<10000x64xf32, #tpu.memory_space<hbm>>) target(%arg11 : memref<80x64xf32, #tpu.memory_space<vmem>>) offsets(%dma_start3A_412 : memref<80xi32, #tpu.memory_space<vmem>>) semaphore(%arg18 : memref<!tpu.dma_semaphore, #tpu.memory_space<semaphore_mem>>)
      %dma_wait3A_420 = arith.constant 0 : i32
      %dma_wait3A_421 = arith.constant 0 : i32
      %dma_wait3A_422 = tpu.memref_slice %arg9[%dma_wait3A_420, %dma_wait3A_421] : memref<250x80xi32, #tpu.memory_space<vmem>> -> memref<1x80xi32, #tpu.memory_space<vmem>>
      %dma_wait3A_423 = tpu.memref_squeeze %dma_wait3A_422 : memref<1x80xi32, #tpu.memory_space<vmem>> -> memref<80xi32, #tpu.memory_space<vmem>>
      %dma_wait3A_424 = arith.constant 0 : i32
      %dma_wait3A_425 = arith.constant 0 : i32
      %dma_wait3A_426 = tpu.memref_slice %arg2[%arg0, %dma_wait3A_424, %dma_wait3A_425] : memref<2x10000x64xf32, #tpu.memory_space<hbm>> -> memref<1x10000x64xf32, #tpu.memory_space<hbm>>
      %dma_wait3A_427 = tpu.memref_squeeze %dma_wait3A_426 : memref<1x10000x64xf32, #tpu.memory_space<hbm>> -> memref<10000x64xf32, #tpu.memory_space<hbm>>
      %dma_wait3A_428 = arith.constant 0 : i32
      %dma_wait3A_429 = arith.constant 0 : i32
      %dma_wait3A_430 = tpu.memref_slice %dma_wait3A_427[%dma_wait3A_428, %dma_wait3A_429] : memref<10000x64xf32, #tpu.memory_space<hbm>> -> memref<10000x64xf32, #tpu.memory_space<hbm>>
      tpu.wait_indirect_dma semaphore(%arg21 : memref<!tpu.dma_semaphore, #tpu.memory_space<semaphore_mem>>) src(%dma_wait3A_430 : memref<10000x64xf32, #tpu.memory_space<hbm>>) dst(%arg14 : memref<80x64xf32, #tpu.memory_space<vmem>>)
      %dma_start3A_431 = arith.constant 0 : i32
      %dma_start3A_432 = tpu.memref_slice %arg10[%add3A_400, %dma_start3A_431] : memref<250x80xi32, #tpu.memory_space<vmem>> -> memref<1x80xi32, #tpu.memory_space<vmem>>
      %dma_start3A_433 = tpu.memref_squeeze %dma_start3A_432 : memref<1x80xi32, #tpu.memory_space<vmem>> -> memref<80xi32, #tpu.memory_space<vmem>>
      %dma_start3A_434 = arith.constant 0 : i32
      %dma_start3A_435 = arith.constant 0 : i32
      %dma_start3A_436 = tpu.memref_slice %arg17[%dma_start3A_434, %dma_start3A_435] : memref<10240x64xf32, #tpu.memory_space<vmem_shared>> -> memref<10240x64xf32, #tpu.memory_space<vmem_shared>>
      tpu.enqueue_indirect_dma source(%arg14 : memref<80x64xf32, #tpu.memory_space<vmem>>) target(%dma_start3A_436 : memref<10240x64xf32, #tpu.memory_space<vmem_shared>>) offsets(%dma_start3A_433 : memref<80xi32, #tpu.memory_space<vmem>>) semaphore(%arg27 : memref<!tpu.dma_semaphore, #tpu.memory_space<semaphore_mem>>) {add = true}
      %add3A_437 = arith.constant 1 : i32
      %add3A_438 = arith.addi %add3A_398, %add3A_437 : i32
      %dma_wait3A_439 = arith.constant 0 : i32
      %dma_wait3A_440 = arith.constant 0 : i32
      %dma_wait3A_441 = tpu.memref_slice %arg10[%dma_wait3A_439, %dma_wait3A_440] : memref<250x80xi32, #tpu.memory_space<vmem>> -> memref<1x80xi32, #tpu.memory_space<vmem>>
      %dma_wait3A_442 = tpu.memref_squeeze %dma_wait3A_441 : memref<1x80xi32, #tpu.memory_space<vmem>> -> memref<80xi32, #tpu.memory_space<vmem>>
      %dma_wait3A_443 = arith.constant 0 : i32
      %dma_wait3A_444 = arith.constant 0 : i32
      %dma_wait3A_445 = tpu.memref_slice %arg17[%dma_wait3A_443, %dma_wait3A_444] : memref<10240x64xf32, #tpu.memory_space<vmem_shared>> -> memref<10240x64xf32, #tpu.memory_space<vmem_shared>>
      tpu.wait_indirect_dma semaphore(%arg25 : memref<!tpu.dma_semaphore, #tpu.memory_space<semaphore_mem>>) src(%arg12 : memref<80x64xf32, #tpu.memory_space<vmem>>) dst(%dma_wait3A_445 : memref<10240x64xf32, #tpu.memory_space<vmem_shared>>)
      %add3A_446 = arith.constant 3 : i32
      %add3A_447 = arith.addi %add3A_438, %add3A_446 : i32
      %dma_start3A_448 = arith.constant 0 : i32
      %dma_start3A_449 = tpu.memref_slice %arg9[%add3A_447, %dma_start3A_448] : memref<250x80xi32, #tpu.memory_space<vmem>> -> memref<1x80xi32, #tpu.memory_space<vmem>>
      %dma_start3A_450 = tpu.memref_squeeze %dma_start3A_449 : memref<1x80xi32, #tpu.memory_space<vmem>> -> memref<80xi32, #tpu.memory_space<vmem>>
      %dma_start3A_451 = arith.constant 0 : i32
      %dma_start3A_452 = arith.constant 0 : i32
      %dma_start3A_453 = tpu.memref_slice %arg2[%arg0, %dma_start3A_451, %dma_start3A_452] : memref<2x10000x64xf32, #tpu.memory_space<hbm>> -> memref<1x10000x64xf32, #tpu.memory_space<hbm>>
      %dma_start3A_454 = tpu.memref_squeeze %dma_start3A_453 : memref<1x10000x64xf32, #tpu.memory_space<hbm>> -> memref<10000x64xf32, #tpu.memory_space<hbm>>
      %dma_start3A_455 = arith.constant 0 : i32
      %dma_start3A_456 = arith.constant 0 : i32
      %dma_start3A_457 = tpu.memref_slice %dma_start3A_454[%dma_start3A_455, %dma_start3A_456] : memref<10000x64xf32, #tpu.memory_space<hbm>> -> memref<10000x64xf32, #tpu.memory_space<hbm>>
      tpu.enqueue_indirect_dma source(%dma_start3A_457 : memref<10000x64xf32, #tpu.memory_space<hbm>>) target(%arg12 : memref<80x64xf32, #tpu.memory_space<vmem>>) offsets(%dma_start3A_450 : memref<80xi32, #tpu.memory_space<vmem>>) semaphore(%arg19 : memref<!tpu.dma_semaphore, #tpu.memory_space<semaphore_mem>>)
      %dma_wait3A_458 = arith.constant 0 : i32
      %dma_wait3A_459 = arith.constant 0 : i32
      %dma_wait3A_460 = tpu.memref_slice %arg9[%dma_wait3A_458, %dma_wait3A_459] : memref<250x80xi32, #tpu.memory_space<vmem>> -> memref<1x80xi32, #tpu.memory_space<vmem>>
      %dma_wait3A_461 = tpu.memref_squeeze %dma_wait3A_460 : memref<1x80xi32, #tpu.memory_space<vmem>> -> memref<80xi32, #tpu.memory_space<vmem>>
      %dma_wait3A_462 = arith.constant 0 : i32
      %dma_wait3A_463 = arith.constant 0 : i32
      %dma_wait3A_464 = tpu.memref_slice %arg2[%arg0, %dma_wait3A_462, %dma_wait3A_463] : memref<2x10000x64xf32, #tpu.memory_space<hbm>> -> memref<1x10000x64xf32, #tpu.memory_space<hbm>>
      %dma_wait3A_465 = tpu.memref_squeeze %dma_wait3A_464 : memref<1x10000x64xf32, #tpu.memory_space<hbm>> -> memref<10000x64xf32, #tpu.memory_space<hbm>>
      %dma_wait3A_466 = arith.constant 0 : i32
      %dma_wait3A_467 = arith.constant 0 : i32
      %dma_wait3A_468 = tpu.memref_slice %dma_wait3A_465[%dma_wait3A_466, %dma_wait3A_467] : memref<10000x64xf32, #tpu.memory_space<hbm>> -> memref<10000x64xf32, #tpu.memory_space<hbm>>
      tpu.wait_indirect_dma semaphore(%arg22 : memref<!tpu.dma_semaphore, #tpu.memory_space<semaphore_mem>>) src(%dma_wait3A_468 : memref<10000x64xf32, #tpu.memory_space<hbm>>) dst(%arg15 : memref<80x64xf32, #tpu.memory_space<vmem>>)
      %dma_start3A_469 = arith.constant 0 : i32
      %dma_start3A_470 = tpu.memref_slice %arg10[%add3A_438, %dma_start3A_469] : memref<250x80xi32, #tpu.memory_space<vmem>> -> memref<1x80xi32, #tpu.memory_space<vmem>>
      %dma_start3A_471 = tpu.memref_squeeze %dma_start3A_470 : memref<1x80xi32, #tpu.memory_space<vmem>> -> memref<80xi32, #tpu.memory_space<vmem>>
      %dma_start3A_472 = arith.constant 0 : i32
      %dma_start3A_473 = arith.constant 0 : i32
      %dma_start3A_474 = tpu.memref_slice %arg17[%dma_start3A_472, %dma_start3A_473] : memref<10240x64xf32, #tpu.memory_space<vmem_shared>> -> memref<10240x64xf32, #tpu.memory_space<vmem_shared>>
      tpu.enqueue_indirect_dma source(%arg15 : memref<80x64xf32, #tpu.memory_space<vmem>>) target(%dma_start3A_474 : memref<10240x64xf32, #tpu.memory_space<vmem_shared>>) offsets(%dma_start3A_471 : memref<80xi32, #tpu.memory_space<vmem>>) semaphore(%arg28 : memref<!tpu.dma_semaphore, #tpu.memory_space<semaphore_mem>>) {add = true}
      %add3A_475 = arith.constant 2 : i32
      %add3A_476 = arith.addi %add3A_398, %add3A_475 : i32
      %dma_wait3A_477 = arith.constant 0 : i32
      %dma_wait3A_478 = arith.constant 0 : i32
      %dma_wait3A_479 = tpu.memref_slice %arg10[%dma_wait3A_477, %dma_wait3A_478] : memref<250x80xi32, #tpu.memory_space<vmem>> -> memref<1x80xi32, #tpu.memory_space<vmem>>
      %dma_wait3A_480 = tpu.memref_squeeze %dma_wait3A_479 : memref<1x80xi32, #tpu.memory_space<vmem>> -> memref<80xi32, #tpu.memory_space<vmem>>
      %dma_wait3A_481 = arith.constant 0 : i32
      %dma_wait3A_482 = arith.constant 0 : i32
      %dma_wait3A_483 = tpu.memref_slice %arg17[%dma_wait3A_481, %dma_wait3A_482] : memref<10240x64xf32, #tpu.memory_space<vmem_shared>> -> memref<10240x64xf32, #tpu.memory_space<vmem_shared>>
      tpu.wait_indirect_dma semaphore(%arg26 : memref<!tpu.dma_semaphore, #tpu.memory_space<semaphore_mem>>) src(%arg13 : memref<80x64xf32, #tpu.memory_space<vmem>>) dst(%dma_wait3A_483 : memref<10240x64xf32, #tpu.memory_space<vmem_shared>>)
      %add3A_484 = arith.constant 3 : i32
      %add3A_485 = arith.addi %add3A_476, %add3A_484 : i32
      %dma_start3A_486 = arith.constant 0 : i32
      %dma_start3A_487 = tpu.memref_slice %arg9[%add3A_485, %dma_start3A_486] : memref<250x80xi32, #tpu.memory_space<vmem>> -> memref<1x80xi32, #tpu.memory_space<vmem>>
      %dma_start3A_488 = tpu.memref_squeeze %dma_start3A_487 : memref<1x80xi32, #tpu.memory_space<vmem>> -> memref<80xi32, #tpu.memory_space<vmem>>
      %dma_start3A_489 = arith.constant 0 : i32
      %dma_start3A_490 = arith.constant 0 : i32
      %dma_start3A_491 = tpu.memref_slice %arg2[%arg0, %dma_start3A_489, %dma_start3A_490] : memref<2x10000x64xf32, #tpu.memory_space<hbm>> -> memref<1x10000x64xf32, #tpu.memory_space<hbm>>
      %dma_start3A_492 = tpu.memref_squeeze %dma_start3A_491 : memref<1x10000x64xf32, #tpu.memory_space<hbm>> -> memref<10000x64xf32, #tpu.memory_space<hbm>>
      %dma_start3A_493 = arith.constant 0 : i32
      %dma_start3A_494 = arith.constant 0 : i32
      %dma_start3A_495 = tpu.memref_slice %dma_start3A_492[%dma_start3A_493, %dma_start3A_494] : memref<10000x64xf32, #tpu.memory_space<hbm>> -> memref<10000x64xf32, #tpu.memory_space<hbm>>
      tpu.enqueue_indirect_dma source(%dma_start3A_495 : memref<10000x64xf32, #tpu.memory_space<hbm>>) target(%arg13 : memref<80x64xf32, #tpu.memory_space<vmem>>) offsets(%dma_start3A_488 : memref<80xi32, #tpu.memory_space<vmem>>) semaphore(%arg20 : memref<!tpu.dma_semaphore, #tpu.memory_space<semaphore_mem>>)
      %dma_wait3A_496 = arith.constant 0 : i32
      %dma_wait3A_497 = arith.constant 0 : i32
      %dma_wait3A_498 = tpu.memref_slice %arg9[%dma_wait3A_496, %dma_wait3A_497] : memref<250x80xi32, #tpu.memory_space<vmem>> -> memref<1x80xi32, #tpu.memory_space<vmem>>
      %dma_wait3A_499 = tpu.memref_squeeze %dma_wait3A_498 : memref<1x80xi32, #tpu.memory_space<vmem>> -> memref<80xi32, #tpu.memory_space<vmem>>
      %dma_wait3A_500 = arith.constant 0 : i32
      %dma_wait3A_501 = arith.constant 0 : i32
      %dma_wait3A_502 = tpu.memref_slice %arg2[%arg0, %dma_wait3A_500, %dma_wait3A_501] : memref<2x10000x64xf32, #tpu.memory_space<hbm>> -> memref<1x10000x64xf32, #tpu.memory_space<hbm>>
      %dma_wait3A_503 = tpu.memref_squeeze %dma_wait3A_502 : memref<1x10000x64xf32, #tpu.memory_space<hbm>> -> memref<10000x64xf32, #tpu.memory_space<hbm>>
      %dma_wait3A_504 = arith.constant 0 : i32
      %dma_wait3A_505 = arith.constant 0 : i32
      %dma_wait3A_506 = tpu.memref_slice %dma_wait3A_503[%dma_wait3A_504, %dma_wait3A_505] : memref<10000x64xf32, #tpu.memory_space<hbm>> -> memref<10000x64xf32, #tpu.memory_space<hbm>>
      tpu.wait_indirect_dma semaphore(%arg23 : memref<!tpu.dma_semaphore, #tpu.memory_space<semaphore_mem>>) src(%dma_wait3A_506 : memref<10000x64xf32, #tpu.memory_space<hbm>>) dst(%arg16 : memref<80x64xf32, #tpu.memory_space<vmem>>)
      %dma_start3A_507 = arith.constant 0 : i32
      %dma_start3A_508 = tpu.memref_slice %arg10[%add3A_476, %dma_start3A_507] : memref<250x80xi32, #tpu.memory_space<vmem>> -> memref<1x80xi32, #tpu.memory_space<vmem>>
      %dma_start3A_509 = tpu.memref_squeeze %dma_start3A_508 : memref<1x80xi32, #tpu.memory_space<vmem>> -> memref<80xi32, #tpu.memory_space<vmem>>
      %dma_start3A_510 = arith.constant 0 : i32
      %dma_start3A_511 = arith.constant 0 : i32
      %dma_start3A_512 = tpu.memref_slice %arg17[%dma_start3A_510, %dma_start3A_511] : memref<10240x64xf32, #tpu.memory_space<vmem_shared>> -> memref<10240x64xf32, #tpu.memory_space<vmem_shared>>
      tpu.enqueue_indirect_dma source(%arg16 : memref<80x64xf32, #tpu.memory_space<vmem>>) target(%dma_start3A_512 : memref<10240x64xf32, #tpu.memory_space<vmem_shared>>) offsets(%dma_start3A_509 : memref<80xi32, #tpu.memory_space<vmem>>) semaphore(%arg29 : memref<!tpu.dma_semaphore, #tpu.memory_space<semaphore_mem>>) {add = true}
      %add3A_513 = arith.constant 3 : i32
      %add3A_514 = arith.addi %add3A_398, %add3A_513 : i32
      %dma_wait3A_515 = arith.constant 0 : i32
      %dma_wait3A_516 = arith.constant 0 : i32
      %dma_wait3A_517 = tpu.memref_slice %arg10[%dma_wait3A_515, %dma_wait3A_516] : memref<250x80xi32, #tpu.memory_space<vmem>> -> memref<1x80xi32, #tpu.memory_space<vmem>>
      %dma_wait3A_518 = tpu.memref_squeeze %dma_wait3A_517 : memref<1x80xi32, #tpu.memory_space<vmem>> -> memref<80xi32, #tpu.memory_space<vmem>>
      %dma_wait3A_519 = arith.constant 0 : i32
      %dma_wait3A_520 = arith.constant 0 : i32
      %dma_wait3A_521 = tpu.memref_slice %arg17[%dma_wait3A_519, %dma_wait3A_520] : memref<10240x64xf32, #tpu.memory_space<vmem_shared>> -> memref<10240x64xf32, #tpu.memory_space<vmem_shared>>
      tpu.wait_indirect_dma semaphore(%arg27 : memref<!tpu.dma_semaphore, #tpu.memory_space<semaphore_mem>>) src(%arg14 : memref<80x64xf32, #tpu.memory_space<vmem>>) dst(%dma_wait3A_521 : memref<10240x64xf32, #tpu.memory_space<vmem_shared>>)
      %add3A_522 = arith.constant 3 : i32
      %add3A_523 = arith.addi %add3A_514, %add3A_522 : i32
      %dma_start3A_524 = arith.constant 0 : i32
      %dma_start3A_525 = tpu.memref_slice %arg9[%add3A_523, %dma_start3A_524] : memref<250x80xi32, #tpu.memory_space<vmem>> -> memref<1x80xi32, #tpu.memory_space<vmem>>
      %dma_start3A_526 = tpu.memref_squeeze %dma_start3A_525 : memref<1x80xi32, #tpu.memory_space<vmem>> -> memref<80xi32, #tpu.memory_space<vmem>>
      %dma_start3A_527 = arith.constant 0 : i32
      %dma_start3A_528 = arith.constant 0 : i32
      %dma_start3A_529 = tpu.memref_slice %arg2[%arg0, %dma_start3A_527, %dma_start3A_528] : memref<2x10000x64xf32, #tpu.memory_space<hbm>> -> memref<1x10000x64xf32, #tpu.memory_space<hbm>>
      %dma_start3A_530 = tpu.memref_squeeze %dma_start3A_529 : memref<1x10000x64xf32, #tpu.memory_space<hbm>> -> memref<10000x64xf32, #tpu.memory_space<hbm>>
      %dma_start3A_531 = arith.constant 0 : i32
      %dma_start3A_532 = arith.constant 0 : i32
      %dma_start3A_533 = tpu.memref_slice %dma_start3A_530[%dma_start3A_531, %dma_start3A_532] : memref<10000x64xf32, #tpu.memory_space<hbm>> -> memref<10000x64xf32, #tpu.memory_space<hbm>>
      tpu.enqueue_indirect_dma source(%dma_start3A_533 : memref<10000x64xf32, #tpu.memory_space<hbm>>) target(%arg14 : memref<80x64xf32, #tpu.memory_space<vmem>>) offsets(%dma_start3A_526 : memref<80xi32, #tpu.memory_space<vmem>>) semaphore(%arg21 : memref<!tpu.dma_semaphore, #tpu.memory_space<semaphore_mem>>)
      %dma_wait3A_534 = arith.constant 0 : i32
      %dma_wait3A_535 = arith.constant 0 : i32
      %dma_wait3A_536 = tpu.memref_slice %arg9[%dma_wait3A_534, %dma_wait3A_535] : memref<250x80xi32, #tpu.memory_space<vmem>> -> memref<1x80xi32, #tpu.memory_space<vmem>>
      %dma_wait3A_537 = tpu.memref_squeeze %dma_wait3A_536 : memref<1x80xi32, #tpu.memory_space<vmem>> -> memref<80xi32, #tpu.memory_space<vmem>>
      %dma_wait3A_538 = arith.constant 0 : i32
      %dma_wait3A_539 = arith.constant 0 : i32
      %dma_wait3A_540 = tpu.memref_slice %arg2[%arg0, %dma_wait3A_538, %dma_wait3A_539] : memref<2x10000x64xf32, #tpu.memory_space<hbm>> -> memref<1x10000x64xf32, #tpu.memory_space<hbm>>
      %dma_wait3A_541 = tpu.memref_squeeze %dma_wait3A_540 : memref<1x10000x64xf32, #tpu.memory_space<hbm>> -> memref<10000x64xf32, #tpu.memory_space<hbm>>
      %dma_wait3A_542 = arith.constant 0 : i32
      %dma_wait3A_543 = arith.constant 0 : i32
      %dma_wait3A_544 = tpu.memref_slice %dma_wait3A_541[%dma_wait3A_542, %dma_wait3A_543] : memref<10000x64xf32, #tpu.memory_space<hbm>> -> memref<10000x64xf32, #tpu.memory_space<hbm>>
      tpu.wait_indirect_dma semaphore(%arg18 : memref<!tpu.dma_semaphore, #tpu.memory_space<semaphore_mem>>) src(%dma_wait3A_544 : memref<10000x64xf32, #tpu.memory_space<hbm>>) dst(%arg11 : memref<80x64xf32, #tpu.memory_space<vmem>>)
      %dma_start3A_545 = arith.constant 0 : i32
      %dma_start3A_546 = tpu.memref_slice %arg10[%add3A_514, %dma_start3A_545] : memref<250x80xi32, #tpu.memory_space<vmem>> -> memref<1x80xi32, #tpu.memory_space<vmem>>
      %dma_start3A_547 = tpu.memref_squeeze %dma_start3A_546 : memref<1x80xi32, #tpu.memory_space<vmem>> -> memref<80xi32, #tpu.memory_space<vmem>>
      %dma_start3A_548 = arith.constant 0 : i32
      %dma_start3A_549 = arith.constant 0 : i32
      %dma_start3A_550 = tpu.memref_slice %arg17[%dma_start3A_548, %dma_start3A_549] : memref<10240x64xf32, #tpu.memory_space<vmem_shared>> -> memref<10240x64xf32, #tpu.memory_space<vmem_shared>>
      tpu.enqueue_indirect_dma source(%arg11 : memref<80x64xf32, #tpu.memory_space<vmem>>) target(%dma_start3A_550 : memref<10240x64xf32, #tpu.memory_space<vmem_shared>>) offsets(%dma_start3A_547 : memref<80xi32, #tpu.memory_space<vmem>>) semaphore(%arg24 : memref<!tpu.dma_semaphore, #tpu.memory_space<semaphore_mem>>) {add = true}
      %add3A_551 = arith.constant 4 : i32
      %add3A_552 = arith.addi %add3A_398, %add3A_551 : i32
      %dma_wait3A_553 = arith.constant 0 : i32
      %dma_wait3A_554 = arith.constant 0 : i32
      %dma_wait3A_555 = tpu.memref_slice %arg10[%dma_wait3A_553, %dma_wait3A_554] : memref<250x80xi32, #tpu.memory_space<vmem>> -> memref<1x80xi32, #tpu.memory_space<vmem>>
      %dma_wait3A_556 = tpu.memref_squeeze %dma_wait3A_555 : memref<1x80xi32, #tpu.memory_space<vmem>> -> memref<80xi32, #tpu.memory_space<vmem>>
      %dma_wait3A_557 = arith.constant 0 : i32
      %dma_wait3A_558 = arith.constant 0 : i32
      %dma_wait3A_559 = tpu.memref_slice %arg17[%dma_wait3A_557, %dma_wait3A_558] : memref<10240x64xf32, #tpu.memory_space<vmem_shared>> -> memref<10240x64xf32, #tpu.memory_space<vmem_shared>>
      tpu.wait_indirect_dma semaphore(%arg28 : memref<!tpu.dma_semaphore, #tpu.memory_space<semaphore_mem>>) src(%arg15 : memref<80x64xf32, #tpu.memory_space<vmem>>) dst(%dma_wait3A_559 : memref<10240x64xf32, #tpu.memory_space<vmem_shared>>)
      %add3A_560 = arith.constant 3 : i32
      %add3A_561 = arith.addi %add3A_552, %add3A_560 : i32
      %dma_start3A_562 = arith.constant 0 : i32
      %dma_start3A_563 = tpu.memref_slice %arg9[%add3A_561, %dma_start3A_562] : memref<250x80xi32, #tpu.memory_space<vmem>> -> memref<1x80xi32, #tpu.memory_space<vmem>>
      %dma_start3A_564 = tpu.memref_squeeze %dma_start3A_563 : memref<1x80xi32, #tpu.memory_space<vmem>> -> memref<80xi32, #tpu.memory_space<vmem>>
      %dma_start3A_565 = arith.constant 0 : i32
      %dma_start3A_566 = arith.constant 0 : i32
      %dma_start3A_567 = tpu.memref_slice %arg2[%arg0, %dma_start3A_565, %dma_start3A_566] : memref<2x10000x64xf32, #tpu.memory_space<hbm>> -> memref<1x10000x64xf32, #tpu.memory_space<hbm>>
      %dma_start3A_568 = tpu.memref_squeeze %dma_start3A_567 : memref<1x10000x64xf32, #tpu.memory_space<hbm>> -> memref<10000x64xf32, #tpu.memory_space<hbm>>
      %dma_start3A_569 = arith.constant 0 : i32
      %dma_start3A_570 = arith.constant 0 : i32
      %dma_start3A_571 = tpu.memref_slice %dma_start3A_568[%dma_start3A_569, %dma_start3A_570] : memref<10000x64xf32, #tpu.memory_space<hbm>> -> memref<10000x64xf32, #tpu.memory_space<hbm>>
      tpu.enqueue_indirect_dma source(%dma_start3A_571 : memref<10000x64xf32, #tpu.memory_space<hbm>>) target(%arg15 : memref<80x64xf32, #tpu.memory_space<vmem>>) offsets(%dma_start3A_564 : memref<80xi32, #tpu.memory_space<vmem>>) semaphore(%arg22 : memref<!tpu.dma_semaphore, #tpu.memory_space<semaphore_mem>>)
      %dma_wait3A_572 = arith.constant 0 : i32
      %dma_wait3A_573 = arith.constant 0 : i32
      %dma_wait3A_574 = tpu.memref_slice %arg9[%dma_wait3A_572, %dma_wait3A_573] : memref<250x80xi32, #tpu.memory_space<vmem>> -> memref<1x80xi32, #tpu.memory_space<vmem>>
      %dma_wait3A_575 = tpu.memref_squeeze %dma_wait3A_574 : memref<1x80xi32, #tpu.memory_space<vmem>> -> memref<80xi32, #tpu.memory_space<vmem>>
      %dma_wait3A_576 = arith.constant 0 : i32
      %dma_wait3A_577 = arith.constant 0 : i32
      %dma_wait3A_578 = tpu.memref_slice %arg2[%arg0, %dma_wait3A_576, %dma_wait3A_577] : memref<2x10000x64xf32, #tpu.memory_space<hbm>> -> memref<1x10000x64xf32, #tpu.memory_space<hbm>>
      %dma_wait3A_579 = tpu.memref_squeeze %dma_wait3A_578 : memref<1x10000x64xf32, #tpu.memory_space<hbm>> -> memref<10000x64xf32, #tpu.memory_space<hbm>>
      %dma_wait3A_580 = arith.constant 0 : i32
      %dma_wait3A_581 = arith.constant 0 : i32
      %dma_wait3A_582 = tpu.memref_slice %dma_wait3A_579[%dma_wait3A_580, %dma_wait3A_581] : memref<10000x64xf32, #tpu.memory_space<hbm>> -> memref<10000x64xf32, #tpu.memory_space<hbm>>
      tpu.wait_indirect_dma semaphore(%arg19 : memref<!tpu.dma_semaphore, #tpu.memory_space<semaphore_mem>>) src(%dma_wait3A_582 : memref<10000x64xf32, #tpu.memory_space<hbm>>) dst(%arg12 : memref<80x64xf32, #tpu.memory_space<vmem>>)
      %dma_start3A_583 = arith.constant 0 : i32
      %dma_start3A_584 = tpu.memref_slice %arg10[%add3A_552, %dma_start3A_583] : memref<250x80xi32, #tpu.memory_space<vmem>> -> memref<1x80xi32, #tpu.memory_space<vmem>>
      %dma_start3A_585 = tpu.memref_squeeze %dma_start3A_584 : memref<1x80xi32, #tpu.memory_space<vmem>> -> memref<80xi32, #tpu.memory_space<vmem>>
      %dma_start3A_586 = arith.constant 0 : i32
      %dma_start3A_587 = arith.constant 0 : i32
      %dma_start3A_588 = tpu.memref_slice %arg17[%dma_start3A_586, %dma_start3A_587] : memref<10240x64xf32, #tpu.memory_space<vmem_shared>> -> memref<10240x64xf32, #tpu.memory_space<vmem_shared>>
      tpu.enqueue_indirect_dma source(%arg12 : memref<80x64xf32, #tpu.memory_space<vmem>>) target(%dma_start3A_588 : memref<10240x64xf32, #tpu.memory_space<vmem_shared>>) offsets(%dma_start3A_585 : memref<80xi32, #tpu.memory_space<vmem>>) semaphore(%arg25 : memref<!tpu.dma_semaphore, #tpu.memory_space<semaphore_mem>>) {add = true}
      %add3A_589 = arith.constant 5 : i32
      %add3A_590 = arith.addi %add3A_398, %add3A_589 : i32
      %dma_wait3A_591 = arith.constant 0 : i32
      %dma_wait3A_592 = arith.constant 0 : i32
      %dma_wait3A_593 = tpu.memref_slice %arg10[%dma_wait3A_591, %dma_wait3A_592] : memref<250x80xi32, #tpu.memory_space<vmem>> -> memref<1x80xi32, #tpu.memory_space<vmem>>
      %dma_wait3A_594 = tpu.memref_squeeze %dma_wait3A_593 : memref<1x80xi32, #tpu.memory_space<vmem>> -> memref<80xi32, #tpu.memory_space<vmem>>
      %dma_wait3A_595 = arith.constant 0 : i32
      %dma_wait3A_596 = arith.constant 0 : i32
      %dma_wait3A_597 = tpu.memref_slice %arg17[%dma_wait3A_595, %dma_wait3A_596] : memref<10240x64xf32, #tpu.memory_space<vmem_shared>> -> memref<10240x64xf32, #tpu.memory_space<vmem_shared>>
      tpu.wait_indirect_dma semaphore(%arg29 : memref<!tpu.dma_semaphore, #tpu.memory_space<semaphore_mem>>) src(%arg16 : memref<80x64xf32, #tpu.memory_space<vmem>>) dst(%dma_wait3A_597 : memref<10240x64xf32, #tpu.memory_space<vmem_shared>>)
      %add3A_598 = arith.constant 3 : i32
      %add3A_599 = arith.addi %add3A_590, %add3A_598 : i32
      %dma_start3A_600 = arith.constant 0 : i32
      %dma_start3A_601 = tpu.memref_slice %arg9[%add3A_599, %dma_start3A_600] : memref<250x80xi32, #tpu.memory_space<vmem>> -> memref<1x80xi32, #tpu.memory_space<vmem>>
      %dma_start3A_602 = tpu.memref_squeeze %dma_start3A_601 : memref<1x80xi32, #tpu.memory_space<vmem>> -> memref<80xi32, #tpu.memory_space<vmem>>
      %dma_start3A_603 = arith.constant 0 : i32
      %dma_start3A_604 = arith.constant 0 : i32
      %dma_start3A_605 = tpu.memref_slice %arg2[%arg0, %dma_start3A_603, %dma_start3A_604] : memref<2x10000x64xf32, #tpu.memory_space<hbm>> -> memref<1x10000x64xf32, #tpu.memory_space<hbm>>
      %dma_start3A_606 = tpu.memref_squeeze %dma_start3A_605 : memref<1x10000x64xf32, #tpu.memory_space<hbm>> -> memref<10000x64xf32, #tpu.memory_space<hbm>>
      %dma_start3A_607 = arith.constant 0 : i32
      %dma_start3A_608 = arith.constant 0 : i32
      %dma_start3A_609 = tpu.memref_slice %dma_start3A_606[%dma_start3A_607, %dma_start3A_608] : memref<10000x64xf32, #tpu.memory_space<hbm>> -> memref<10000x64xf32, #tpu.memory_space<hbm>>
      tpu.enqueue_indirect_dma source(%dma_start3A_609 : memref<10000x64xf32, #tpu.memory_space<hbm>>) target(%arg16 : memref<80x64xf32, #tpu.memory_space<vmem>>) offsets(%dma_start3A_602 : memref<80xi32, #tpu.memory_space<vmem>>) semaphore(%arg23 : memref<!tpu.dma_semaphore, #tpu.memory_space<semaphore_mem>>)
      %dma_wait3A_610 = arith.constant 0 : i32
      %dma_wait3A_611 = arith.constant 0 : i32
      %dma_wait3A_612 = tpu.memref_slice %arg9[%dma_wait3A_610, %dma_wait3A_611] : memref<250x80xi32, #tpu.memory_space<vmem>> -> memref<1x80xi32, #tpu.memory_space<vmem>>
      %dma_wait3A_613 = tpu.memref_squeeze %dma_wait3A_612 : memref<1x80xi32, #tpu.memory_space<vmem>> -> memref<80xi32, #tpu.memory_space<vmem>>
      %dma_wait3A_614 = arith.constant 0 : i32
      %dma_wait3A_615 = arith.constant 0 : i32
      %dma_wait3A_616 = tpu.memref_slice %arg2[%arg0, %dma_wait3A_614, %dma_wait3A_615] : memref<2x10000x64xf32, #tpu.memory_space<hbm>> -> memref<1x10000x64xf32, #tpu.memory_space<hbm>>
      %dma_wait3A_617 = tpu.memref_squeeze %dma_wait3A_616 : memref<1x10000x64xf32, #tpu.memory_space<hbm>> -> memref<10000x64xf32, #tpu.memory_space<hbm>>
      %dma_wait3A_618 = arith.constant 0 : i32
      %dma_wait3A_619 = arith.constant 0 : i32
      %dma_wait3A_620 = tpu.memref_slice %dma_wait3A_617[%dma_wait3A_618, %dma_wait3A_619] : memref<10000x64xf32, #tpu.memory_space<hbm>> -> memref<10000x64xf32, #tpu.memory_space<hbm>>
      tpu.wait_indirect_dma semaphore(%arg20 : memref<!tpu.dma_semaphore, #tpu.memory_space<semaphore_mem>>) src(%dma_wait3A_620 : memref<10000x64xf32, #tpu.memory_space<hbm>>) dst(%arg13 : memref<80x64xf32, #tpu.memory_space<vmem>>)
      %dma_start3A_621 = arith.constant 0 : i32
      %dma_start3A_622 = tpu.memref_slice %arg10[%add3A_590, %dma_start3A_621] : memref<250x80xi32, #tpu.memory_space<vmem>> -> memref<1x80xi32, #tpu.memory_space<vmem>>
      %dma_start3A_623 = tpu.memref_squeeze %dma_start3A_622 : memref<1x80xi32, #tpu.memory_space<vmem>> -> memref<80xi32, #tpu.memory_space<vmem>>
      %dma_start3A_624 = arith.constant 0 : i32
      %dma_start3A_625 = arith.constant 0 : i32
      %dma_start3A_626 = tpu.memref_slice %arg17[%dma_start3A_624, %dma_start3A_625] : memref<10240x64xf32, #tpu.memory_space<vmem_shared>> -> memref<10240x64xf32, #tpu.memory_space<vmem_shared>>
      tpu.enqueue_indirect_dma source(%arg13 : memref<80x64xf32, #tpu.memory_space<vmem>>) target(%dma_start3A_626 : memref<10240x64xf32, #tpu.memory_space<vmem_shared>>) offsets(%dma_start3A_623 : memref<80xi32, #tpu.memory_space<vmem>>) semaphore(%arg26 : memref<!tpu.dma_semaphore, #tpu.memory_space<semaphore_mem>>) {add = true}
    }
    %scan3A_136 = arith.constant 40 : i32
    %dma_wait3A_137 = arith.constant 0 : i32
    %dma_wait3A_138 = arith.constant 0 : i32
    %dma_wait3A_139 = tpu.memref_slice %arg10[%dma_wait3A_137, %dma_wait3A_138] : memref<250x80xi32, #tpu.memory_space<vmem>> -> memref<1x80xi32, #tpu.memory_space<vmem>>
    %dma_wait3A_140 = tpu.memref_squeeze %dma_wait3A_139 : memref<1x80xi32, #tpu.memory_space<vmem>> -> memref<80xi32, #tpu.memory_space<vmem>>
    %dma_wait3A_141 = arith.constant 0 : i32
    %dma_wait3A_142 = arith.constant 0 : i32
    %dma_wait3A_143 = tpu.memref_slice %arg17[%dma_wait3A_141, %dma_wait3A_142] : memref<10240x64xf32, #tpu.memory_space<vmem_shared>> -> memref<10240x64xf32, #tpu.memory_space<vmem_shared>>
    tpu.wait_indirect_dma semaphore(%arg24 : memref<!tpu.dma_semaphore, #tpu.memory_space<semaphore_mem>>) src(%arg11 : memref<80x64xf32, #tpu.memory_space<vmem>>) dst(%dma_wait3A_143 : memref<10240x64xf32, #tpu.memory_space<vmem_shared>>)
    %dma_start3A_144 = arith.constant 246 : i32
    %dma_start3A_145 = arith.constant 0 : i32
    %dma_start3A_146 = tpu.memref_slice %arg9[%dma_start3A_144, %dma_start3A_145] : memref<250x80xi32, #tpu.memory_space<vmem>> -> memref<1x80xi32, #tpu.memory_space<vmem>>
    %dma_start3A_147 = tpu.memref_squeeze %dma_start3A_146 : memref<1x80xi32, #tpu.memory_space<vmem>> -> memref<80xi32, #tpu.memory_space<vmem>>
    %dma_start3A_148 = arith.constant 0 : i32
    %dma_start3A_149 = arith.constant 0 : i32
    %dma_start3A_150 = tpu.memref_slice %arg2[%arg0, %dma_start3A_148, %dma_start3A_149] : memref<2x10000x64xf32, #tpu.memory_space<hbm>> -> memref<1x10000x64xf32, #tpu.memory_space<hbm>>
    %dma_start3A_151 = tpu.memref_squeeze %dma_start3A_150 : memref<1x10000x64xf32, #tpu.memory_space<hbm>> -> memref<10000x64xf32, #tpu.memory_space<hbm>>
    %dma_start3A_152 = arith.constant 0 : i32
    %dma_start3A_153 = arith.constant 0 : i32
    %dma_start3A_154 = tpu.memref_slice %dma_start3A_151[%dma_start3A_152, %dma_start3A_153] : memref<10000x64xf32, #tpu.memory_space<hbm>> -> memref<10000x64xf32, #tpu.memory_space<hbm>>
    tpu.enqueue_indirect_dma source(%dma_start3A_154 : memref<10000x64xf32, #tpu.memory_space<hbm>>) target(%arg11 : memref<80x64xf32, #tpu.memory_space<vmem>>) offsets(%dma_start3A_147 : memref<80xi32, #tpu.memory_space<vmem>>) semaphore(%arg18 : memref<!tpu.dma_semaphore, #tpu.memory_space<semaphore_mem>>)
    %dma_wait3A_155 = arith.constant 0 : i32
    %dma_wait3A_156 = arith.constant 0 : i32
    %dma_wait3A_157 = tpu.memref_slice %arg9[%dma_wait3A_155, %dma_wait3A_156] : memref<250x80xi32, #tpu.memory_space<vmem>> -> memref<1x80xi32, #tpu.memory_space<vmem>>
    %dma_wait3A_158 = tpu.memref_squeeze %dma_wait3A_157 : memref<1x80xi32, #tpu.memory_space<vmem>> -> memref<80xi32, #tpu.memory_space<vmem>>
    %dma_wait3A_159 = arith.constant 0 : i32
    %dma_wait3A_160 = arith.constant 0 : i32
    %dma_wait3A_161 = tpu.memref_slice %arg2[%arg0, %dma_wait3A_159, %dma_wait3A_160] : memref<2x10000x64xf32, #tpu.memory_space<hbm>> -> memref<1x10000x64xf32, #tpu.memory_space<hbm>>
    %dma_wait3A_162 = tpu.memref_squeeze %dma_wait3A_161 : memref<1x10000x64xf32, #tpu.memory_space<hbm>> -> memref<10000x64xf32, #tpu.memory_space<hbm>>
    %dma_wait3A_163 = arith.constant 0 : i32
    %dma_wait3A_164 = arith.constant 0 : i32
    %dma_wait3A_165 = tpu.memref_slice %dma_wait3A_162[%dma_wait3A_163, %dma_wait3A_164] : memref<10000x64xf32, #tpu.memory_space<hbm>> -> memref<10000x64xf32, #tpu.memory_space<hbm>>
    tpu.wait_indirect_dma semaphore(%arg21 : memref<!tpu.dma_semaphore, #tpu.memory_space<semaphore_mem>>) src(%dma_wait3A_165 : memref<10000x64xf32, #tpu.memory_space<hbm>>) dst(%arg14 : memref<80x64xf32, #tpu.memory_space<vmem>>)
    %dma_start3A_166 = arith.constant 243 : i32
    %dma_start3A_167 = arith.constant 0 : i32
    %dma_start3A_168 = tpu.memref_slice %arg10[%dma_start3A_166, %dma_start3A_167] : memref<250x80xi32, #tpu.memory_space<vmem>> -> memref<1x80xi32, #tpu.memory_space<vmem>>
    %dma_start3A_169 = tpu.memref_squeeze %dma_start3A_168 : memref<1x80xi32, #tpu.memory_space<vmem>> -> memref<80xi32, #tpu.memory_space<vmem>>
    %dma_start3A_170 = arith.constant 0 : i32
    %dma_start3A_171 = arith.constant 0 : i32
    %dma_start3A_172 = tpu.memref_slice %arg17[%dma_start3A_170, %dma_start3A_171] : memref<10240x64xf32, #tpu.memory_space<vmem_shared>> -> memref<10240x64xf32, #tpu.memory_space<vmem_shared>>
    tpu.enqueue_indirect_dma source(%arg14 : memref<80x64xf32, #tpu.memory_space<vmem>>) target(%dma_start3A_172 : memref<10240x64xf32, #tpu.memory_space<vmem_shared>>) offsets(%dma_start3A_169 : memref<80xi32, #tpu.memory_space<vmem>>) semaphore(%arg27 : memref<!tpu.dma_semaphore, #tpu.memory_space<semaphore_mem>>) {add = true}
    %dma_wait3A_173 = arith.constant 0 : i32
    %dma_wait3A_174 = arith.constant 0 : i32
    %dma_wait3A_175 = tpu.memref_slice %arg10[%dma_wait3A_173, %dma_wait3A_174] : memref<250x80xi32, #tpu.memory_space<vmem>> -> memref<1x80xi32, #tpu.memory_space<vmem>>
    %dma_wait3A_176 = tpu.memref_squeeze %dma_wait3A_175 : memref<1x80xi32, #tpu.memory_space<vmem>> -> memref<80xi32, #tpu.memory_space<vmem>>
    %dma_wait3A_177 = arith.constant 0 : i32
    %dma_wait3A_178 = arith.constant 0 : i32
    %dma_wait3A_179 = tpu.memref_slice %arg17[%dma_wait3A_177, %dma_wait3A_178] : memref<10240x64xf32, #tpu.memory_space<vmem_shared>> -> memref<10240x64xf32, #tpu.memory_space<vmem_shared>>
    tpu.wait_indirect_dma semaphore(%arg25 : memref<!tpu.dma_semaphore, #tpu.memory_space<semaphore_mem>>) src(%arg12 : memref<80x64xf32, #tpu.memory_space<vmem>>) dst(%dma_wait3A_179 : memref<10240x64xf32, #tpu.memory_space<vmem_shared>>)
    %dma_start3A_180 = arith.constant 247 : i32
    %dma_start3A_181 = arith.constant 0 : i32
    %dma_start3A_182 = tpu.memref_slice %arg9[%dma_start3A_180, %dma_start3A_181] : memref<250x80xi32, #tpu.memory_space<vmem>> -> memref<1x80xi32, #tpu.memory_space<vmem>>
    %dma_start3A_183 = tpu.memref_squeeze %dma_start3A_182 : memref<1x80xi32, #tpu.memory_space<vmem>> -> memref<80xi32, #tpu.memory_space<vmem>>
    %dma_start3A_184 = arith.constant 0 : i32
    %dma_start3A_185 = arith.constant 0 : i32
    %dma_start3A_186 = tpu.memref_slice %arg2[%arg0, %dma_start3A_184, %dma_start3A_185] : memref<2x10000x64xf32, #tpu.memory_space<hbm>> -> memref<1x10000x64xf32, #tpu.memory_space<hbm>>
    %dma_start3A_187 = tpu.memref_squeeze %dma_start3A_186 : memref<1x10000x64xf32, #tpu.memory_space<hbm>> -> memref<10000x64xf32, #tpu.memory_space<hbm>>
    %dma_start3A_188 = arith.constant 0 : i32
    %dma_start3A_189 = arith.constant 0 : i32
    %dma_start3A_190 = tpu.memref_slice %dma_start3A_187[%dma_start3A_188, %dma_start3A_189] : memref<10000x64xf32, #tpu.memory_space<hbm>> -> memref<10000x64xf32, #tpu.memory_space<hbm>>
    tpu.enqueue_indirect_dma source(%dma_start3A_190 : memref<10000x64xf32, #tpu.memory_space<hbm>>) target(%arg12 : memref<80x64xf32, #tpu.memory_space<vmem>>) offsets(%dma_start3A_183 : memref<80xi32, #tpu.memory_space<vmem>>) semaphore(%arg19 : memref<!tpu.dma_semaphore, #tpu.memory_space<semaphore_mem>>)
    %dma_wait3A_191 = arith.constant 0 : i32
    %dma_wait3A_192 = arith.constant 0 : i32
    %dma_wait3A_193 = tpu.memref_slice %arg9[%dma_wait3A_191, %dma_wait3A_192] : memref<250x80xi32, #tpu.memory_space<vmem>> -> memref<1x80xi32, #tpu.memory_space<vmem>>
    %dma_wait3A_194 = tpu.memref_squeeze %dma_wait3A_193 : memref<1x80xi32, #tpu.memory_space<vmem>> -> memref<80xi32, #tpu.memory_space<vmem>>
    %dma_wait3A_195 = arith.constant 0 : i32
    %dma_wait3A_196 = arith.constant 0 : i32
    %dma_wait3A_197 = tpu.memref_slice %arg2[%arg0, %dma_wait3A_195, %dma_wait3A_196] : memref<2x10000x64xf32, #tpu.memory_space<hbm>> -> memref<1x10000x64xf32, #tpu.memory_space<hbm>>
    %dma_wait3A_198 = tpu.memref_squeeze %dma_wait3A_197 : memref<1x10000x64xf32, #tpu.memory_space<hbm>> -> memref<10000x64xf32, #tpu.memory_space<hbm>>
    %dma_wait3A_199 = arith.constant 0 : i32
    %dma_wait3A_200 = arith.constant 0 : i32
    %dma_wait3A_201 = tpu.memref_slice %dma_wait3A_198[%dma_wait3A_199, %dma_wait3A_200] : memref<10000x64xf32, #tpu.memory_space<hbm>> -> memref<10000x64xf32, #tpu.memory_space<hbm>>
    tpu.wait_indirect_dma semaphore(%arg22 : memref<!tpu.dma_semaphore, #tpu.memory_space<semaphore_mem>>) src(%dma_wait3A_201 : memref<10000x64xf32, #tpu.memory_space<hbm>>) dst(%arg15 : memref<80x64xf32, #tpu.memory_space<vmem>>)
    %dma_start3A_202 = arith.constant 244 : i32
    %dma_start3A_203 = arith.constant 0 : i32
    %dma_start3A_204 = tpu.memref_slice %arg10[%dma_start3A_202, %dma_start3A_203] : memref<250x80xi32, #tpu.memory_space<vmem>> -> memref<1x80xi32, #tpu.memory_space<vmem>>
    %dma_start3A_205 = tpu.memref_squeeze %dma_start3A_204 : memref<1x80xi32, #tpu.memory_space<vmem>> -> memref<80xi32, #tpu.memory_space<vmem>>
    %dma_start3A_206 = arith.constant 0 : i32
    %dma_start3A_207 = arith.constant 0 : i32
    %dma_start3A_208 = tpu.memref_slice %arg17[%dma_start3A_206, %dma_start3A_207] : memref<10240x64xf32, #tpu.memory_space<vmem_shared>> -> memref<10240x64xf32, #tpu.memory_space<vmem_shared>>
    tpu.enqueue_indirect_dma source(%arg15 : memref<80x64xf32, #tpu.memory_space<vmem>>) target(%dma_start3A_208 : memref<10240x64xf32, #tpu.memory_space<vmem_shared>>) offsets(%dma_start3A_205 : memref<80xi32, #tpu.memory_space<vmem>>) semaphore(%arg28 : memref<!tpu.dma_semaphore, #tpu.memory_space<semaphore_mem>>) {add = true}
    %dma_wait3A_209 = arith.constant 0 : i32
    %dma_wait3A_210 = arith.constant 0 : i32
    %dma_wait3A_211 = tpu.memref_slice %arg10[%dma_wait3A_209, %dma_wait3A_210] : memref<250x80xi32, #tpu.memory_space<vmem>> -> memref<1x80xi32, #tpu.memory_space<vmem>>
    %dma_wait3A_212 = tpu.memref_squeeze %dma_wait3A_211 : memref<1x80xi32, #tpu.memory_space<vmem>> -> memref<80xi32, #tpu.memory_space<vmem>>
    %dma_wait3A_213 = arith.constant 0 : i32
    %dma_wait3A_214 = arith.constant 0 : i32
    %dma_wait3A_215 = tpu.memref_slice %arg17[%dma_wait3A_213, %dma_wait3A_214] : memref<10240x64xf32, #tpu.memory_space<vmem_shared>> -> memref<10240x64xf32, #tpu.memory_space<vmem_shared>>
    tpu.wait_indirect_dma semaphore(%arg26 : memref<!tpu.dma_semaphore, #tpu.memory_space<semaphore_mem>>) src(%arg13 : memref<80x64xf32, #tpu.memory_space<vmem>>) dst(%dma_wait3A_215 : memref<10240x64xf32, #tpu.memory_space<vmem_shared>>)
    %dma_start3A_216 = arith.constant 248 : i32
    %dma_start3A_217 = arith.constant 0 : i32
    %dma_start3A_218 = tpu.memref_slice %arg9[%dma_start3A_216, %dma_start3A_217] : memref<250x80xi32, #tpu.memory_space<vmem>> -> memref<1x80xi32, #tpu.memory_space<vmem>>
    %dma_start3A_219 = tpu.memref_squeeze %dma_start3A_218 : memref<1x80xi32, #tpu.memory_space<vmem>> -> memref<80xi32, #tpu.memory_space<vmem>>
    %dma_start3A_220 = arith.constant 0 : i32
    %dma_start3A_221 = arith.constant 0 : i32
    %dma_start3A_222 = tpu.memref_slice %arg2[%arg0, %dma_start3A_220, %dma_start3A_221] : memref<2x10000x64xf32, #tpu.memory_space<hbm>> -> memref<1x10000x64xf32, #tpu.memory_space<hbm>>
    %dma_start3A_223 = tpu.memref_squeeze %dma_start3A_222 : memref<1x10000x64xf32, #tpu.memory_space<hbm>> -> memref<10000x64xf32, #tpu.memory_space<hbm>>
    %dma_start3A_224 = arith.constant 0 : i32
    %dma_start3A_225 = arith.constant 0 : i32
    %dma_start3A_226 = tpu.memref_slice %dma_start3A_223[%dma_start3A_224, %dma_start3A_225] : memref<10000x64xf32, #tpu.memory_space<hbm>> -> memref<10000x64xf32, #tpu.memory_space<hbm>>
    tpu.enqueue_indirect_dma source(%dma_start3A_226 : memref<10000x64xf32, #tpu.memory_space<hbm>>) target(%arg13 : memref<80x64xf32, #tpu.memory_space<vmem>>) offsets(%dma_start3A_219 : memref<80xi32, #tpu.memory_space<vmem>>) semaphore(%arg20 : memref<!tpu.dma_semaphore, #tpu.memory_space<semaphore_mem>>)
    %dma_wait3A_227 = arith.constant 0 : i32
    %dma_wait3A_228 = arith.constant 0 : i32
    %dma_wait3A_229 = tpu.memref_slice %arg9[%dma_wait3A_227, %dma_wait3A_228] : memref<250x80xi32, #tpu.memory_space<vmem>> -> memref<1x80xi32, #tpu.memory_space<vmem>>
    %dma_wait3A_230 = tpu.memref_squeeze %dma_wait3A_229 : memref<1x80xi32, #tpu.memory_space<vmem>> -> memref<80xi32, #tpu.memory_space<vmem>>
    %dma_wait3A_231 = arith.constant 0 : i32
    %dma_wait3A_232 = arith.constant 0 : i32
    %dma_wait3A_233 = tpu.memref_slice %arg2[%arg0, %dma_wait3A_231, %dma_wait3A_232] : memref<2x10000x64xf32, #tpu.memory_space<hbm>> -> memref<1x10000x64xf32, #tpu.memory_space<hbm>>
    %dma_wait3A_234 = tpu.memref_squeeze %dma_wait3A_233 : memref<1x10000x64xf32, #tpu.memory_space<hbm>> -> memref<10000x64xf32, #tpu.memory_space<hbm>>
    %dma_wait3A_235 = arith.constant 0 : i32
    %dma_wait3A_236 = arith.constant 0 : i32
    %dma_wait3A_237 = tpu.memref_slice %dma_wait3A_234[%dma_wait3A_235, %dma_wait3A_236] : memref<10000x64xf32, #tpu.memory_space<hbm>> -> memref<10000x64xf32, #tpu.memory_space<hbm>>
    tpu.wait_indirect_dma semaphore(%arg23 : memref<!tpu.dma_semaphore, #tpu.memory_space<semaphore_mem>>) src(%dma_wait3A_237 : memref<10000x64xf32, #tpu.memory_space<hbm>>) dst(%arg16 : memref<80x64xf32, #tpu.memory_space<vmem>>)
    %dma_start3A_238 = arith.constant 245 : i32
    %dma_start3A_239 = arith.constant 0 : i32
    %dma_start3A_240 = tpu.memref_slice %arg10[%dma_start3A_238, %dma_start3A_239] : memref<250x80xi32, #tpu.memory_space<vmem>> -> memref<1x80xi32, #tpu.memory_space<vmem>>
    %dma_start3A_241 = tpu.memref_squeeze %dma_start3A_240 : memref<1x80xi32, #tpu.memory_space<vmem>> -> memref<80xi32, #tpu.memory_space<vmem>>
    %dma_start3A_242 = arith.constant 0 : i32
    %dma_start3A_243 = arith.constant 0 : i32
    %dma_start3A_244 = tpu.memref_slice %arg17[%dma_start3A_242, %dma_start3A_243] : memref<10240x64xf32, #tpu.memory_space<vmem_shared>> -> memref<10240x64xf32, #tpu.memory_space<vmem_shared>>
    tpu.enqueue_indirect_dma source(%arg16 : memref<80x64xf32, #tpu.memory_space<vmem>>) target(%dma_start3A_244 : memref<10240x64xf32, #tpu.memory_space<vmem_shared>>) offsets(%dma_start3A_241 : memref<80xi32, #tpu.memory_space<vmem>>) semaphore(%arg29 : memref<!tpu.dma_semaphore, #tpu.memory_space<semaphore_mem>>) {add = true}
    %dma_wait3A_245 = arith.constant 0 : i32
    %dma_wait3A_246 = arith.constant 0 : i32
    %dma_wait3A_247 = tpu.memref_slice %arg10[%dma_wait3A_245, %dma_wait3A_246] : memref<250x80xi32, #tpu.memory_space<vmem>> -> memref<1x80xi32, #tpu.memory_space<vmem>>
    %dma_wait3A_248 = tpu.memref_squeeze %dma_wait3A_247 : memref<1x80xi32, #tpu.memory_space<vmem>> -> memref<80xi32, #tpu.memory_space<vmem>>
    %dma_wait3A_249 = arith.constant 0 : i32
    %dma_wait3A_250 = arith.constant 0 : i32
    %dma_wait3A_251 = tpu.memref_slice %arg17[%dma_wait3A_249, %dma_wait3A_250] : memref<10240x64xf32, #tpu.memory_space<vmem_shared>> -> memref<10240x64xf32, #tpu.memory_space<vmem_shared>>
    tpu.wait_indirect_dma semaphore(%arg27 : memref<!tpu.dma_semaphore, #tpu.memory_space<semaphore_mem>>) src(%arg14 : memref<80x64xf32, #tpu.memory_space<vmem>>) dst(%dma_wait3A_251 : memref<10240x64xf32, #tpu.memory_space<vmem_shared>>)
    %dma_start3A_252 = arith.constant 249 : i32
    %dma_start3A_253 = arith.constant 0 : i32
    %dma_start3A_254 = tpu.memref_slice %arg9[%dma_start3A_252, %dma_start3A_253] : memref<250x80xi32, #tpu.memory_space<vmem>> -> memref<1x80xi32, #tpu.memory_space<vmem>>
    %dma_start3A_255 = tpu.memref_squeeze %dma_start3A_254 : memref<1x80xi32, #tpu.memory_space<vmem>> -> memref<80xi32, #tpu.memory_space<vmem>>
    %dma_start3A_256 = arith.constant 0 : i32
    %dma_start3A_257 = arith.constant 0 : i32
    %dma_start3A_258 = tpu.memref_slice %arg2[%arg0, %dma_start3A_256, %dma_start3A_257] : memref<2x10000x64xf32, #tpu.memory_space<hbm>> -> memref<1x10000x64xf32, #tpu.memory_space<hbm>>
    %dma_start3A_259 = tpu.memref_squeeze %dma_start3A_258 : memref<1x10000x64xf32, #tpu.memory_space<hbm>> -> memref<10000x64xf32, #tpu.memory_space<hbm>>
    %dma_start3A_260 = arith.constant 0 : i32
    %dma_start3A_261 = arith.constant 0 : i32
    %dma_start3A_262 = tpu.memref_slice %dma_start3A_259[%dma_start3A_260, %dma_start3A_261] : memref<10000x64xf32, #tpu.memory_space<hbm>> -> memref<10000x64xf32, #tpu.memory_space<hbm>>
    tpu.enqueue_indirect_dma source(%dma_start3A_262 : memref<10000x64xf32, #tpu.memory_space<hbm>>) target(%arg14 : memref<80x64xf32, #tpu.memory_space<vmem>>) offsets(%dma_start3A_255 : memref<80xi32, #tpu.memory_space<vmem>>) semaphore(%arg21 : memref<!tpu.dma_semaphore, #tpu.memory_space<semaphore_mem>>)
    %dma_wait3A_263 = arith.constant 0 : i32
    %dma_wait3A_264 = arith.constant 0 : i32
    %dma_wait3A_265 = tpu.memref_slice %arg9[%dma_wait3A_263, %dma_wait3A_264] : memref<250x80xi32, #tpu.memory_space<vmem>> -> memref<1x80xi32, #tpu.memory_space<vmem>>
    %dma_wait3A_266 = tpu.memref_squeeze %dma_wait3A_265 : memref<1x80xi32, #tpu.memory_space<vmem>> -> memref<80xi32, #tpu.memory_space<vmem>>
    %dma_wait3A_267 = arith.constant 0 : i32
    %dma_wait3A_268 = arith.constant 0 : i32
    %dma_wait3A_269 = tpu.memref_slice %arg2[%arg0, %dma_wait3A_267, %dma_wait3A_268] : memref<2x10000x64xf32, #tpu.memory_space<hbm>> -> memref<1x10000x64xf32, #tpu.memory_space<hbm>>
    %dma_wait3A_270 = tpu.memref_squeeze %dma_wait3A_269 : memref<1x10000x64xf32, #tpu.memory_space<hbm>> -> memref<10000x64xf32, #tpu.memory_space<hbm>>
    %dma_wait3A_271 = arith.constant 0 : i32
    %dma_wait3A_272 = arith.constant 0 : i32
    %dma_wait3A_273 = tpu.memref_slice %dma_wait3A_270[%dma_wait3A_271, %dma_wait3A_272] : memref<10000x64xf32, #tpu.memory_space<hbm>> -> memref<10000x64xf32, #tpu.memory_space<hbm>>
    tpu.wait_indirect_dma semaphore(%arg18 : memref<!tpu.dma_semaphore, #tpu.memory_space<semaphore_mem>>) src(%dma_wait3A_273 : memref<10000x64xf32, #tpu.memory_space<hbm>>) dst(%arg11 : memref<80x64xf32, #tpu.memory_space<vmem>>)
    %dma_start3A_274 = arith.constant 246 : i32
    %dma_start3A_275 = arith.constant 0 : i32
    %dma_start3A_276 = tpu.memref_slice %arg10[%dma_start3A_274, %dma_start3A_275] : memref<250x80xi32, #tpu.memory_space<vmem>> -> memref<1x80xi32, #tpu.memory_space<vmem>>
    %dma_start3A_277 = tpu.memref_squeeze %dma_start3A_276 : memref<1x80xi32, #tpu.memory_space<vmem>> -> memref<80xi32, #tpu.memory_space<vmem>>
    %dma_start3A_278 = arith.constant 0 : i32
    %dma_start3A_279 = arith.constant 0 : i32
    %dma_start3A_280 = tpu.memref_slice %arg17[%dma_start3A_278, %dma_start3A_279] : memref<10240x64xf32, #tpu.memory_space<vmem_shared>> -> memref<10240x64xf32, #tpu.memory_space<vmem_shared>>
    tpu.enqueue_indirect_dma source(%arg11 : memref<80x64xf32, #tpu.memory_space<vmem>>) target(%dma_start3A_280 : memref<10240x64xf32, #tpu.memory_space<vmem_shared>>) offsets(%dma_start3A_277 : memref<80xi32, #tpu.memory_space<vmem>>) semaphore(%arg24 : memref<!tpu.dma_semaphore, #tpu.memory_space<semaphore_mem>>) {add = true}
    %dma_wait3A_281 = arith.constant 0 : i32
    %dma_wait3A_282 = arith.constant 0 : i32
    %dma_wait3A_283 = tpu.memref_slice %arg10[%dma_wait3A_281, %dma_wait3A_282] : memref<250x80xi32, #tpu.memory_space<vmem>> -> memref<1x80xi32, #tpu.memory_space<vmem>>
    %dma_wait3A_284 = tpu.memref_squeeze %dma_wait3A_283 : memref<1x80xi32, #tpu.memory_space<vmem>> -> memref<80xi32, #tpu.memory_space<vmem>>
    %dma_wait3A_285 = arith.constant 0 : i32
    %dma_wait3A_286 = arith.constant 0 : i32
    %dma_wait3A_287 = tpu.memref_slice %arg17[%dma_wait3A_285, %dma_wait3A_286] : memref<10240x64xf32, #tpu.memory_space<vmem_shared>> -> memref<10240x64xf32, #tpu.memory_space<vmem_shared>>
    tpu.wait_indirect_dma semaphore(%arg28 : memref<!tpu.dma_semaphore, #tpu.memory_space<semaphore_mem>>) src(%arg15 : memref<80x64xf32, #tpu.memory_space<vmem>>) dst(%dma_wait3A_287 : memref<10240x64xf32, #tpu.memory_space<vmem_shared>>)
    %dma_wait3A_288 = arith.constant 0 : i32
    %dma_wait3A_289 = arith.constant 0 : i32
    %dma_wait3A_290 = tpu.memref_slice %arg9[%dma_wait3A_288, %dma_wait3A_289] : memref<250x80xi32, #tpu.memory_space<vmem>> -> memref<1x80xi32, #tpu.memory_space<vmem>>
    %dma_wait3A_291 = tpu.memref_squeeze %dma_wait3A_290 : memref<1x80xi32, #tpu.memory_space<vmem>> -> memref<80xi32, #tpu.memory_space<vmem>>
    %dma_wait3A_292 = arith.constant 0 : i32
    %dma_wait3A_293 = arith.constant 0 : i32
    %dma_wait3A_294 = tpu.memref_slice %arg2[%arg0, %dma_wait3A_292, %dma_wait3A_293] : memref<2x10000x64xf32, #tpu.memory_space<hbm>> -> memref<1x10000x64xf32, #tpu.memory_space<hbm>>
    %dma_wait3A_295 = tpu.memref_squeeze %dma_wait3A_294 : memref<1x10000x64xf32, #tpu.memory_space<hbm>> -> memref<10000x64xf32, #tpu.memory_space<hbm>>
    %dma_wait3A_296 = arith.constant 0 : i32
    %dma_wait3A_297 = arith.constant 0 : i32
    %dma_wait3A_298 = tpu.memref_slice %dma_wait3A_295[%dma_wait3A_296, %dma_wait3A_297] : memref<10000x64xf32, #tpu.memory_space<hbm>> -> memref<10000x64xf32, #tpu.memory_space<hbm>>
    tpu.wait_indirect_dma semaphore(%arg19 : memref<!tpu.dma_semaphore, #tpu.memory_space<semaphore_mem>>) src(%dma_wait3A_298 : memref<10000x64xf32, #tpu.memory_space<hbm>>) dst(%arg12 : memref<80x64xf32, #tpu.memory_space<vmem>>)
    %dma_start3A_299 = arith.constant 247 : i32
    %dma_start3A_300 = arith.constant 0 : i32
    %dma_start3A_301 = tpu.memref_slice %arg10[%dma_start3A_299, %dma_start3A_300] : memref<250x80xi32, #tpu.memory_space<vmem>> -> memref<1x80xi32, #tpu.memory_space<vmem>>
    %dma_start3A_302 = tpu.memref_squeeze %dma_start3A_301 : memref<1x80xi32, #tpu.memory_space<vmem>> -> memref<80xi32, #tpu.memory_space<vmem>>
    %dma_start3A_303 = arith.constant 0 : i32
    %dma_start3A_304 = arith.constant 0 : i32
    %dma_start3A_305 = tpu.memref_slice %arg17[%dma_start3A_303, %dma_start3A_304] : memref<10240x64xf32, #tpu.memory_space<vmem_shared>> -> memref<10240x64xf32, #tpu.memory_space<vmem_shared>>
    tpu.enqueue_indirect_dma source(%arg12 : memref<80x64xf32, #tpu.memory_space<vmem>>) target(%dma_start3A_305 : memref<10240x64xf32, #tpu.memory_space<vmem_shared>>) offsets(%dma_start3A_302 : memref<80xi32, #tpu.memory_space<vmem>>) semaphore(%arg25 : memref<!tpu.dma_semaphore, #tpu.memory_space<semaphore_mem>>) {add = true}
    %dma_wait3A_306 = arith.constant 0 : i32
    %dma_wait3A_307 = arith.constant 0 : i32
    %dma_wait3A_308 = tpu.memref_slice %arg10[%dma_wait3A_306, %dma_wait3A_307] : memref<250x80xi32, #tpu.memory_space<vmem>> -> memref<1x80xi32, #tpu.memory_space<vmem>>
    %dma_wait3A_309 = tpu.memref_squeeze %dma_wait3A_308 : memref<1x80xi32, #tpu.memory_space<vmem>> -> memref<80xi32, #tpu.memory_space<vmem>>
    %dma_wait3A_310 = arith.constant 0 : i32
    %dma_wait3A_311 = arith.constant 0 : i32
    %dma_wait3A_312 = tpu.memref_slice %arg17[%dma_wait3A_310, %dma_wait3A_311] : memref<10240x64xf32, #tpu.memory_space<vmem_shared>> -> memref<10240x64xf32, #tpu.memory_space<vmem_shared>>
    tpu.wait_indirect_dma semaphore(%arg29 : memref<!tpu.dma_semaphore, #tpu.memory_space<semaphore_mem>>) src(%arg16 : memref<80x64xf32, #tpu.memory_space<vmem>>) dst(%dma_wait3A_312 : memref<10240x64xf32, #tpu.memory_space<vmem_shared>>)
    %dma_wait3A_313 = arith.constant 0 : i32
    %dma_wait3A_314 = arith.constant 0 : i32
    %dma_wait3A_315 = tpu.memref_slice %arg9[%dma_wait3A_313, %dma_wait3A_314] : memref<250x80xi32, #tpu.memory_space<vmem>> -> memref<1x80xi32, #tpu.memory_space<vmem>>
    %dma_wait3A_316 = tpu.memref_squeeze %dma_wait3A_315 : memref<1x80xi32, #tpu.memory_space<vmem>> -> memref<80xi32, #tpu.memory_space<vmem>>
    %dma_wait3A_317 = arith.constant 0 : i32
    %dma_wait3A_318 = arith.constant 0 : i32
    %dma_wait3A_319 = tpu.memref_slice %arg2[%arg0, %dma_wait3A_317, %dma_wait3A_318] : memref<2x10000x64xf32, #tpu.memory_space<hbm>> -> memref<1x10000x64xf32, #tpu.memory_space<hbm>>
    %dma_wait3A_320 = tpu.memref_squeeze %dma_wait3A_319 : memref<1x10000x64xf32, #tpu.memory_space<hbm>> -> memref<10000x64xf32, #tpu.memory_space<hbm>>
    %dma_wait3A_321 = arith.constant 0 : i32
    %dma_wait3A_322 = arith.constant 0 : i32
    %dma_wait3A_323 = tpu.memref_slice %dma_wait3A_320[%dma_wait3A_321, %dma_wait3A_322] : memref<10000x64xf32, #tpu.memory_space<hbm>> -> memref<10000x64xf32, #tpu.memory_space<hbm>>
    tpu.wait_indirect_dma semaphore(%arg20 : memref<!tpu.dma_semaphore, #tpu.memory_space<semaphore_mem>>) src(%dma_wait3A_323 : memref<10000x64xf32, #tpu.memory_space<hbm>>) dst(%arg13 : memref<80x64xf32, #tpu.memory_space<vmem>>)
    %dma_start3A_324 = arith.constant 248 : i32
    %dma_start3A_325 = arith.constant 0 : i32
    %dma_start3A_326 = tpu.memref_slice %arg10[%dma_start3A_324, %dma_start3A_325] : memref<250x80xi32, #tpu.memory_space<vmem>> -> memref<1x80xi32, #tpu.memory_space<vmem>>
    %dma_start3A_327 = tpu.memref_squeeze %dma_start3A_326 : memref<1x80xi32, #tpu.memory_space<vmem>> -> memref<80xi32, #tpu.memory_space<vmem>>
    %dma_start3A_328 = arith.constant 0 : i32
    %dma_start3A_329 = arith.constant 0 : i32
    %dma_start3A_330 = tpu.memref_slice %arg17[%dma_start3A_328, %dma_start3A_329] : memref<10240x64xf32, #tpu.memory_space<vmem_shared>> -> memref<10240x64xf32, #tpu.memory_space<vmem_shared>>
    tpu.enqueue_indirect_dma source(%arg13 : memref<80x64xf32, #tpu.memory_space<vmem>>) target(%dma_start3A_330 : memref<10240x64xf32, #tpu.memory_space<vmem_shared>>) offsets(%dma_start3A_327 : memref<80xi32, #tpu.memory_space<vmem>>) semaphore(%arg26 : memref<!tpu.dma_semaphore, #tpu.memory_space<semaphore_mem>>) {add = true}
    %dma_wait3A_331 = arith.constant 0 : i32
    %dma_wait3A_332 = arith.constant 0 : i32
    %dma_wait3A_333 = tpu.memref_slice %arg10[%dma_wait3A_331, %dma_wait3A_332] : memref<250x80xi32, #tpu.memory_space<vmem>> -> memref<1x80xi32, #tpu.memory_space<vmem>>
    %dma_wait3A_334 = tpu.memref_squeeze %dma_wait3A_333 : memref<1x80xi32, #tpu.memory_space<vmem>> -> memref<80xi32, #tpu.memory_space<vmem>>
    %dma_wait3A_335 = arith.constant 0 : i32
    %dma_wait3A_336 = arith.constant 0 : i32
    %dma_wait3A_337 = tpu.memref_slice %arg17[%dma_wait3A_335, %dma_wait3A_336] : memref<10240x64xf32, #tpu.memory_space<vmem_shared>> -> memref<10240x64xf32, #tpu.memory_space<vmem_shared>>
    tpu.wait_indirect_dma semaphore(%arg24 : memref<!tpu.dma_semaphore, #tpu.memory_space<semaphore_mem>>) src(%arg11 : memref<80x64xf32, #tpu.memory_space<vmem>>) dst(%dma_wait3A_337 : memref<10240x64xf32, #tpu.memory_space<vmem_shared>>)
    %dma_wait3A_338 = arith.constant 0 : i32
    %dma_wait3A_339 = arith.constant 0 : i32
    %dma_wait3A_340 = tpu.memref_slice %arg9[%dma_wait3A_338, %dma_wait3A_339] : memref<250x80xi32, #tpu.memory_space<vmem>> -> memref<1x80xi32, #tpu.memory_space<vmem>>
    %dma_wait3A_341 = tpu.memref_squeeze %dma_wait3A_340 : memref<1x80xi32, #tpu.memory_space<vmem>> -> memref<80xi32, #tpu.memory_space<vmem>>
    %dma_wait3A_342 = arith.constant 0 : i32
    %dma_wait3A_343 = arith.constant 0 : i32
    %dma_wait3A_344 = tpu.memref_slice %arg2[%arg0, %dma_wait3A_342, %dma_wait3A_343] : memref<2x10000x64xf32, #tpu.memory_space<hbm>> -> memref<1x10000x64xf32, #tpu.memory_space<hbm>>
    %dma_wait3A_345 = tpu.memref_squeeze %dma_wait3A_344 : memref<1x10000x64xf32, #tpu.memory_space<hbm>> -> memref<10000x64xf32, #tpu.memory_space<hbm>>
    %dma_wait3A_346 = arith.constant 0 : i32
    %dma_wait3A_347 = arith.constant 0 : i32
    %dma_wait3A_348 = tpu.memref_slice %dma_wait3A_345[%dma_wait3A_346, %dma_wait3A_347] : memref<10000x64xf32, #tpu.memory_space<hbm>> -> memref<10000x64xf32, #tpu.memory_space<hbm>>
    tpu.wait_indirect_dma semaphore(%arg21 : memref<!tpu.dma_semaphore, #tpu.memory_space<semaphore_mem>>) src(%dma_wait3A_348 : memref<10000x64xf32, #tpu.memory_space<hbm>>) dst(%arg14 : memref<80x64xf32, #tpu.memory_space<vmem>>)
    %dma_start3A_349 = arith.constant 249 : i32
    %dma_start3A_350 = arith.constant 0 : i32
    %dma_start3A_351 = tpu.memref_slice %arg10[%dma_start3A_349, %dma_start3A_350] : memref<250x80xi32, #tpu.memory_space<vmem>> -> memref<1x80xi32, #tpu.memory_space<vmem>>
    %dma_start3A_352 = tpu.memref_squeeze %dma_start3A_351 : memref<1x80xi32, #tpu.memory_space<vmem>> -> memref<80xi32, #tpu.memory_space<vmem>>
    %dma_start3A_353 = arith.constant 0 : i32
    %dma_start3A_354 = arith.constant 0 : i32
    %dma_start3A_355 = tpu.memref_slice %arg17[%dma_start3A_353, %dma_start3A_354] : memref<10240x64xf32, #tpu.memory_space<vmem_shared>> -> memref<10240x64xf32, #tpu.memory_space<vmem_shared>>
    tpu.enqueue_indirect_dma source(%arg14 : memref<80x64xf32, #tpu.memory_space<vmem>>) target(%dma_start3A_355 : memref<10240x64xf32, #tpu.memory_space<vmem_shared>>) offsets(%dma_start3A_352 : memref<80xi32, #tpu.memory_space<vmem>>) semaphore(%arg27 : memref<!tpu.dma_semaphore, #tpu.memory_space<semaphore_mem>>) {add = true}
    %dma_wait3A_356 = arith.constant 0 : i32
    %dma_wait3A_357 = arith.constant 0 : i32
    %dma_wait3A_358 = tpu.memref_slice %arg10[%dma_wait3A_356, %dma_wait3A_357] : memref<250x80xi32, #tpu.memory_space<vmem>> -> memref<1x80xi32, #tpu.memory_space<vmem>>
    %dma_wait3A_359 = tpu.memref_squeeze %dma_wait3A_358 : memref<1x80xi32, #tpu.memory_space<vmem>> -> memref<80xi32, #tpu.memory_space<vmem>>
    %dma_wait3A_360 = arith.constant 0 : i32
    %dma_wait3A_361 = arith.constant 0 : i32
    %dma_wait3A_362 = tpu.memref_slice %arg17[%dma_wait3A_360, %dma_wait3A_361] : memref<10240x64xf32, #tpu.memory_space<vmem_shared>> -> memref<10240x64xf32, #tpu.memory_space<vmem_shared>>
    tpu.wait_indirect_dma semaphore(%arg25 : memref<!tpu.dma_semaphore, #tpu.memory_space<semaphore_mem>>) src(%arg12 : memref<80x64xf32, #tpu.memory_space<vmem>>) dst(%dma_wait3A_362 : memref<10240x64xf32, #tpu.memory_space<vmem_shared>>)
    %dma_wait3A_363 = arith.constant 0 : i32
    %dma_wait3A_364 = arith.constant 0 : i32
    %dma_wait3A_365 = tpu.memref_slice %arg10[%dma_wait3A_363, %dma_wait3A_364] : memref<250x80xi32, #tpu.memory_space<vmem>> -> memref<1x80xi32, #tpu.memory_space<vmem>>
    %dma_wait3A_366 = tpu.memref_squeeze %dma_wait3A_365 : memref<1x80xi32, #tpu.memory_space<vmem>> -> memref<80xi32, #tpu.memory_space<vmem>>
    %dma_wait3A_367 = arith.constant 0 : i32
    %dma_wait3A_368 = arith.constant 0 : i32
    %dma_wait3A_369 = tpu.memref_slice %arg17[%dma_wait3A_367, %dma_wait3A_368] : memref<10240x64xf32, #tpu.memory_space<vmem_shared>> -> memref<10240x64xf32, #tpu.memory_space<vmem_shared>>
    tpu.wait_indirect_dma semaphore(%arg26 : memref<!tpu.dma_semaphore, #tpu.memory_space<semaphore_mem>>) src(%arg13 : memref<80x64xf32, #tpu.memory_space<vmem>>) dst(%dma_wait3A_369 : memref<10240x64xf32, #tpu.memory_space<vmem_shared>>)
    %dma_wait3A_370 = arith.constant 0 : i32
    %dma_wait3A_371 = arith.constant 0 : i32
    %dma_wait3A_372 = tpu.memref_slice %arg10[%dma_wait3A_370, %dma_wait3A_371] : memref<250x80xi32, #tpu.memory_space<vmem>> -> memref<1x80xi32, #tpu.memory_space<vmem>>
    %dma_wait3A_373 = tpu.memref_squeeze %dma_wait3A_372 : memref<1x80xi32, #tpu.memory_space<vmem>> -> memref<80xi32, #tpu.memory_space<vmem>>
    %dma_wait3A_374 = arith.constant 0 : i32
    %dma_wait3A_375 = arith.constant 0 : i32
    %dma_wait3A_376 = tpu.memref_slice %arg17[%dma_wait3A_374, %dma_wait3A_375] : memref<10240x64xf32, #tpu.memory_space<vmem_shared>> -> memref<10240x64xf32, #tpu.memory_space<vmem_shared>>
    tpu.wait_indirect_dma semaphore(%arg27 : memref<!tpu.dma_semaphore, #tpu.memory_space<semaphore_mem>>) src(%arg14 : memref<80x64xf32, #tpu.memory_space<vmem>>) dst(%dma_wait3A_376 : memref<10240x64xf32, #tpu.memory_space<vmem_shared>>)
    %scan3A_377 = arith.constant 0 : i32
    %scan3A_378 = arith.constant 125 : i32
    %scan3A_379 = arith.addi %scan3A_377, %scan3A_378 : i32
    %scan3A_380 = arith.constant 1 : i32
    scf.for %scan3A_391 = %scan3A_377 to %scan3A_379 step %scan3A_380  : i32 {
      %mul3A_392 = arith.constant 1 : i32
      %mul3A_393 = arith.muli %scan3A_391, %mul3A_392 : i32
      %add3A = arith.constant 0 : i32
      %add3A_394 = arith.addi %add3A, %mul3A_393 : i32
      %dma_wait3A_395 = arith.constant 0 : i32
      %dma_wait3A_396 = arith.constant 0 : i32
      %dma_wait3A_397 = tpu.memref_slice %arg10[%dma_wait3A_395, %dma_wait3A_396] : memref<250x80xi32, #tpu.memory_space<vmem>> -> memref<1x80xi32, #tpu.memory_space<vmem>>
      %dma_wait3A_398 = tpu.memref_squeeze %dma_wait3A_397 : memref<1x80xi32, #tpu.memory_space<vmem>> -> memref<80xi32, #tpu.memory_space<vmem>>
      %dma_wait3A_399 = arith.constant 0 : i32
      %dma_wait3A_400 = arith.constant 0 : i32
      %dma_wait3A_401 = tpu.memref_slice %arg31[%dma_wait3A_399, %dma_wait3A_400] : memref<10240x16xf32, #tpu.memory_space<vmem_shared>> -> memref<10240x16xf32, #tpu.memory_space<vmem_shared>>
      tpu.wait_indirect_dma semaphore(%arg32 : memref<!tpu.dma_semaphore, #tpu.memory_space<semaphore_mem>>) src(%arg30 : memref<80x16xf32, #tpu.memory_space<vmem>>) dst(%dma_wait3A_401 : memref<10240x16xf32, #tpu.memory_space<vmem_shared>>)
    }
    %scan3A_381 = arith.constant 125 : i32
    %barrier3A_382 = arith.constant 0 : index
    tpu.barrier barrier_id(%barrier3A_382)
    %mul3A_383 = arith.constant 640 : i32
    %mul3A_384 = arith.muli %arg1, %mul3A_383 : i32
    %mul3A_385 = arith.constant 640 : i32
    %mul3A_386 = arith.muli %arg1, %mul3A_385 : i32
    "tpu.region"() ({
      %run_scoped3A_391 = tpu.sem_alloc : memref<!tpu.dma_semaphore, #tpu.memory_space<semaphore_mem>>
      %dma_start3A_392 = arith.constant 0 : i32
      %dma_start3A_393 = tpu.memref_slice %arg7[%arg0, %mul3A_386, %dma_start3A_392] : memref<2x10240x64xf32, #tpu.memory_space<hbm>> -> memref<1x640x64xf32, #tpu.memory_space<hbm>>
      %dma_start3A_394 = tpu.memref_squeeze %dma_start3A_393 : memref<1x640x64xf32, #tpu.memory_space<hbm>> -> memref<640x64xf32, #tpu.memory_space<hbm>>
      %dma_start3A_395 = arith.constant 0 : i32
      %dma_start3A_396 = tpu.memref_slice %arg17[%mul3A_384, %dma_start3A_395] : memref<10240x64xf32, #tpu.memory_space<vmem_shared>> -> memref<640x64xf32, #tpu.memory_space<vmem_shared>>
      tpu.enqueue_dma source(%dma_start3A_396 : memref<640x64xf32, #tpu.memory_space<vmem_shared>>) target(%dma_start3A_394 : memref<640x64xf32, #tpu.memory_space<hbm>>) target_semaphore(%run_scoped3A_391 : memref<!tpu.dma_semaphore, #tpu.memory_space<semaphore_mem>>)
      %dma_wait3A_397 = arith.constant 0 : i32
      %dma_wait3A_398 = tpu.memref_slice %arg7[%arg0, %mul3A_386, %dma_wait3A_397] : memref<2x10240x64xf32, #tpu.memory_space<hbm>> -> memref<1x640x64xf32, #tpu.memory_space<hbm>>
      %dma_wait3A_399 = tpu.memref_squeeze %dma_wait3A_398 : memref<1x640x64xf32, #tpu.memory_space<hbm>> -> memref<640x64xf32, #tpu.memory_space<hbm>>
      %dma_wait3A_400 = arith.constant 0 : i32
      %dma_wait3A_401 = tpu.memref_slice %arg17[%mul3A_384, %dma_wait3A_400] : memref<10240x64xf32, #tpu.memory_space<vmem_shared>> -> memref<640x64xf32, #tpu.memory_space<vmem_shared>>
      tpu.wait_dma2 semaphore(%run_scoped3A_391 : memref<!tpu.dma_semaphore, #tpu.memory_space<semaphore_mem>>) src(%dma_wait3A_401 : memref<640x64xf32, #tpu.memory_space<vmem_shared>>) dst(%dma_wait3A_399 : memref<640x64xf32, #tpu.memory_space<hbm>>)
      tpu.yield
    }) : () -> ()
    %mul3A_387 = arith.constant 640 : i32
    %mul3A_388 = arith.muli %arg1, %mul3A_387 : i32
    %mul3A_389 = arith.constant 640 : i32
    %mul3A_390 = arith.muli %arg1, %mul3A_389 : i32
    "tpu.region"() ({
      %run_scoped3A_391 = tpu.sem_alloc : memref<!tpu.dma_semaphore, #tpu.memory_space<semaphore_mem>>
      %dma_start3A_392 = arith.constant 0 : i32
      %dma_start3A_393 = tpu.memref_slice %arg8[%arg0, %mul3A_390, %dma_start3A_392] : memref<2x10240x16xf32, #tpu.memory_space<hbm>> -> memref<1x640x16xf32, #tpu.memory_space<hbm>>
      %dma_start3A_394 = tpu.memref_squeeze %dma_start3A_393 : memref<1x640x16xf32, #tpu.memory_space<hbm>> -> memref<640x16xf32, #tpu.memory_space<hbm>>
      %dma_start3A_395 = arith.constant 0 : i32
      %dma_start3A_396 = tpu.memref_slice %arg31[%mul3A_388, %dma_start3A_395] : memref<10240x16xf32, #tpu.memory_space<vmem_shared>> -> memref<640x16xf32, #tpu.memory_space<vmem_shared>>
      tpu.enqueue_dma source(%dma_start3A_396 : memref<640x16xf32, #tpu.memory_space<vmem_shared>>) target(%dma_start3A_394 : memref<640x16xf32, #tpu.memory_space<hbm>>) target_semaphore(%run_scoped3A_391 : memref<!tpu.dma_semaphore, #tpu.memory_space<semaphore_mem>>)
      %dma_wait3A_397 = arith.constant 0 : i32
      %dma_wait3A_398 = tpu.memref_slice %arg8[%arg0, %mul3A_390, %dma_wait3A_397] : memref<2x10240x16xf32, #tpu.memory_space<hbm>> -> memref<1x640x16xf32, #tpu.memory_space<hbm>>
      %dma_wait3A_399 = tpu.memref_squeeze %dma_wait3A_398 : memref<1x640x16xf32, #tpu.memory_space<hbm>> -> memref<640x16xf32, #tpu.memory_space<hbm>>
      %dma_wait3A_400 = arith.constant 0 : i32
      %dma_wait3A_401 = tpu.memref_slice %arg31[%mul3A_388, %dma_wait3A_400] : memref<10240x16xf32, #tpu.memory_space<vmem_shared>> -> memref<640x16xf32, #tpu.memory_space<vmem_shared>>
      tpu.wait_dma2 semaphore(%run_scoped3A_391 : memref<!tpu.dma_semaphore, #tpu.memory_space<semaphore_mem>>) src(%dma_wait3A_401 : memref<640x16xf32, #tpu.memory_space<vmem_shared>>) dst(%dma_wait3A_399 : memref<640x16xf32, #tpu.memory_space<hbm>>)
      tpu.yield
    }) : () -> ()
    return
  }
}

module attributes {stable_mosaic.version = 14 : i64} {
  func.func @body(%arg0: i32, %arg1: memref<2000x128xf32, #tpu.memory_space<vmem>>, %arg2: memref<128x128xf32, #tpu.memory_space<vmem>>, %arg3: memref<2x2000x64xf32, #tpu.memory_space<vmem>>) attributes {dimension_semantics = [#tpu.dimension_semantics<arbitrary>], iteration_bounds = array<i64: 5>, scalar_prefetch = 0 : i64, scratch_operands = 0 : i64, tpu.core_type = #tpu.core_type<tc>, window_params = [{transform_indices = @transform_0, window_bounds = array<i64: 2000, 128>}, {pipeline_mode = #tpu.pipeline_mode<synchronous>, transform_indices = @transform_1, window_bounds = array<i64: 128, 128>}, {transform_indices = @transform_2, window_bounds = array<i64: 2, 2000, 64>}]} {
    %get3A = arith.constant 0 : index
    %get3A_0 = arith.constant 0 : index
    %get3A_1 = vector.load %arg1[%get3A, %get3A_0] : memref<2000x128xf32, #tpu.memory_space<vmem>>, vector<2000x128xf32>
    %get3A_2 = arith.constant 0 : index
    %get3A_3 = arith.constant 0 : index
    %get3A_4 = vector.load %arg2[%get3A_2, %get3A_3] : memref<128x128xf32, #tpu.memory_space<vmem>>, vector<128x128xf32>
    %dot_general3A = arith.constant dense<0.000000e+00> : vector<2000x128xf32>
    %dot_general3A_5 = tpu.matmul %get3A_1, %get3A_4, %dot_general3A {dimension_numbers = #tpu.dot_dimension_numbers<[1], [0], [0], [1], [0, 0, 1, 1], [], []>, transpose_lhs_hint = false} : vector<2000x128xf32>, vector<128x128xf32>, vector<2000x128xf32> -> vector<2000x128xf32>
    %slice3A = vector.extract_strided_slice %dot_general3A_5 {offsets = [0, 0], sizes = [2000, 64], strides = [1, 1]} : vector<2000x128xf32> to vector<2000x64xf32>
    %swap3A = arith.constant 0 : index
    %swap3A_6 = arith.constant 0 : index
    %swap3A_7 = arith.constant 0 : index
    %swap3A_8 = vector.load %arg3[%swap3A, %swap3A_6, %swap3A_7] : memref<2x2000x64xf32, #tpu.memory_space<vmem>>, vector<1x2000x64xf32>
    %swap3A_9 = vector.shape_cast %swap3A_8 : vector<1x2000x64xf32> to vector<2000x64xf32>
    %swap3A_10 = vector.shape_cast %slice3A : vector<2000x64xf32> to vector<1x2000x64xf32>
    tpu.vector_store %arg3[%swap3A, %swap3A_6, %swap3A_7], %swap3A_10 {strides = array<i32>} : memref<2x2000x64xf32, #tpu.memory_space<vmem>>, vector<1x2000x64xf32>,
    %slice3A_11 = vector.extract_strided_slice %dot_general3A_5 {offsets = [0, 64], sizes = [2000, 64], strides = [1, 1]} : vector<2000x128xf32> to vector<2000x64xf32>
    %swap3A_12 = arith.constant 1 : index
    %swap3A_13 = arith.constant 0 : index
    %swap3A_14 = arith.constant 0 : index
    %swap3A_15 = vector.load %arg3[%swap3A_12, %swap3A_13, %swap3A_14] : memref<2x2000x64xf32, #tpu.memory_space<vmem>>, vector<1x2000x64xf32>
    %swap3A_16 = vector.shape_cast %swap3A_15 : vector<1x2000x64xf32> to vector<2000x64xf32>
    %swap3A_17 = vector.shape_cast %slice3A_11 : vector<2000x64xf32> to vector<1x2000x64xf32>
    tpu.vector_store %arg3[%swap3A_12, %swap3A_13, %swap3A_14], %swap3A_17 {strides = array<i32>} : memref<2x2000x64xf32, #tpu.memory_space<vmem>>, vector<1x2000x64xf32>,
    return
  }
  func.func @transform_0(%arg0: i32) -> (i32, i32) {
    %c0_i32 = arith.constant 0 : i32
    %c0_i32_0 = arith.constant 0 : i32
    return %arg0, %c0_i32 : i32, i32
  }
  func.func @transform_1(%arg0: i32) -> (i32, i32) {
    %c0_i32 = arith.constant 0 : i32
    %c0_i32_0 = arith.constant 0 : i32
    %c0_i32_1 = arith.constant 0 : i32
    return %c0_i32, %c0_i32_0 : i32, i32
  }
  func.func @transform_2(%arg0: i32) -> (i32, i32, i32) {
    %c0_i32 = arith.constant 0 : i32
    %c0_i32_0 = arith.constant 0 : i32
    %c0_i32_1 = arith.constant 0 : i32
    return %c0_i32, %arg0, %c0_i32_0 : i32, i32, i32
  }
}

module attributes {stable_mosaic.version = 14 : i64} {
  func.func @body(%arg0: i32, %arg1: memref<2000x128xf32, #tpu.memory_space<vmem>>, %arg2: memref<128x128xf32, #tpu.memory_space<vmem>>, %arg3: memref<1x128xf32, #tpu.memory_space<vmem>>, %arg4: memref<2000x128xf32, #tpu.memory_space<vmem>>) attributes {dimension_semantics = [#tpu.dimension_semantics<arbitrary>], iteration_bounds = array<i64: 5>, scalar_prefetch = 0 : i64, scratch_operands = 0 : i64, tpu.core_type = #tpu.core_type<tc>, window_params = [{transform_indices = @transform_0, window_bounds = array<i64: 2000, 128>}, {pipeline_mode = #tpu.pipeline_mode<synchronous>, transform_indices = @transform_1, window_bounds = array<i64: 128, 128>}, {pipeline_mode = #tpu.pipeline_mode<synchronous>, transform_indices = @transform_2, window_bounds = array<i64: 1, 128>}, {transform_indices = @transform_3, window_bounds = array<i64: 2000, 128>}]} {
    %get3A = arith.constant 0 : index
    %get3A_0 = arith.constant 0 : index
    %get3A_1 = vector.load %arg1[%get3A, %get3A_0] : memref<2000x128xf32, #tpu.memory_space<vmem>>, vector<2000x128xf32>
    %get3A_2 = arith.constant 0 : index
    %get3A_3 = arith.constant 0 : index
    %get3A_4 = vector.load %arg2[%get3A_2, %get3A_3] : memref<128x128xf32, #tpu.memory_space<vmem>>, vector<128x128xf32>
    %dot_general3A = arith.constant dense<0.000000e+00> : vector<2000x128xf32>
    %dot_general3A_5 = tpu.matmul %get3A_1, %get3A_4, %dot_general3A {dimension_numbers = #tpu.dot_dimension_numbers<[1], [0], [0], [1], [0, 0, 1, 1], [], []>, transpose_lhs_hint = false} : vector<2000x128xf32>, vector<128x128xf32>, vector<2000x128xf32> -> vector<2000x128xf32>
    %get3A_6 = arith.constant 0 : index
    %get3A_7 = arith.constant 0 : index
    %get3A_8 = vector.load %arg3[%get3A_6, %get3A_7] : memref<1x128xf32, #tpu.memory_space<vmem>>, vector<1x128xf32>
    %add3A = vector.broadcast %get3A_8 : vector<1x128xf32> to vector<2000x128xf32>
    %add3A_9 = arith.addf %dot_general3A_5, %add3A : vector<2000x128xf32>
    %swap3A = arith.constant 0 : index
    %swap3A_10 = arith.constant 0 : index
    %swap3A_11 = vector.load %arg4[%swap3A, %swap3A_10] : memref<2000x128xf32, #tpu.memory_space<vmem>>, vector<2000x128xf32>
    tpu.vector_store %arg4[%swap3A, %swap3A_10], %add3A_9 {strides = array<i32>} : memref<2000x128xf32, #tpu.memory_space<vmem>>, vector<2000x128xf32>,
    return
  }
  func.func @transform_0(%arg0: i32) -> (i32, i32) {
    %c0_i32 = arith.constant 0 : i32
    %c0_i32_0 = arith.constant 0 : i32
    return %arg0, %c0_i32 : i32, i32
  }
  func.func @transform_1(%arg0: i32) -> (i32, i32) {
    %c0_i32 = arith.constant 0 : i32
    %c0_i32_0 = arith.constant 0 : i32
    %c0_i32_1 = arith.constant 0 : i32
    return %c0_i32, %c0_i32_0 : i32, i32
  }
  func.func @transform_2(%arg0: i32) -> (i32, i32) {
    %c0_i32 = arith.constant 0 : i32
    %c0_i32_0 = arith.constant 0 : i32
    %c0_i32_1 = arith.constant 0 : i32
    return %c0_i32, %c0_i32_0 : i32, i32
  }
  func.func @transform_3(%arg0: i32) -> (i32, i32) {
    %c0_i32 = arith.constant 0 : i32
    %c0_i32_0 = arith.constant 0 : i32
    return %arg0, %c0_i32 : i32, i32
  }
}

module attributes {stable_mosaic.version = 14 : i64} {
  func.func @body(%arg0: i32, %arg1: memref<2x2000x64xf32, #tpu.memory_space<vmem>>, %arg2: memref<2x2000x16xf32, #tpu.memory_space<vmem>>, %arg3: memref<2000x128xf32, #tpu.memory_space<vmem>>, %arg4: memref<128x128xf32, #tpu.memory_space<vmem>>, %arg5: memref<2000x128xf32, #tpu.memory_space<vmem>>, %arg6: memref<2x2000x64xf32, #tpu.memory_space<vmem>>) attributes {dimension_semantics = [#tpu.dimension_semantics<arbitrary>], iteration_bounds = array<i64: 5>, scalar_prefetch = 0 : i64, scratch_operands = 0 : i64, tpu.core_type = #tpu.core_type<tc>, window_params = [{transform_indices = @transform_0, window_bounds = array<i64: 2, 2000, 64>}, {transform_indices = @transform_1, window_bounds = array<i64: 2, 2000, 16>}, {transform_indices = @transform_2, window_bounds = array<i64: 2000, 128>}, {pipeline_mode = #tpu.pipeline_mode<synchronous>, transform_indices = @transform_3, window_bounds = array<i64: 128, 128>}, {transform_indices = @transform_4, window_bounds = array<i64: 2000, 128>}, {transform_indices = @transform_5, window_bounds = array<i64: 2, 2000, 64>}]} {
    %get3A = arith.constant 0 : index
    %get3A_0 = arith.constant 0 : index
    %get3A_1 = arith.constant 0 : index
    %get3A_2 = vector.load %arg1[%get3A, %get3A_0, %get3A_1] : memref<2x2000x64xf32, #tpu.memory_space<vmem>>, vector<1x2000x64xf32>
    %get3A_3 = vector.shape_cast %get3A_2 : vector<1x2000x64xf32> to vector<2000x64xf32>
    %get3A_4 = arith.constant 1 : index
    %get3A_5 = arith.constant 0 : index
    %get3A_6 = arith.constant 0 : index
    %get3A_7 = vector.load %arg1[%get3A_4, %get3A_5, %get3A_6] : memref<2x2000x64xf32, #tpu.memory_space<vmem>>, vector<1x2000x64xf32>
    %get3A_8 = vector.shape_cast %get3A_7 : vector<1x2000x64xf32> to vector<2000x64xf32>
    %concatenate3A = tpu.concatenate %get3A_3, %get3A_8 in 1 : vector<2000x64xf32>, vector<2000x64xf32> -> vector<2000x128xf32>
    %get3A_9 = arith.constant 0 : index
    %get3A_10 = arith.constant 0 : index
    %get3A_11 = arith.constant 0 : index
    %get3A_12 = vector.load %arg2[%get3A_9, %get3A_10, %get3A_11] : memref<2x2000x16xf32, #tpu.memory_space<vmem>>, vector<1x2000x1xf32>
    %get3A_13 = vector.shape_cast %get3A_12 : vector<1x2000x1xf32> to vector<2000x1xf32>
    %get3A_14 = arith.constant 1 : index
    %get3A_15 = arith.constant 0 : index
    %get3A_16 = arith.constant 0 : index
    %get3A_17 = vector.load %arg2[%get3A_14, %get3A_15, %get3A_16] : memref<2x2000x16xf32, #tpu.memory_space<vmem>>, vector<1x2000x1xf32>
    %get3A_18 = vector.shape_cast %get3A_17 : vector<1x2000x1xf32> to vector<2000x1xf32>
    %add3A = arith.addf %get3A_13, %get3A_18 : vector<2000x1xf32>
    %max3A = arith.constant 1.000000e+00 : f32
    %max3A_19 = vector.broadcast %max3A : f32 to vector<2000x1xf32>
    %max3A_20 = arith.maximumf %add3A, %max3A_19 : vector<2000x1xf32>
    %div3A = vector.broadcast %max3A_20 : vector<2000x1xf32> to vector<2000x128xf32>
    %div3A_21 = arith.divf %concatenate3A, %div3A : vector<2000x128xf32>
    %get3A_22 = arith.constant 0 : index
    %get3A_23 = arith.constant 0 : index
    %get3A_24 = vector.load %arg3[%get3A_22, %get3A_23] : memref<2000x128xf32, #tpu.memory_space<vmem>>, vector<2000x128xf32>
    %add3A_25 = arith.addf %div3A_21, %get3A_24 : vector<2000x128xf32>
    %max3A_26 = arith.constant 0.000000e+00 : f32
    %max3A_27 = vector.broadcast %max3A_26 : f32 to vector<2000x128xf32>
    %max3A_28 = arith.maximumf %add3A_25, %max3A_27 : vector<2000x128xf32>
    %swap3A = arith.constant 0 : index
    %swap3A_29 = arith.constant 0 : index
    %swap3A_30 = vector.load %arg5[%swap3A, %swap3A_29] : memref<2000x128xf32, #tpu.memory_space<vmem>>, vector<2000x128xf32>
    tpu.vector_store %arg5[%swap3A, %swap3A_29], %max3A_28 {strides = array<i32>} : memref<2000x128xf32, #tpu.memory_space<vmem>>, vector<2000x128xf32>,
    %get3A_31 = arith.constant 0 : index
    %get3A_32 = arith.constant 0 : index
    %get3A_33 = vector.load %arg4[%get3A_31, %get3A_32] : memref<128x128xf32, #tpu.memory_space<vmem>>, vector<128x128xf32>
    %dot_general3A = arith.constant dense<0.000000e+00> : vector<2000x128xf32>
    %dot_general3A_34 = tpu.matmul %max3A_28, %get3A_33, %dot_general3A {dimension_numbers = #tpu.dot_dimension_numbers<[1], [0], [0], [1], [0, 0, 1, 1], [], []>, transpose_lhs_hint = false} : vector<2000x128xf32>, vector<128x128xf32>, vector<2000x128xf32> -> vector<2000x128xf32>
    %slice3A = vector.extract_strided_slice %dot_general3A_34 {offsets = [0, 0], sizes = [2000, 64], strides = [1, 1]} : vector<2000x128xf32> to vector<2000x64xf32>
    %swap3A_35 = arith.constant 0 : index
    %swap3A_36 = arith.constant 0 : index
    %swap3A_37 = arith.constant 0 : index
    %swap3A_38 = vector.load %arg6[%swap3A_35, %swap3A_36, %swap3A_37] : memref<2x2000x64xf32, #tpu.memory_space<vmem>>, vector<1x2000x64xf32>
    %swap3A_39 = vector.shape_cast %swap3A_38 : vector<1x2000x64xf32> to vector<2000x64xf32>
    %swap3A_40 = vector.shape_cast %slice3A : vector<2000x64xf32> to vector<1x2000x64xf32>
    tpu.vector_store %arg6[%swap3A_35, %swap3A_36, %swap3A_37], %swap3A_40 {strides = array<i32>} : memref<2x2000x64xf32, #tpu.memory_space<vmem>>, vector<1x2000x64xf32>,
    %slice3A_41 = vector.extract_strided_slice %dot_general3A_34 {offsets = [0, 64], sizes = [2000, 64], strides = [1, 1]} : vector<2000x128xf32> to vector<2000x64xf32>
    %swap3A_42 = arith.constant 1 : index
    %swap3A_43 = arith.constant 0 : index
    %swap3A_44 = arith.constant 0 : index
    %swap3A_45 = vector.load %arg6[%swap3A_42, %swap3A_43, %swap3A_44] : memref<2x2000x64xf32, #tpu.memory_space<vmem>>, vector<1x2000x64xf32>
    %swap3A_46 = vector.shape_cast %swap3A_45 : vector<1x2000x64xf32> to vector<2000x64xf32>
    %swap3A_47 = vector.shape_cast %slice3A_41 : vector<2000x64xf32> to vector<1x2000x64xf32>
    tpu.vector_store %arg6[%swap3A_42, %swap3A_43, %swap3A_44], %swap3A_47 {strides = array<i32>} : memref<2x2000x64xf32, #tpu.memory_space<vmem>>, vector<1x2000x64xf32>,
    return
  }
  func.func @transform_0(%arg0: i32) -> (i32, i32, i32) {
    %c0_i32 = arith.constant 0 : i32
    %c0_i32_0 = arith.constant 0 : i32
    %c0_i32_1 = arith.constant 0 : i32
    return %c0_i32, %arg0, %c0_i32_0 : i32, i32, i32
  }
  func.func @transform_1(%arg0: i32) -> (i32, i32, i32) {
    %c0_i32 = arith.constant 0 : i32
    %c0_i32_0 = arith.constant 0 : i32
    %c0_i32_1 = arith.constant 0 : i32
    return %c0_i32, %arg0, %c0_i32_0 : i32, i32, i32
  }
  func.func @transform_2(%arg0: i32) -> (i32, i32) {
    %c0_i32 = arith.constant 0 : i32
    %c0_i32_0 = arith.constant 0 : i32
    return %arg0, %c0_i32 : i32, i32
  }
  func.func @transform_3(%arg0: i32) -> (i32, i32) {
    %c0_i32 = arith.constant 0 : i32
    %c0_i32_0 = arith.constant 0 : i32
    %c0_i32_1 = arith.constant 0 : i32
    return %c0_i32, %c0_i32_0 : i32, i32
  }
  func.func @transform_4(%arg0: i32) -> (i32, i32) {
    %c0_i32 = arith.constant 0 : i32
    %c0_i32_0 = arith.constant 0 : i32
    return %arg0, %c0_i32 : i32, i32
  }
  func.func @transform_5(%arg0: i32) -> (i32, i32, i32) {
    %c0_i32 = arith.constant 0 : i32
    %c0_i32_0 = arith.constant 0 : i32
    %c0_i32_1 = arith.constant 0 : i32
    return %c0_i32, %arg0, %c0_i32_0 : i32, i32, i32
  }
}

module attributes {stable_mosaic.version = 14 : i64} {
  func.func @body(%arg0: i32, %arg1: memref<2x2000x64xf32, #tpu.memory_space<vmem>>, %arg2: memref<2x2000x16xf32, #tpu.memory_space<vmem>>, %arg3: memref<2000x128xf32, #tpu.memory_space<vmem>>, %arg4: memref<2000x128xf32, #tpu.memory_space<vmem>>) attributes {dimension_semantics = [#tpu.dimension_semantics<arbitrary>], iteration_bounds = array<i64: 5>, scalar_prefetch = 0 : i64, scratch_operands = 0 : i64, tpu.core_type = #tpu.core_type<tc>, window_params = [{transform_indices = @transform_0, window_bounds = array<i64: 2, 2000, 64>}, {transform_indices = @transform_1, window_bounds = array<i64: 2, 2000, 16>}, {transform_indices = @transform_2, window_bounds = array<i64: 2000, 128>}, {transform_indices = @transform_3, window_bounds = array<i64: 2000, 128>}]} {
    %get3A = arith.constant 0 : index
    %get3A_0 = arith.constant 0 : index
    %get3A_1 = arith.constant 0 : index
    %get3A_2 = vector.load %arg1[%get3A, %get3A_0, %get3A_1] : memref<2x2000x64xf32, #tpu.memory_space<vmem>>, vector<1x2000x64xf32>
    %get3A_3 = vector.shape_cast %get3A_2 : vector<1x2000x64xf32> to vector<2000x64xf32>
    %get3A_4 = arith.constant 1 : index
    %get3A_5 = arith.constant 0 : index
    %get3A_6 = arith.constant 0 : index
    %get3A_7 = vector.load %arg1[%get3A_4, %get3A_5, %get3A_6] : memref<2x2000x64xf32, #tpu.memory_space<vmem>>, vector<1x2000x64xf32>
    %get3A_8 = vector.shape_cast %get3A_7 : vector<1x2000x64xf32> to vector<2000x64xf32>
    %concatenate3A = tpu.concatenate %get3A_3, %get3A_8 in 1 : vector<2000x64xf32>, vector<2000x64xf32> -> vector<2000x128xf32>
    %get3A_9 = arith.constant 0 : index
    %get3A_10 = arith.constant 0 : index
    %get3A_11 = arith.constant 0 : index
    %get3A_12 = vector.load %arg2[%get3A_9, %get3A_10, %get3A_11] : memref<2x2000x16xf32, #tpu.memory_space<vmem>>, vector<1x2000x1xf32>
    %get3A_13 = vector.shape_cast %get3A_12 : vector<1x2000x1xf32> to vector<2000x1xf32>
    %get3A_14 = arith.constant 1 : index
    %get3A_15 = arith.constant 0 : index
    %get3A_16 = arith.constant 0 : index
    %get3A_17 = vector.load %arg2[%get3A_14, %get3A_15, %get3A_16] : memref<2x2000x16xf32, #tpu.memory_space<vmem>>, vector<1x2000x1xf32>
    %get3A_18 = vector.shape_cast %get3A_17 : vector<1x2000x1xf32> to vector<2000x1xf32>
    %add3A = arith.addf %get3A_13, %get3A_18 : vector<2000x1xf32>
    %max3A = arith.constant 1.000000e+00 : f32
    %max3A_19 = vector.broadcast %max3A : f32 to vector<2000x1xf32>
    %max3A_20 = arith.maximumf %add3A, %max3A_19 : vector<2000x1xf32>
    %div3A = vector.broadcast %max3A_20 : vector<2000x1xf32> to vector<2000x128xf32>
    %div3A_21 = arith.divf %concatenate3A, %div3A : vector<2000x128xf32>
    %get3A_22 = arith.constant 0 : index
    %get3A_23 = arith.constant 0 : index
    %get3A_24 = vector.load %arg3[%get3A_22, %get3A_23] : memref<2000x128xf32, #tpu.memory_space<vmem>>, vector<2000x128xf32>
    %add3A_25 = arith.addf %div3A_21, %get3A_24 : vector<2000x128xf32>
    %swap3A = arith.constant 0 : index
    %swap3A_26 = arith.constant 0 : index
    %swap3A_27 = vector.load %arg4[%swap3A, %swap3A_26] : memref<2000x128xf32, #tpu.memory_space<vmem>>, vector<2000x128xf32>
    tpu.vector_store %arg4[%swap3A, %swap3A_26], %add3A_25 {strides = array<i32>} : memref<2000x128xf32, #tpu.memory_space<vmem>>, vector<2000x128xf32>,
    return
  }
  func.func @transform_0(%arg0: i32) -> (i32, i32, i32) {
    %c0_i32 = arith.constant 0 : i32
    %c0_i32_0 = arith.constant 0 : i32
    %c0_i32_1 = arith.constant 0 : i32
    return %c0_i32, %arg0, %c0_i32_0 : i32, i32, i32
  }
  func.func @transform_1(%arg0: i32) -> (i32, i32, i32) {
    %c0_i32 = arith.constant 0 : i32
    %c0_i32_0 = arith.constant 0 : i32
    %c0_i32_1 = arith.constant 0 : i32
    return %c0_i32, %arg0, %c0_i32_0 : i32, i32, i32
  }
  func.func @transform_2(%arg0: i32) -> (i32, i32) {
    %c0_i32 = arith.constant 0 : i32
    %c0_i32_0 = arith.constant 0 : i32
    return %arg0, %c0_i32 : i32, i32
  }
  func.func @transform_3(%arg0: i32) -> (i32, i32) {
    %c0_i32 = arith.constant 0 : i32
    %c0_i32_0 = arith.constant 0 : i32
    return %arg0, %c0_i32 : i32, i32
  }
}

</mosaic_0001>

<sc_bundles>
// kernel: kernel.12.cloned.1.call-start
scs
__scs_entry_jumppad:
0x0: {  	(pc) =	sbr.rel $0x88, $3  }
0x1: {  	(tag) =	ssettag $0x0;
	lr =	simm.s32 $0x1  }
0x2: {  	[smem:$0x3F99] =	sst lr;
	_ =	strace $0xD0000000  }
0x3: {  	_ = 	snop  }
0x4: {  	_ = 	snop  }
0x5: {  	_ = 	snop  }
0x6: {  	_ = 	snop  }
0x7: {  	_ = 	snop  }
__scs_overlays_trampoline_lowered:
0x8: {  	[smem:$0x3FA8] =	sst s0  }
0x9: {  	[smem:$0x3FA9] =	sst s1  }
0xa: {  	[smem:$0x3FAA] =	sst s2  }
0xb: {  	[smem:$0x3FAB] =	sst s3  }
0xc: {  	[smem:$0x3FAC] =	sst s4  }
0xd: {  	[smem:$0x3FAD] =	sst s5  }
0xe: {  	[smem:$0x3FAE] =	sst s6  }
0xf: {  	[smem:$0x3FAF] =	sst s7  }
0x10: {  	[smem:$0x3FB0] =	sst s8  }
0x11: {  	[smem:$0x3FB1] =	sst s9;
	s0 =	simm.s32 @!p0 $0x0  }
0x12: {  	s1 =	sld [smem:$0x3F97];
	s0 =	simm.s32 @p0 $0x1  }
0x13: {  	[smem:$0x3FB2] =	sst s0;
	s0 =	simm.s32 @!p1 $0x0  }
0x14: {  	s2 =	sld [smem:$0x3F96];
	s0 =	simm.s32 @p1 $0x1  }
0x15: {  	[smem:$0x3FB3] =	sst s0;
	s0 =	simm.s32 @!p2 $0x0  }
0x16: {  	s3 =	sld [smem:$0x3FDB];
	s0 =	simm.s32 @p2 $0x1  }
0x17: {  	s4 =	simm.s32 $0x1BF5;
	[smem:$0x3FB5] =	sst s0  }
0x18: {  	s0 =	sld [smem:$0x3F98];
	_ =	swait.ge [sflag:s4], $0x0  }
0x19: {  	s7 =	sld [smem:$0x3F99]  }
0x1a: {  	s8 =	sadd.s32 $0xFFFFE003, lr  }
0x1b: {  	s9 =	sadd.s32 $0xFFFFFEF7, lr;
	s5 =	simm.s32 $0xFFFFFFFF;
	p2 =	slt.u32 s8, $0xFFFFF086  }
0x1c: {  	p1 =	slt.u32 s9, $0xF7A;
	s5 =	simm.s32 @!p2 $0x0  }
0x1d: {  	s5 =	simm.s32 @p1 $0x1;
	p0 =	seq.s32 s7, s2  }
0x1e: {  	s7 =	smul.u32 @!p0 $0xF7A, s2;
	p2 =	seq.s32 @!p0 s5, $0x0  }
0x1f: {  	s9 =	smul.u32 $0xF7A, s1;
	s8 =	simm.s32 @!p0 $0x1BF5;
	p2 =	por !p2, p0  }
0x20: {  	[sflag:s8] =	ssyncset.s32 @!p0 $0xFFFFF086;
	s6 =	sadd.s32 @!p0 s3, s7;
	s7 =	simm.s32 @!p0 $0x108  }
0x21: {  	s3 =	sadd.s32 s3, s9;
	s6 =	sadd.s32 @!p0 $0x88, s6;
	s7 =	simm.s32 @p2 $0x1082  }
0x22: {  	[simem:s7], [sflag:s8] =	dma.local @!p0 [hbm:s6], $0xF7A  }
0x23: {  	s9 =	sor.u32 $0xD0000000, s2;
	s6 =	simm.s32 $0x108;
	_ =	swait.ge @!p0 [sflag:s8], $0x0  }
0x24: {  	s3 =	sadd.s32 $0x88, s3;
	s6 =	simm.s32 @!p1 $0x1082;
	[sflag:s4] =	ssyncset.s32 $0xFFFFF086  }
0x25: {  	[simem:s6], [sflag:s4] =	dma.local [hbm:s3], $0xF7A  }
0x26: {  	[smem:$0x3F99] =	sst s1;
	(tag) =	ssettag s2;
	_ =	strace s9  }
0x27: {  	s1 =	sld [smem:$0x3FA9]  }
0x28: {  	s2 =	sld [smem:$0x3FAA]  }
0x29: {  	s4 =	sld [smem:$0x3FAC]  }
0x2a: {  	p0 =	seq.s32 s5, $0x0;
	s5 =	sld [smem:$0x3FAD]  }
0x2b: {  	s6 =	sld [smem:$0x3FAE]  }
0x2c: {  	s7 =	sld [smem:$0x3FAF]  }
0x2d: {  	s3 =	simm.s32 $0x108;
	s8 =	sld [smem:$0x3FB0]  }
0x2e: {  	s3 =	simm.s32 @!p0 $0x1082;
	s9 =	sld [smem:$0x3FB1]  }
0x2f: {  	lr =	sadd.s32 s0, s3;
	s0 =	sld [smem:$0x3FA8]  }
0x30: {  	s3 =	sld [smem:$0x3FAB]  }
0x31: {  	[smem:$0x3FB4] =	sst s10  }
0x32: {  	s10 =	sld [smem:$0x3FB2];
	_ =	sdelay $0x3  }
0x33: {  	p0 =	seq.s32 s10, $0x1;
	s10 =	sld [smem:$0x3FB4];
	_ =	sdelay $0x3  }
0x34: {  	[smem:$0x3FB4] =	sst s10  }
0x35: {  	s10 =	sld [smem:$0x3FB3];
	_ =	sdelay $0x3  }
0x36: {  	p1 =	seq.s32 s10, $0x1;
	s10 =	sld [smem:$0x3FB4];
	_ =	sdelay $0x3  }
0x37: {  	[smem:$0x3FB4] =	sst s10  }
0x38: {  	s10 =	sld [smem:$0x3FB5]  }
0x39: {  	_ = 	snop;
	(pc) =	sbr.ind lr, $3  }
0x3a: {  	_ = 	snop  }
0x3b: {  	_ = 	snop  }
0x3c: {  	p2 =	seq.s32 s10, $0x1;
	s10 =	sld [smem:$0x3FB4]  }
0x3d: {  	_ =	shalt  }
0x3e: {  	_ =	shalt  }
0x3f: {  	_ =	shalt  }
0x40: {  	_ =	shalt  }
0x41: {  	_ =	shalt  }
0x42: {  	_ =	shalt  }
0x43: {  	_ =	shalt  }
0x44: {  	_ =	shalt  }
0x45: {  	_ =	shalt  }
0x46: {  	_ =	shalt  }
0x47: {  	_ =	shalt  }
0x48: {  	_ =	shalt  }
0x49: {  	_ =	shalt  }
0x4a: {  	_ =	shalt  }
0x4b: {  	_ =	shalt  }
0x4c: {  	_ =	shalt  }
0x4d: {  	_ =	shalt  }
0x4e: {  	_ =	shalt  }
0x4f: {  	_ =	shalt  }
0x50: {  	_ =	shalt  }
0x51: {  	_ =	shalt  }
0x52: {  	_ =	shalt  }
0x53: {  	_ =	shalt  }
0x54: {  	_ =	shalt  }
0x55: {  	_ =	shalt  }
0x56: {  	_ =	shalt  }
0x57: {  	_ =	shalt  }
0x58: {  	_ =	shalt  }
0x59: {  	_ =	shalt  }
0x5a: {  	_ =	shalt  }
0x5b: {  	_ =	shalt  }
0x5c: {  	_ =	shalt  }
0x5d: {  	_ =	shalt  }
0x5e: {  	_ =	shalt  }
0x5f: {  	_ =	shalt  }
0x60: {  	_ =	shalt  }
0x61: {  	_ =	shalt  }
0x62: {  	_ =	shalt  }
0x63: {  	_ =	shalt  }
0x64: {  	_ =	shalt  }
0x65: {  	_ =	shalt  }
0x66: {  	_ =	shalt  }
0x67: {  	_ =	shalt  }
0x68: {  	_ =	shalt  }
0x69: {  	_ =	shalt  }
0x6a: {  	_ =	shalt  }
0x6b: {  	_ =	shalt  }
0x6c: {  	_ =	shalt  }
0x6d: {  	_ =	shalt  }
0x6e: {  	_ =	shalt  }
0x6f: {  	_ =	shalt  }
0x70: {  	_ =	shalt  }
0x71: {  	_ =	shalt  }
0x72: {  	_ =	shalt  }
0x73: {  	_ =	shalt  }
0x74: {  	_ =	shalt  }
0x75: {  	_ =	shalt  }
0x76: {  	_ =	shalt  }
0x77: {  	_ =	shalt  }
0x78: {  	_ =	shalt  }
0x79: {  	_ =	shalt  }
0x7a: {  	_ =	shalt  }
0x7b: {  	_ =	shalt  }
0x7c: {  	_ =	shalt  }
0x7d: {  	_ =	shalt  }
0x7e: {  	_ =	shalt  }
0x7f: {  	_ =	shalt  }
0x80: {  	_ =	shalt  }
0x81: {  	_ =	shalt  }
0x82: {  	_ =	shalt  }
0x83: {  	_ =	shalt  }
0x84: {  	_ =	shalt  }
0x85: {  	_ =	shalt  }
0x86: {  	_ =	shalt  }
0x87: {  	_ =	shalt  }
.Lfunc_end0:
.L_simem_size_0:
called_computation.1_lowered:
.L_overlay_start_0:
0x88: {  	s2 =	sld [smem:$0x3FD9]  }
0x89: {  	s3 =	sld [smem:$0x3FFE];
	_ =	sdelay $0x1  }
0x8a: {  	s1 =	srdreg.scid  }
0x8b: {  	s0 =	sand.u32 $0x1, s1  }
0x8c: {  	s17 =	sshll.u32 s0, $0xA;
	s2 =	sadd.s32 s3, s2  }
0x8d: {  	s2 =	sadd.s32 s2, s17  }
0x8e: {  	[smem:$0x3FC0] =	sst s2  }
0x8f: {  	_ = 	snop  }
0x90: {  	s2 =	sld [smem:$0x3FD0];
	(tm) =	ssettm $0x1  }
0x91: {  	s18 =	sld [smem:$0x3FFB];
	_ =	sdelay $0x3  }
0x92: {  	_ =	strace s18  }
0x93: {  	s3 =	sld [smem:$0x3FFC];
	_ =	sdelay $0x3  }
0x94: {  	_ =	strace s3  }
0x95: {  	s3 =	sld [smem:$0x3FFD];
	_ =	sdelay $0x3  }
0x96: {  	_ =	strace s3  }
0x97: {  	_ =	strace $0x8FFFFFFF  }
0x98: {  	s19 =	sld [smem:$0x3FDB];
	_ =	sdelay $0x1  }
0x99: {  	s4 =	simm.s32 $_scs_section_size  }
0x9a: {  	s5 =	simm.s32 $_size__tile_overlayer_lowered;
	s6 =	simm.s32 $_tile_overlayer_lowered  }
0x9b: {  	s22 =	simm.s32 $0x1BFF;
	s21 =	sshll.u32 s6, $0x1;
	s3 =	sadd.s32 s4, s19  }
0x9c: {  	s7 =	simm.s32 $0x0;
	s20 =	sshll.u32 s5, $0x1;
	s5 =	sadd.s32 s21, s3  }
0x9d: {  	[timem:s7], [sflag:s22] =	dma.local [hbm:s5], s20  }
0x9e: {  	_ =	swait.ge [sflag:s22], s20  }
0x9f: {  	s4 =	ssub.s32 $0x0, s20;
	[sflag:s22] =	ssyncset.done $0x0  }
0xa0: {  	[sflag:s22] =	ssyncadd.s32 s4;
	_ =	sdelay $0x1  }
0xa1: {  	s23 =	simm.s32 $0x1B8B  }
0xa2: {  	_ =	swait.ge [sflag:s23], $0x1  }
0xa3: {  	[sflag:s23] =	ssyncset.done $0x0  }
0xa4: {  	s25 =	simm.s32 $0x1B8E;
	s24 =	sld [smem:$0x3FFE];
	[sflag:s23] =	ssyncadd.s32 $0xFFFFFFFF  }
0xa5: {  	s26 =	simm.s32 $execute0_lowered;
	[smem:$0x3FD2] =	sst s25  }
0xa6: {  	s5 =	sshll.u32 s26, $0x1;
	_ =	strace $0x80000049;
	[dreg:$0x1] =	wrdreg $0xFFFFFFFF  }
0xa7: {  	s28 =	simm.s32 $_size_execute0_lowered;
	s3 =	sadd.s32 s3, s5;
	[dreg:$0x0] =	wrdreg $0x0  }
0xa8: {  	s5 =	sshll.u32 s28, $0x1;
	[dreg:$0x2] =	wrdreg s3  }
0xa9: {  	[dreg:$0x3] =	wrdreg s5  }
0xaa: {  	[dreg:$0x4] =	wrdreg $0xC0  }
0xab: {  	_ =	task [dreg:s7], $0x5FFFF  }
0xac: {  	[dreg:$0x1] =	wrdreg $0xFFFFFFFF  }
0xad: {  	[dreg:$0x0] =	wrdreg $0x60  }
0xae: {  	[dreg:$0x2] =	wrdreg s2  }
0xaf: {  	[dreg:$0x3] =	wrdreg s24  }
0xb0: {  	[dreg:$0x4] =	wrdreg $0x114400  }
0xb1: {  	[dreg:$0x5] =	wrdreg $0x9  }
0xb2: {  	_ =	task.clear_ibuf [dreg:s7], $0x6FFFF;
	_ =	strace $0x90000049  }
0xb3: {  	s29 =	simm.s32 $0x9;
	_ =	strace $0x8000004B  }
0xb4: {  	_ =	swait.ge [sflag:s29], $0x1  }
0xb5: {  	[sflag:s29] =	ssyncadd.s32 $0xFFFFFFFF  }
0xb6: {  	_ =	strace $0x9000004B  }
0xb7: {  	_ =	sfence  }
0xb8: {  	s30 =	sld [smem:$0x0];
	_ =	sdelay $0x2  }
0xb9: {  	s31 =	sshll.u32 s1, $0xD;
	s1 =	sshrl.u32 s1, $0x2  }
0xba: {  	s3 =	sand.u32 $0x4000, s31;
	s1 =	sadd.s32 s1, s30  }
0xbb: {  	s0 =	sor.u32 s3, s0;
	s1 =	sshll.u32 s1, $0x11  }
0xbc: {  	s0 =	sor.u32 s1, s0  }
0xbd: {  	s0 =	sadd.s32 $0x8F2B, s0  }
0xbe: {  	[sflag:s0] =	ssyncadd.remote.s32 $0x1  }
0xbf: {  	_ =	sfence.sel $0xFFFF  }
0xc0: {  	[dreg:$0x0] =	wrdreg $0xFFFFFFFF;
	(pc) =	sbr.abs _section_cstart, $3  }
0xc1: {  	[dreg:$0x1] =	wrdreg $0xFFFFFFFF  }
0xc2: {  	_ =	task.clear_ibuf [dreg:s7], $0x2FFFF;
	_ =	strace $0x9FFFFFFF  }
0xc3: {  	(tm) =	ssettm $0x7FFFFFFF  }
tec
execute0_lowered:
.L_overlay_start_1:
0x0: {  	(tag) =	ssettag $0x1  }
0x1: {  	s0 =	rddreg [dreg:$0x0]  }
0x2: {  	s1 =	rddreg [dreg:$0x1]  }
0x3: {  	s2 =	rddreg [dreg:$0x2]  }
0x4: {  	s13 =	stileid.u32;
	s5 =	srdreg.scid;
	s3 =	simm.s32 $0x0  }
0x5: {  	s14 =	simm.s32 $0x50;
	s15 =	simm.s32 $0x9C40;
	s16 =	simm.s32 $0xB040  }
0x6: {  	s18 =	simm.s32 $0xC440;
	s20 =	simm.s32 $0xD840;
	s21 =	simm.s32 $0x1  }
0x7: {  	s28 =	simm.s32 $0x10040;
	s29 =	simm.s32 $0x3;
	s31 =	simm.s32 $0x7  }
0x8: {  	s17 =	simm.s32 $0x5;
	s19 =	simm.s32 $0x9;
	s4 =	smul.u32 $0x9C4, s13  }
0x9: {  	s30 =	simm.s32 $0xC;
	s6 =	smul.u32 $0xA000, s13;
	s5 =	sand.u32 $0x1, s5  }
0xa: {  	[smem:$0x7FF] =	sst s3;
	s22 =	sshll.u32 s13, $0x6;
	s7 =	smul.u32 $0xA0000, s5  }
0xb: {  	_ =	strace $0x8000004A;
	s9 =	ssub.s32 $0x2, s5;
	s23 =	smul.u32 $0x13880, s5  }
0xc: {  	s5 =	sor.u32 $0x1C0D, s22;
	s22 =	simm.s32 $0x6;
	s8 =	sadd.s32 s4, s1  }
0xd: {  	s10 =	sshrl.u32 s6, $0x3;
	s11 =	sshrl.u32 s9, $0x1;
	s7 =	sadd.s32 s6, s7  }
0xe: {  	s10 =	sadd.s32 s10, s1;
	s9 =	ssub.s32 s9, s11;
	s6 =	sadd.s32 s6, s2  }
0xf: {  	s25 =	sadd.s32 $0x1C00, s8;
	s11 =	simm.s32 $0xD;
	s7 =	sshrl.u32 s7, $0x3  }
0x10: {  	s24 =	sadd.s32 $0x1A600, s10;
	[dreg:$0x5] =	wrdreg s25;
	s9 =	smax.u32 s9, $0x1  }
0x11: {  	s10 =	sshrl.u32 s6, $0x3;
	s25 =	simm.s32 $0xA;
	s12 =	sadd.s32 s7, s1  }
0x12: {  	[dreg:$0x4] =	wrdreg s24;
	s1 =	sadd.s32 $0xB840, s1;
	s7 =	sadd.s32 s0, s23  }
0x13: {  	s23 =	simm.s32 $0xEC40;
	s24 =	simm.s32 $0x2;
	s0 =	simm.s32 $0x4  }
0x14: {  	s26 =	sadd.s32 $0x2E600, s12;
	s12 =	sadd.s32 s4, s1;
	s1 =	simm.s32 $0x8  }
0x15: {  	s4 =	simm.s32 $0x0;
	[dreg:$0x6] =	wrdreg s26;
	s26 =	simm.s32 $0xB  }
.LBB2_1:
0x16: {  	s6 =	rddreg [dreg:$0x4]  }
0x17: {  	[spmem:s10], [sflag:s5] =	dma.local [hbm:s6], $0x1400  }
0x18: {  	_ =	swait.ge [sflag:s11], $0x1400  }
0x19: {  	[sflag:s11] =	ssyncset.done $0x0  }
0x1a: {  	s8 =	rddreg [dreg:$0x5];
	[sflag:s11] =	ssyncadd.s32 $0xFFFFEC00  }
0x1b: {  	[tilespmem:s3], [sflag:$0xD] =	stream.linear.gather [hbm4b:s8+s3], $0x4E20, $0x38;
	[tilespmem:$0x1B440] =	vst v63  }
0x1c: {  	_ =	swait.ge [sflag:s11], $0x4E20  }
0x1d: {  	[sflag:s11] =	ssyncset.done $0x0  }
0x1e: {  	s6 =	simm.s32 $0x4E20;
	[sflag:s11] =	ssyncadd.s32 $0xFFFFB1E0  }
0x1f: {  	[tilespmem:s6], [sflag:$0xD] =	stream.linear.gather [hbm4b:s12+s3], $0x4E20, $0x38;
	[tilespmem:$0x1B440] =	vst v63  }
0x20: {  	_ =	swait.ge [sflag:s11], $0x4E20  }
0x21: {  	[sflag:s11] =	ssyncset.done $0x0  }
0x22: {  	[sflag:s11] =	ssyncadd.s32 $0xFFFFB1E0  }
0x23: {  	[bflag:$0x0] =	sbarrier.arrive $0xFFFF  }
0x24: {  	[tilespmem:s15], [sflag:$0x1] =	stream.indirect.gather [hbm4b:s7+s14], $0x40, s3, s14, $0xb8;
	[tilespmem:$0x1B440] =	vst v63  }
0x25: {  	_ = 	snop  }
0x26: {  	[tilespmem:s16], [sflag:$0x2] =	stream.indirect.gather [hbm4b:s7+s14], $0x40, s14, s14, $0xb8;
	[tilespmem:$0x1B440] =	vst v63  }
0x27: {  	s8 =	simm.s32 $0xA0  }
0x28: {  	[tilespmem:s18], [sflag:$0x3] =	stream.indirect.gather [hbm4b:s7+s14], $0x40, s8, s14, $0xb8;
	[tilespmem:$0x1B440] =	vst v63  }
0x29: {  	s13 =	simm.s32 $0xF0  }
0x2a: {  	[tilespmem:s20], [sflag:$0x4] =	stream.indirect.gather [hbm4b:s7+s14], $0x40, s13, s14, $0xb8;
	[tilespmem:$0x1B440] =	vst v63  }
0x2b: {  	_ =	swait.ge [sflag:s21], $0x1400  }
0x2c: {  	[sflag:s21] =	ssyncset.done $0x0  }
0x2d: {  	[sflag:s21] =	ssyncadd.s32 $0xFFFFEC00  }
0x2e: {  	[spmem:s2] =	stream.indirect.scatter.add.f32 [tilespmem:s15], [sflag:$0x7], $0x40, s6, s14, $0xb8;
	[tilespmem:$0x1B440] =	vst v63  }
0x2f: {  	s13 =	simm.s32 $0x140  }
0x30: {  	[tilespmem:s23], [sflag:$0x5] =	stream.indirect.gather [hbm4b:s7+s14], $0x40, s13, s14, $0xb8;
	[tilespmem:$0x1B440] =	vst v63  }
0x31: {  	_ =	swait.ge [sflag:s24], $0x1400  }
0x32: {  	[sflag:s24] =	ssyncset.done $0x0  }
0x33: {  	s8 =	simm.s32 $0x4E70;
	[sflag:s24] =	ssyncadd.s32 $0xFFFFEC00  }
0x34: {  	[spmem:s2] =	stream.indirect.scatter.add.f32 [tilespmem:s16], [sflag:$0x8], $0x40, s8, s14, $0xb8;
	[tilespmem:$0x1B440] =	vst v63  }
0x35: {  	s13 =	simm.s32 $0x190  }
0x36: {  	[tilespmem:s28], [sflag:$0x6] =	stream.indirect.gather [hbm4b:s7+s14], $0x40, s13, s14, $0xb8;
	[tilespmem:$0x1B440] =	vst v63  }
0x37: {  	_ =	swait.ge [sflag:s29], $0x1400  }
0x38: {  	[sflag:s29] =	ssyncset.done $0x0  }
0x39: {  	s8 =	simm.s32 $0x4EC0;
	[sflag:s29] =	ssyncadd.s32 $0xFFFFEC00  }
0x3a: {  	[spmem:s2] =	stream.indirect.scatter.add.f32 [tilespmem:s18], [sflag:$0x9], $0x40, s8, s14, $0xb8;
	[tilespmem:$0x1B440] =	vst v63  }
0x3b: {  	_ =	swait.ge [sflag:s31], $0x1400  }
0x3c: {  	[sflag:s31] =	ssyncset.done $0x0  }
0x3d: {  	s13 =	simm.s32 $0x1E0;
	[sflag:s31] =	ssyncadd.s32 $0xFFFFEC00  }
0x3e: {  	[tilespmem:s15], [sflag:$0x1] =	stream.indirect.gather [hbm4b:s7+s14], $0x40, s13, s14, $0xb8;
	[tilespmem:$0x1B440] =	vst v63  }
0x3f: {  	_ =	swait.ge [sflag:s0], $0x1400  }
0x40: {  	[sflag:s0] =	ssyncset.done $0x0  }
0x41: {  	s8 =	simm.s32 $0x4F10;
	[sflag:s0] =	ssyncadd.s32 $0xFFFFEC00  }
0x42: {  	[spmem:s2] =	stream.indirect.scatter.add.f32 [tilespmem:s20], [sflag:$0xA], $0x40, s8, s14, $0xb8;
	[tilespmem:$0x1B440] =	vst v63  }
0x43: {  	_ =	swait.ge [sflag:s1], $0x1400  }
0x44: {  	[sflag:s1] =	ssyncset.done $0x0  }
0x45: {  	s13 =	simm.s32 $0x230;
	[sflag:s1] =	ssyncadd.s32 $0xFFFFEC00  }
0x46: {  	[tilespmem:s16], [sflag:$0x2] =	stream.indirect.gather [hbm4b:s7+s14], $0x40, s13, s14, $0xb8;
	[tilespmem:$0x1B440] =	vst v63  }
0x47: {  	_ =	swait.ge [sflag:s17], $0x1400  }
0x48: {  	[sflag:s17] =	ssyncset.done $0x0  }
0x49: {  	s8 =	simm.s32 $0x4F60;
	[sflag:s17] =	ssyncadd.s32 $0xFFFFEC00  }
0x4a: {  	[spmem:s2] =	stream.indirect.scatter.add.f32 [tilespmem:s23], [sflag:$0xB], $0x40, s8, s14, $0xb8;
	[tilespmem:$0x1B440] =	vst v63  }
0x4b: {  	_ =	swait.ge [sflag:s19], $0x1400  }
0x4c: {  	[sflag:s19] =	ssyncset.done $0x0  }
0x4d: {  	s13 =	simm.s32 $0x280;
	[sflag:s19] =	ssyncadd.s32 $0xFFFFEC00  }
0x4e: {  	[tilespmem:s18], [sflag:$0x3] =	stream.indirect.gather [hbm4b:s7+s14], $0x40, s13, s14, $0xb8;
	[tilespmem:$0x1B440] =	vst v63  }
0x4f: {  	_ =	swait.ge [sflag:s22], $0x1400  }
0x50: {  	[sflag:s22] =	ssyncset.done $0x0  }
0x51: {  	s8 =	simm.s32 $0x4FB0;
	[sflag:s22] =	ssyncadd.s32 $0xFFFFEC00  }
0x52: {  	[spmem:s2] =	stream.indirect.scatter.add.f32 [tilespmem:s28], [sflag:$0xC], $0x40, s8, s14, $0xb8;
	[tilespmem:$0x1B440] =	vst v63  }
0x53: {  	_ =	swait.ge [sflag:s25], $0x1400  }
0x54: {  	[sflag:s25] =	ssyncset.done $0x0  }
0x55: {  	s13 =	simm.s32 $0x2D0;
	[sflag:s25] =	ssyncadd.s32 $0xFFFFEC00  }
0x56: {  	[tilespmem:s20], [sflag:$0x4] =	stream.indirect.gather [hbm4b:s7+s14], $0x40, s13, s14, $0xb8;
	[tilespmem:$0x1B440] =	vst v63  }
0x57: {  	_ =	swait.ge [sflag:s21], $0x1400  }
0x58: {  	[sflag:s21] =	ssyncset.done $0x0  }
0x59: {  	s8 =	simm.s32 $0x5000;
	[sflag:s21] =	ssyncadd.s32 $0xFFFFEC00  }
0x5a: {  	[spmem:s2] =	stream.indirect.scatter.add.f32 [tilespmem:s15], [sflag:$0x7], $0x40, s8, s14, $0xb8;
	[tilespmem:$0x1B440] =	vst v63  }
0x5b: {  	_ =	swait.ge [sflag:s26], $0x1400  }
0x5c: {  	[sflag:s26] =	ssyncset.done $0x0  }
0x5d: {  	s13 =	simm.s32 $0x320;
	[sflag:s26] =	ssyncadd.s32 $0xFFFFEC00  }
0x5e: {  	[tilespmem:s23], [sflag:$0x5] =	stream.indirect.gather [hbm4b:s7+s14], $0x40, s13, s14, $0xb8;
	[tilespmem:$0x1B440] =	vst v63  }
0x5f: {  	_ =	swait.ge [sflag:s24], $0x1400  }
0x60: {  	[sflag:s24] =	ssyncset.done $0x0  }
0x61: {  	s8 =	simm.s32 $0x5050;
	[sflag:s24] =	ssyncadd.s32 $0xFFFFEC00  }
0x62: {  	[spmem:s2] =	stream.indirect.scatter.add.f32 [tilespmem:s16], [sflag:$0x8], $0x40, s8, s14, $0xb8;
	[tilespmem:$0x1B440] =	vst v63  }
0x63: {  	_ =	swait.ge [sflag:s30], $0x1400  }
0x64: {  	[sflag:s30] =	ssyncset.done $0x0  }
0x65: {  	s13 =	simm.s32 $0x370;
	[sflag:s30] =	ssyncadd.s32 $0xFFFFEC00  }
0x66: {  	[tilespmem:s28], [sflag:$0x6] =	stream.indirect.gather [hbm4b:s7+s14], $0x40, s13, s14, $0xb8;
	[tilespmem:$0x1B440] =	vst v63  }
0x67: {  	_ =	swait.ge [sflag:s29], $0x1400  }
0x68: {  	[sflag:s29] =	ssyncset.done $0x0  }
0x69: {  	s6 =	simm.s32 $0x780;
	s13 =	simm.s32 $0x50A0;
	[sflag:s29] =	ssyncadd.s32 $0xFFFFEC00  }
.LBB2_2:
0x6a: {  	[spmem:s2] =	stream.indirect.scatter.add.f32 [tilespmem:s18], [sflag:$0x9], $0x40, s13, s14, $0xb8;
	[tilespmem:$0x1B440] =	vst v63  }
0x6b: {  	s13 =	smov.u32 s6  }
0x6c: {  	p0 =	sne.s32 s6, $0x12480;
	s6 =	sadd.s32 $0x780, s6;
	_ =	swait.ge [sflag:s31], $0x1400  }
0x6d: {  	s13 =	sshra.s32 s13, $0x2;
	[sflag:s31] =	ssyncset.done $0x0  }
0x6e: {  	s8 =	sadd.s32 $0x1E0, s13;
	[sflag:s31] =	ssyncadd.s32 $0xFFFFEC00  }
0x6f: {  	[tilespmem:s15], [sflag:$0x1] =	stream.indirect.gather [hbm4b:s7+s14], $0x40, s8, s14, $0xb8;
	[tilespmem:$0x1B440] =	vst v63  }
0x70: {  	_ =	swait.ge [sflag:s0], $0x1400  }
0x71: {  	[sflag:s0] =	ssyncset.done $0x0  }
0x72: {  	s8 =	sadd.s32 $0x4F10, s13;
	[sflag:s0] =	ssyncadd.s32 $0xFFFFEC00  }
0x73: {  	[spmem:s2] =	stream.indirect.scatter.add.f32 [tilespmem:s20], [sflag:$0xA], $0x40, s8, s14, $0xb8;
	[tilespmem:$0x1B440] =	vst v63  }
0x74: {  	_ =	swait.ge [sflag:s1], $0x1400  }
0x75: {  	[sflag:s1] =	ssyncset.done $0x0  }
0x76: {  	s8 =	sadd.s32 $0x230, s13;
	[sflag:s1] =	ssyncadd.s32 $0xFFFFEC00  }
0x77: {  	[tilespmem:s16], [sflag:$0x2] =	stream.indirect.gather [hbm4b:s7+s14], $0x40, s8, s14, $0xb8;
	[tilespmem:$0x1B440] =	vst v63  }
0x78: {  	_ =	swait.ge [sflag:s17], $0x1400  }
0x79: {  	[sflag:s17] =	ssyncset.done $0x0  }
0x7a: {  	s8 =	sadd.s32 $0x4F60, s13;
	[sflag:s17] =	ssyncadd.s32 $0xFFFFEC00  }
0x7b: {  	[spmem:s2] =	stream.indirect.scatter.add.f32 [tilespmem:s23], [sflag:$0xB], $0x40, s8, s14, $0xb8;
	[tilespmem:$0x1B440] =	vst v63  }
0x7c: {  	_ =	swait.ge [sflag:s19], $0x1400  }
0x7d: {  	[sflag:s19] =	ssyncset.done $0x0  }
0x7e: {  	s8 =	sadd.s32 $0x280, s13;
	[sflag:s19] =	ssyncadd.s32 $0xFFFFEC00  }
0x7f: {  	[tilespmem:s18], [sflag:$0x3] =	stream.indirect.gather [hbm4b:s7+s14], $0x40, s8, s14, $0xb8;
	[tilespmem:$0x1B440] =	vst v63  }
0x80: {  	_ =	swait.ge [sflag:s22], $0x1400  }
0x81: {  	[sflag:s22] =	ssyncset.done $0x0  }
0x82: {  	s8 =	sadd.s32 $0x4FB0, s13;
	[sflag:s22] =	ssyncadd.s32 $0xFFFFEC00  }
0x83: {  	[spmem:s2] =	stream.indirect.scatter.add.f32 [tilespmem:s28], [sflag:$0xC], $0x40, s8, s14, $0xb8;
	[tilespmem:$0x1B440] =	vst v63  }
0x84: {  	_ =	swait.ge [sflag:s25], $0x1400  }
0x85: {  	[sflag:s25] =	ssyncset.done $0x0  }
0x86: {  	s8 =	sadd.s32 $0x2D0, s13;
	[sflag:s25] =	ssyncadd.s32 $0xFFFFEC00  }
0x87: {  	[tilespmem:s20], [sflag:$0x4] =	stream.indirect.gather [hbm4b:s7+s14], $0x40, s8, s14, $0xb8;
	[tilespmem:$0x1B440] =	vst v63  }
0x88: {  	_ =	swait.ge [sflag:s21], $0x1400  }
0x89: {  	[sflag:s21] =	ssyncset.done $0x0  }
0x8a: {  	s8 =	sadd.s32 $0x5000, s13;
	[sflag:s21] =	ssyncadd.s32 $0xFFFFEC00  }
0x8b: {  	[spmem:s2] =	stream.indirect.scatter.add.f32 [tilespmem:s15], [sflag:$0x7], $0x40, s8, s14, $0xb8;
	[tilespmem:$0x1B440] =	vst v63  }
0x8c: {  	_ =	swait.ge [sflag:s26], $0x1400  }
0x8d: {  	[sflag:s26] =	ssyncset.done $0x0  }
0x8e: {  	s8 =	sadd.s32 $0x320, s13;
	[sflag:s26] =	ssyncadd.s32 $0xFFFFEC00  }
0x8f: {  	[tilespmem:s23], [sflag:$0x5] =	stream.indirect.gather [hbm4b:s7+s14], $0x40, s8, s14, $0xb8;
	[tilespmem:$0x1B440] =	vst v63  }
0x90: {  	_ =	swait.ge [sflag:s24], $0x1400  }
0x91: {  	[sflag:s24] =	ssyncset.done $0x0  }
0x92: {  	s8 =	sadd.s32 $0x5050, s13;
	[sflag:s24] =	ssyncadd.s32 $0xFFFFEC00  }
0x93: {  	[spmem:s2] =	stream.indirect.scatter.add.f32 [tilespmem:s16], [sflag:$0x8], $0x40, s8, s14, $0xb8;
	[tilespmem:$0x1B440] =	vst v63  }
0x94: {  	_ =	swait.ge [sflag:s30], $0x1400  }
0x95: {  	[sflag:s30] =	ssyncset.done $0x0  }
.Ltmp0:
0x96: {  	s8 =	sadd.s32 $0x370, s13;
	[sflag:s30] =	ssyncadd.s32 $0xFFFFEC00;
	(pc) =	sbr.rel @p0 .LBB2_2-.Ltmp0, $4  }
0x97: {  	[tilespmem:s28], [sflag:$0x6] =	stream.indirect.gather [hbm4b:s7+s14], $0x40, s8, s14, $0xb8;
	[tilespmem:$0x1B440] =	vst v63  }
0x98: {  	_ =	swait.ge [sflag:s29], $0x1400  }
0x99: {  	[sflag:s29] =	ssyncset.done $0x0  }
0x9a: {  	s13 =	sadd.s32 $0x50A0, s13;
	[sflag:s29] =	ssyncadd.s32 $0xFFFFEC00  }
0x9b: {  	[spmem:s2] =	stream.indirect.scatter.add.f32 [tilespmem:s18], [sflag:$0x9], $0x40, s13, s14, $0xb8;
	[tilespmem:$0x1B440] =	vst v63  }
0x9c: {  	_ =	swait.ge [sflag:s31], $0x1400  }
0x9d: {  	[sflag:s31] =	ssyncset.done $0x0  }
0x9e: {  	s6 =	simm.s32 $0x4CE0;
	[sflag:s31] =	ssyncadd.s32 $0xFFFFEC00  }
0x9f: {  	[tilespmem:s15], [sflag:$0x1] =	stream.indirect.gather [hbm4b:s7+s14], $0x40, s6, s14, $0xb8;
	[tilespmem:$0x1B440] =	vst v63  }
0xa0: {  	_ =	swait.ge [sflag:s0], $0x1400  }
0xa1: {  	[sflag:s0] =	ssyncset.done $0x0  }
0xa2: {  	s13 =	simm.s32 $0x9A10;
	[sflag:s0] =	ssyncadd.s32 $0xFFFFEC00  }
0xa3: {  	[spmem:s2] =	stream.indirect.scatter.add.f32 [tilespmem:s20], [sflag:$0xA], $0x40, s13, s14, $0xb8;
	[tilespmem:$0x1B440] =	vst v63  }
0xa4: {  	_ =	swait.ge [sflag:s1], $0x1400  }
0xa5: {  	[sflag:s1] =	ssyncset.done $0x0  }
0xa6: {  	s8 =	simm.s32 $0x4D30;
	[sflag:s1] =	ssyncadd.s32 $0xFFFFEC00  }
0xa7: {  	[tilespmem:s16], [sflag:$0x2] =	stream.indirect.gather [hbm4b:s7+s14], $0x40, s8, s14, $0xb8;
	[tilespmem:$0x1B440] =	vst v63  }
0xa8: {  	_ =	swait.ge [sflag:s17], $0x1400  }
0xa9: {  	[sflag:s17] =	ssyncset.done $0x0  }
0xaa: {  	s13 =	simm.s32 $0x9A60;
	[sflag:s17] =	ssyncadd.s32 $0xFFFFEC00  }
0xab: {  	[spmem:s2] =	stream.indirect.scatter.add.f32 [tilespmem:s23], [sflag:$0xB], $0x40, s13, s14, $0xb8;
	[tilespmem:$0x1B440] =	vst v63  }
0xac: {  	_ =	swait.ge [sflag:s19], $0x1400  }
0xad: {  	[sflag:s19] =	ssyncset.done $0x0  }
0xae: {  	s8 =	simm.s32 $0x4D80;
	[sflag:s19] =	ssyncadd.s32 $0xFFFFEC00  }
0xaf: {  	[tilespmem:s18], [sflag:$0x3] =	stream.indirect.gather [hbm4b:s7+s14], $0x40, s8, s14, $0xb8;
	[tilespmem:$0x1B440] =	vst v63  }
0xb0: {  	_ =	swait.ge [sflag:s22], $0x1400  }
0xb1: {  	[sflag:s22] =	ssyncset.done $0x0  }
0xb2: {  	s13 =	simm.s32 $0x9AB0;
	[sflag:s22] =	ssyncadd.s32 $0xFFFFEC00  }
0xb3: {  	[spmem:s2] =	stream.indirect.scatter.add.f32 [tilespmem:s28], [sflag:$0xC], $0x40, s13, s14, $0xb8;
	[tilespmem:$0x1B440] =	vst v63  }
0xb4: {  	_ =	swait.ge [sflag:s25], $0x1400  }
0xb5: {  	[sflag:s25] =	ssyncset.done $0x0  }
0xb6: {  	s8 =	simm.s32 $0x4DD0;
	[sflag:s25] =	ssyncadd.s32 $0xFFFFEC00  }
0xb7: {  	[tilespmem:s20], [sflag:$0x4] =	stream.indirect.gather [hbm4b:s7+s14], $0x40, s8, s14, $0xb8;
	[tilespmem:$0x1B440] =	vst v63  }
0xb8: {  	_ =	swait.ge [sflag:s21], $0x1400  }
0xb9: {  	[sflag:s21] =	ssyncset.done $0x0  }
0xba: {  	s13 =	simm.s32 $0x9B00;
	[sflag:s21] =	ssyncadd.s32 $0xFFFFEC00  }
0xbb: {  	[spmem:s2] =	stream.indirect.scatter.add.f32 [tilespmem:s15], [sflag:$0x7], $0x40, s13, s14, $0xb8;
	[tilespmem:$0x1B440] =	vst v63  }
0xbc: {  	_ =	swait.ge [sflag:s26], $0x1400  }
0xbd: {  	[sflag:s26] =	ssyncset.done $0x0  }
0xbe: {  	[sflag:s26] =	ssyncadd.s32 $0xFFFFEC00  }
0xbf: {  	_ =	swait.ge [sflag:s24], $0x1400  }
0xc0: {  	[sflag:s24] =	ssyncset.done $0x0  }
0xc1: {  	s8 =	simm.s32 $0x9B50;
	[sflag:s24] =	ssyncadd.s32 $0xFFFFEC00  }
0xc2: {  	[spmem:s2] =	stream.indirect.scatter.add.f32 [tilespmem:s16], [sflag:$0x8], $0x40, s8, s14, $0xb8;
	[tilespmem:$0x1B440] =	vst v63  }
0xc3: {  	_ =	swait.ge [sflag:s30], $0x1400  }
0xc4: {  	[sflag:s30] =	ssyncset.done $0x0  }
0xc5: {  	[sflag:s30] =	ssyncadd.s32 $0xFFFFEC00  }
0xc6: {  	_ =	swait.ge [sflag:s29], $0x1400  }
0xc7: {  	[sflag:s29] =	ssyncset.done $0x0  }
0xc8: {  	s13 =	simm.s32 $0x9BA0;
	[sflag:s29] =	ssyncadd.s32 $0xFFFFEC00  }
0xc9: {  	[spmem:s2] =	stream.indirect.scatter.add.f32 [tilespmem:s18], [sflag:$0x9], $0x40, s13, s14, $0xb8;
	[tilespmem:$0x1B440] =	vst v63  }
0xca: {  	_ =	swait.ge [sflag:s31], $0x1400  }
0xcb: {  	[sflag:s31] =	ssyncset.done $0x0  }
0xcc: {  	[sflag:s31] =	ssyncadd.s32 $0xFFFFEC00  }
0xcd: {  	_ =	swait.ge [sflag:s0], $0x1400  }
0xce: {  	[sflag:s0] =	ssyncset.done $0x0  }
0xcf: {  	s8 =	simm.s32 $0x9BF0;
	[sflag:s0] =	ssyncadd.s32 $0xFFFFEC00  }
0xd0: {  	[spmem:s2] =	stream.indirect.scatter.add.f32 [tilespmem:s20], [sflag:$0xA], $0x40, s8, s14, $0xb8;
	[tilespmem:$0x1B440] =	vst v63  }
0xd1: {  	_ =	swait.ge [sflag:s1], $0x1400  }
0xd2: {  	[sflag:s1] =	ssyncset.done $0x0  }
0xd3: {  	[sflag:s1] =	ssyncadd.s32 $0xFFFFEC00  }
0xd4: {  	_ =	swait.ge [sflag:s19], $0x1400  }
0xd5: {  	[sflag:s19] =	ssyncset.done $0x0  }
0xd6: {  	[sflag:s19] =	ssyncadd.s32 $0xFFFFEC00  }
0xd7: {  	_ =	swait.ge [sflag:s25], $0x1400  }
0xd8: {  	[sflag:s25] =	ssyncset.done $0x0  }
0xd9: {  	s4 =	sadd.s32 $0x1, s4;
	[sflag:s25] =	ssyncadd.s32 $0xFFFFEC00  }
0xda: {  	p0 =	sne.s32 s4, s9;
	[bflag:$0x0] =	sbarrier.arrive $0xFFFF  }
.Ltmp1:
0xdb: {  	s13 =	rddreg [dreg:$0x6];
	(pc) =	sbr.rel @p0 .LBB2_1-.Ltmp1, $4  }
0xdc: {  	[hbm:s13], [sflag:s5] =	dma.local [spmem:s10], $0x1400  }
0xdd: {  	_ =	swait.ge [sflag:s11], $0x1400  }
0xde: {  	[sflag:s11] =	ssyncset.done $0x0  }
0xdf: {  	[sflag:s11] =	ssyncadd.s32 $0xFFFFEC00  }
0xe0: {  	_ =	sfence.sel $0x180000  }
0xe1: {  	[bflag:$0x0] =	sbarrier.arrive $0xFFFF  }
0xe2: {  	_ =	strace $0x9000004A  }
0xe3: {  	s0 =	stileid.u32;
	[bflag:$0x2] =	sbarrier.arrive $0xFFFF  }
0xe4: {  	p0 =	sne.s32 s0, $0x0;
	s0 =	rddreg [dreg:$0x3]  }
0xe5: {  	s0 =	sadd.s32 @!p0 $0x100000, s0  }
0xe6: {  	[sflag:s0] =	ssyncadd.tile.s32 @!p0 $0x1;
	_ =	shalt  }
.Lfunc_end2:
_tile_overlayer_lowered:
.L_overlay_start_2:
0xe7: {  	(tag) =	ssettag $0x2  }
0xe8: {  	s0 =	rddreg [dreg:$0x0];
	s2 =	stileid.u32  }
0xe9: {  	s1 =	rddreg [dreg:$0x1];
	p0 =	sne.s32 s2, $0x0  }
0xea: {  	s3 =	rddreg [dreg:$0x2];
	[bflag:$0x3] =	sbarrier.arrive $0xFFFF;
	s2 =	simm.s32 @!p0 $0x1C0D  }
0xeb: {  	[timem:s3], [sflag:s2] =	dma.local @!p0 [hbm:s0], s1  }
0xec: {  	s0 =	simm.s32 @!p0 $0xD  }
0xed: {  	_ =	swait.ge @!p0 [sflag:s0], s1  }
0xee: {  	s1 =	ssub.s32 @!p0 $0x0, s1;
	[sflag:s0] =	ssyncset.done @!p0 $0x0  }
0xef: {  	[sflag:s0] =	ssyncadd.s32 @!p0 s1  }
0xf0: {  	[bflag:$0x3] =	sbarrier.arrive $0xFFFF  }
0xf1: {  	_ =	shalt  }

// kernel: kernel.9.cloned.1.call-start
scs
__scs_entry_jumppad:
0x0: {  	(pc) =	sbr.rel $0x88, $3  }
0x1: {  	(tag) =	ssettag $0x0;
	lr =	simm.s32 $0x1  }
0x2: {  	[smem:$0x3F99] =	sst lr;
	_ =	strace $0xD0000000  }
0x3: {  	_ = 	snop  }
0x4: {  	_ = 	snop  }
0x5: {  	_ = 	snop  }
0x6: {  	_ = 	snop  }
0x7: {  	_ = 	snop  }
__scs_overlays_trampoline_lowered:
0x8: {  	[smem:$0x3FA8] =	sst s0  }
0x9: {  	[smem:$0x3FA9] =	sst s1  }
0xa: {  	[smem:$0x3FAA] =	sst s2  }
0xb: {  	[smem:$0x3FAB] =	sst s3  }
0xc: {  	[smem:$0x3FAC] =	sst s4  }
0xd: {  	[smem:$0x3FAD] =	sst s5  }
0xe: {  	[smem:$0x3FAE] =	sst s6  }
0xf: {  	[smem:$0x3FAF] =	sst s7  }
0x10: {  	[smem:$0x3FB0] =	sst s8  }
0x11: {  	[smem:$0x3FB1] =	sst s9;
	s0 =	simm.s32 @!p0 $0x0  }
0x12: {  	s1 =	sld [smem:$0x3F97];
	s0 =	simm.s32 @p0 $0x1  }
0x13: {  	[smem:$0x3FB2] =	sst s0;
	s0 =	simm.s32 @!p1 $0x0  }
0x14: {  	s2 =	sld [smem:$0x3F96];
	s0 =	simm.s32 @p1 $0x1  }
0x15: {  	[smem:$0x3FB3] =	sst s0;
	s0 =	simm.s32 @!p2 $0x0  }
0x16: {  	s3 =	sld [smem:$0x3FDB];
	s0 =	simm.s32 @p2 $0x1  }
0x17: {  	s4 =	simm.s32 $0x1BF5;
	[smem:$0x3FB5] =	sst s0  }
0x18: {  	s0 =	sld [smem:$0x3F98];
	_ =	swait.ge [sflag:s4], $0x0  }
0x19: {  	s7 =	sld [smem:$0x3F99]  }
0x1a: {  	s8 =	sadd.s32 $0xFFFFE003, lr  }
0x1b: {  	s9 =	sadd.s32 $0xFFFFFEF7, lr;
	s5 =	simm.s32 $0xFFFFFFFF;
	p2 =	slt.u32 s8, $0xFFFFF086  }
0x1c: {  	p1 =	slt.u32 s9, $0xF7A;
	s5 =	simm.s32 @!p2 $0x0  }
0x1d: {  	s5 =	simm.s32 @p1 $0x1;
	p0 =	seq.s32 s7, s2  }
0x1e: {  	s7 =	smul.u32 @!p0 $0xF7A, s2;
	p2 =	seq.s32 @!p0 s5, $0x0  }
0x1f: {  	s9 =	smul.u32 $0xF7A, s1;
	s8 =	simm.s32 @!p0 $0x1BF5;
	p2 =	por !p2, p0  }
0x20: {  	[sflag:s8] =	ssyncset.s32 @!p0 $0xFFFFF086;
	s6 =	sadd.s32 @!p0 s3, s7;
	s7 =	simm.s32 @!p0 $0x108  }
0x21: {  	s3 =	sadd.s32 s3, s9;
	s6 =	sadd.s32 @!p0 $0x88, s6;
	s7 =	simm.s32 @p2 $0x1082  }
0x22: {  	[simem:s7], [sflag:s8] =	dma.local @!p0 [hbm:s6], $0xF7A  }
0x23: {  	s9 =	sor.u32 $0xD0000000, s2;
	s6 =	simm.s32 $0x108;
	_ =	swait.ge @!p0 [sflag:s8], $0x0  }
0x24: {  	s3 =	sadd.s32 $0x88, s3;
	s6 =	simm.s32 @!p1 $0x1082;
	[sflag:s4] =	ssyncset.s32 $0xFFFFF086  }
0x25: {  	[simem:s6], [sflag:s4] =	dma.local [hbm:s3], $0xF7A  }
0x26: {  	[smem:$0x3F99] =	sst s1;
	(tag) =	ssettag s2;
	_ =	strace s9  }
0x27: {  	s1 =	sld [smem:$0x3FA9]  }
0x28: {  	s2 =	sld [smem:$0x3FAA]  }
0x29: {  	s4 =	sld [smem:$0x3FAC]  }
0x2a: {  	p0 =	seq.s32 s5, $0x0;
	s5 =	sld [smem:$0x3FAD]  }
0x2b: {  	s6 =	sld [smem:$0x3FAE]  }
0x2c: {  	s7 =	sld [smem:$0x3FAF]  }
0x2d: {  	s3 =	simm.s32 $0x108;
	s8 =	sld [smem:$0x3FB0]  }
0x2e: {  	s3 =	simm.s32 @!p0 $0x1082;
	s9 =	sld [smem:$0x3FB1]  }
0x2f: {  	lr =	sadd.s32 s0, s3;
	s0 =	sld [smem:$0x3FA8]  }
0x30: {  	s3 =	sld [smem:$0x3FAB]  }
0x31: {  	[smem:$0x3FB4] =	sst s10  }
0x32: {  	s10 =	sld [smem:$0x3FB2];
	_ =	sdelay $0x3  }
0x33: {  	p0 =	seq.s32 s10, $0x1;
	s10 =	sld [smem:$0x3FB4];
	_ =	sdelay $0x3  }
0x34: {  	[smem:$0x3FB4] =	sst s10  }
0x35: {  	s10 =	sld [smem:$0x3FB3];
	_ =	sdelay $0x3  }
0x36: {  	p1 =	seq.s32 s10, $0x1;
	s10 =	sld [smem:$0x3FB4];
	_ =	sdelay $0x3  }
0x37: {  	[smem:$0x3FB4] =	sst s10  }
0x38: {  	s10 =	sld [smem:$0x3FB5]  }
0x39: {  	_ = 	snop;
	(pc) =	sbr.ind lr, $3  }
0x3a: {  	_ = 	snop  }
0x3b: {  	_ = 	snop  }
0x3c: {  	p2 =	seq.s32 s10, $0x1;
	s10 =	sld [smem:$0x3FB4]  }
0x3d: {  	_ =	shalt  }
0x3e: {  	_ =	shalt  }
0x3f: {  	_ =	shalt  }
0x40: {  	_ =	shalt  }
0x41: {  	_ =	shalt  }
0x42: {  	_ =	shalt  }
0x43: {  	_ =	shalt  }
0x44: {  	_ =	shalt  }
0x45: {  	_ =	shalt  }
0x46: {  	_ =	shalt  }
0x47: {  	_ =	shalt  }
0x48: {  	_ =	shalt  }
0x49: {  	_ =	shalt  }
0x4a: {  	_ =	shalt  }
0x4b: {  	_ =	shalt  }
0x4c: {  	_ =	shalt  }
0x4d: {  	_ =	shalt  }
0x4e: {  	_ =	shalt  }
0x4f: {  	_ =	shalt  }
0x50: {  	_ =	shalt  }
0x51: {  	_ =	shalt  }
0x52: {  	_ =	shalt  }
0x53: {  	_ =	shalt  }
0x54: {  	_ =	shalt  }
0x55: {  	_ =	shalt  }
0x56: {  	_ =	shalt  }
0x57: {  	_ =	shalt  }
0x58: {  	_ =	shalt  }
0x59: {  	_ =	shalt  }
0x5a: {  	_ =	shalt  }
0x5b: {  	_ =	shalt  }
0x5c: {  	_ =	shalt  }
0x5d: {  	_ =	shalt  }
0x5e: {  	_ =	shalt  }
0x5f: {  	_ =	shalt  }
0x60: {  	_ =	shalt  }
0x61: {  	_ =	shalt  }
0x62: {  	_ =	shalt  }
0x63: {  	_ =	shalt  }
0x64: {  	_ =	shalt  }
0x65: {  	_ =	shalt  }
0x66: {  	_ =	shalt  }
0x67: {  	_ =	shalt  }
0x68: {  	_ =	shalt  }
0x69: {  	_ =	shalt  }
0x6a: {  	_ =	shalt  }
0x6b: {  	_ =	shalt  }
0x6c: {  	_ =	shalt  }
0x6d: {  	_ =	shalt  }
0x6e: {  	_ =	shalt  }
0x6f: {  	_ =	shalt  }
0x70: {  	_ =	shalt  }
0x71: {  	_ =	shalt  }
0x72: {  	_ =	shalt  }
0x73: {  	_ =	shalt  }
0x74: {  	_ =	shalt  }
0x75: {  	_ =	shalt  }
0x76: {  	_ =	shalt  }
0x77: {  	_ =	shalt  }
0x78: {  	_ =	shalt  }
0x79: {  	_ =	shalt  }
0x7a: {  	_ =	shalt  }
0x7b: {  	_ =	shalt  }
0x7c: {  	_ =	shalt  }
0x7d: {  	_ =	shalt  }
0x7e: {  	_ =	shalt  }
0x7f: {  	_ =	shalt  }
0x80: {  	_ =	shalt  }
0x81: {  	_ =	shalt  }
0x82: {  	_ =	shalt  }
0x83: {  	_ =	shalt  }
0x84: {  	_ =	shalt  }
0x85: {  	_ =	shalt  }
0x86: {  	_ =	shalt  }
0x87: {  	_ =	shalt  }
.Lfunc_end0:
.L_simem_size_0:
called_computation_lowered:
.L_overlay_start_0:
0x88: {  	s2 =	sld [smem:$0x3FD9]  }
0x89: {  	s3 =	sld [smem:$0x3FFE];
	_ =	sdelay $0x1  }
0x8a: {  	s1 =	srdreg.scid  }
0x8b: {  	s0 =	sand.u32 $0x1, s1  }
0x8c: {  	s17 =	sshll.u32 s0, $0xA;
	s2 =	sadd.s32 s3, s2  }
0x8d: {  	s2 =	sadd.s32 s2, s17  }
0x8e: {  	[smem:$0x3FC0] =	sst s2  }
0x8f: {  	_ = 	snop  }
0x90: {  	s2 =	sld [smem:$0x3FD0];
	(tm) =	ssettm $0x1  }
0x91: {  	s18 =	sld [smem:$0x3FFB];
	_ =	sdelay $0x3  }
0x92: {  	_ =	strace s18  }
0x93: {  	s3 =	sld [smem:$0x3FFC];
	_ =	sdelay $0x3  }
0x94: {  	_ =	strace s3  }
0x95: {  	s3 =	sld [smem:$0x3FFD];
	_ =	sdelay $0x3  }
0x96: {  	_ =	strace s3  }
0x97: {  	_ =	strace $0x8FFFFFFF  }
0x98: {  	s19 =	sld [smem:$0x3FDB];
	_ =	sdelay $0x1  }
0x99: {  	s4 =	simm.s32 $_scs_section_size  }
0x9a: {  	s5 =	simm.s32 $_size__tile_overlayer_lowered;
	s6 =	simm.s32 $_tile_overlayer_lowered  }
0x9b: {  	s22 =	simm.s32 $0x1BFF;
	s21 =	sshll.u32 s6, $0x1;
	s3 =	sadd.s32 s4, s19  }
0x9c: {  	s7 =	simm.s32 $0x0;
	s20 =	sshll.u32 s5, $0x1;
	s5 =	sadd.s32 s21, s3  }
0x9d: {  	[timem:s7], [sflag:s22] =	dma.local [hbm:s5], s20  }
0x9e: {  	_ =	swait.ge [sflag:s22], s20  }
0x9f: {  	s4 =	ssub.s32 $0x0, s20;
	[sflag:s22] =	ssyncset.done $0x0  }
0xa0: {  	[sflag:s22] =	ssyncadd.s32 s4;
	_ =	sdelay $0x1  }
0xa1: {  	s23 =	simm.s32 $0x1B8B  }
0xa2: {  	_ =	swait.ge [sflag:s23], $0x1  }
0xa3: {  	[sflag:s23] =	ssyncset.done $0x0  }
0xa4: {  	s25 =	simm.s32 $0x1B8E;
	s24 =	sld [smem:$0x3FFE];
	[sflag:s23] =	ssyncadd.s32 $0xFFFFFFFF  }
0xa5: {  	s26 =	simm.s32 $execute0_lowered;
	[smem:$0x3FD2] =	sst s25  }
0xa6: {  	s5 =	sshll.u32 s26, $0x1;
	_ =	strace $0x80000046;
	[dreg:$0x1] =	wrdreg $0xFFFFFFFF  }
0xa7: {  	s28 =	simm.s32 $_size_execute0_lowered;
	s3 =	sadd.s32 s3, s5;
	[dreg:$0x0] =	wrdreg $0x0  }
0xa8: {  	s5 =	sshll.u32 s28, $0x1;
	[dreg:$0x2] =	wrdreg s3  }
0xa9: {  	[dreg:$0x3] =	wrdreg s5  }
0xaa: {  	[dreg:$0x4] =	wrdreg $0xC0  }
0xab: {  	_ =	task [dreg:s7], $0x5FFFF  }
0xac: {  	[dreg:$0x1] =	wrdreg $0xFFFFFFFF  }
0xad: {  	[dreg:$0x0] =	wrdreg $0x60  }
0xae: {  	[dreg:$0x2] =	wrdreg s2  }
0xaf: {  	[dreg:$0x3] =	wrdreg s24  }
0xb0: {  	[dreg:$0x4] =	wrdreg $0x114400  }
0xb1: {  	[dreg:$0x5] =	wrdreg $0x1B9400  }
0xb2: {  	[dreg:$0x6] =	wrdreg $0x9  }
0xb3: {  	_ =	task.clear_ibuf [dreg:s7], $0x7FFFF;
	_ =	strace $0x90000046  }
0xb4: {  	s29 =	simm.s32 $0x9;
	_ =	strace $0x80000048  }
0xb5: {  	_ =	swait.ge [sflag:s29], $0x1  }
0xb6: {  	[sflag:s29] =	ssyncadd.s32 $0xFFFFFFFF  }
0xb7: {  	_ =	strace $0x90000048  }
0xb8: {  	_ =	sfence  }
0xb9: {  	s30 =	sld [smem:$0x0];
	_ =	sdelay $0x2  }
0xba: {  	s31 =	sshll.u32 s1, $0xD;
	s1 =	sshrl.u32 s1, $0x2  }
0xbb: {  	s3 =	sand.u32 $0x4000, s31;
	s1 =	sadd.s32 s1, s30  }
0xbc: {  	s0 =	sor.u32 s3, s0;
	s1 =	sshll.u32 s1, $0x11  }
0xbd: {  	s0 =	sor.u32 s1, s0  }
0xbe: {  	s0 =	sadd.s32 $0x8F2B, s0  }
0xbf: {  	[sflag:s0] =	ssyncadd.remote.s32 $0x1  }
0xc0: {  	_ =	sfence.sel $0xFFFF  }
0xc1: {  	[dreg:$0x0] =	wrdreg $0xFFFFFFFF;
	(pc) =	sbr.abs _section_cstart, $3  }
0xc2: {  	[dreg:$0x1] =	wrdreg $0xFFFFFFFF  }
0xc3: {  	_ =	task.clear_ibuf [dreg:s7], $0x2FFFF;
	_ =	strace $0x9FFFFFFF  }
0xc4: {  	(tm) =	ssettm $0x7FFFFFFF  }
0xc5: {  	_ =	shalt  }
tec
execute0_lowered:
.L_overlay_start_1:
0x0: {  	(tag) =	ssettag $0x1  }
0x1: {  	s0 =	rddreg [dreg:$0x0]  }
0x2: {  	s1 =	rddreg [dreg:$0x1]  }
0x3: {  	s2 =	rddreg [dreg:$0x2]  }
0x4: {  	s3 =	rddreg [dreg:$0x3];
	s16 =	stileid.u32;
	s7 =	simm.s32 $0x0  }
0x5: {  	s6 =	srdreg.scid;
	s28 =	simm.s32 $0xD840;
	s4 =	smul.u32 $0x9C4, s16  }
0x6: {  	s29 =	simm.s32 $0x1;
	s31 =	simm.s32 $0xEC40;
	s5 =	smul.u32 $0xA000, s16  }
0x7: {  	s30 =	simm.s32 $0x3;
	s8 =	smul.u32 $0x2800, s16;
	s6 =	sand.u32 $0x1, s6  }
0x8: {  	[smem:$0x7FF] =	sst s7;
	s13 =	sadd.s32 $0x1A00, s1;
	s15 =	smul.u32 $0xA0000, s6  }
0x9: {  	s19 =	sshll.u32 s16, $0x6;
	s16 =	simm.s32 $0xE;
	s12 =	smul.u32 $0x28000, s6  }
0xa: {  	_ =	strace $0x80000047;
	[dreg:$0x5] =	wrdreg s13;
	s20 =	smul.u32 $0x13880, s6  }
0xb: {  	s17 =	ssub.s32 $0x2, s6;
	s6 =	smul.u32 $0x9C40, s6;
	s9 =	sadd.s32 s4, s1  }
0xc: {  	s10 =	sshrl.u32 s5, $0x3;
	s11 =	sshrl.u32 s8, $0x3;
	s14 =	sshrl.u32 s17, $0x1  }
0xd: {  	s10 =	sadd.s32 s10, s1;
	s11 =	sadd.s32 s11, s1;
	s7 =	sadd.s32 s5, s15  }
0xe: {  	s12 =	sadd.s32 s8, s12;
	s13 =	ssub.s32 s17, s14;
	s5 =	sadd.s32 s5, s2  }
0xf: {  	s17 =	sor.u32 $0x1C0E, s19;
	s9 =	sadd.s32 $0x1C00, s9;
	s8 =	sadd.s32 s8, s3  }
0x10: {  	s25 =	sshrl.u32 s6, $0x2;
	s19 =	simm.s32 $0x4E20;
	s6 =	simm.s32 $0x5  }
0x11: {  	s7 =	sshrl.u32 s7, $0x3;
	s12 =	sshrl.u32 s12, $0x3;
	s18 =	sadd.s32 $0x1A600, s10  }
0x12: {  	[dreg:$0x7] =	wrdreg s9;
	s21 =	sadd.s32 $0x15600, s11;
	s10 =	sadd.s32 s0, s20  }
0x13: {  	s24 =	smax.u32 s13, $0x1;
	s14 =	sadd.s32 $0x4E20, s25;
	s20 =	simm.s32 $0x1B440  }
0x14: {  	s25 =	simm.s32 $0xC440;
	s0 =	simm.s32 $0x2;
	s9 =	simm.s32 $0x6  }
0x15: {  	s11 =	simm.s32 $0xA;
	s13 =	simm.s32 $0xD;
	[dreg:$0x6] =	wrdreg s18  }
0x16: {  	s15 =	sadd.s32 s7, s1;
	s12 =	sadd.s32 s12, s1;
	[dreg:$0x8] =	wrdreg s21  }
0x17: {  	s1 =	sadd.s32 $0xB840, s1;
	[dreg:$0xb] =	wrdreg s24;
	s7 =	sshrl.u32 s8, $0x3  }
0x18: {  	s21 =	simm.s32 $0x50;
	s24 =	simm.s32 $0x7;
	s8 =	simm.s32 $0x9  }
0x19: {  	s18 =	simm.s32 $0xC;
	s22 =	sadd.s32 $0x2E600, s15;
	[dreg:$0xe] =	wrdreg s7  }
0x1a: {  	s23 =	sadd.s32 $0x56600, s12;
	s15 =	sshrl.u32 s5, $0x3;
	[dreg:$0x9] =	wrdreg s22  }
0x1b: {  	s26 =	sadd.s32 s4, s1;
	s1 =	simm.s32 $0x4;
	[dreg:$0xa] =	wrdreg s23  }
0x1c: {  	s5 =	simm.s32 $0x8;
	s4 =	simm.s32 $0x0;
	[dreg:$0xd] =	wrdreg s26  }
0x1d: {  	s12 =	simm.s32 $0xB;
	s22 =	simm.s32 $0x9C40;
	[dreg:$0xf] =	wrdreg s4  }
0x1e: {  	s23 =	simm.s32 $0xB040;
	s26 =	simm.s32 $0x10040;
	[dreg:$0xc] =	wrdreg s15  }
.LBB2_1:
0x1f: {  	s4 =	rddreg [dreg:$0x6]  }
0x20: {  	[spmem:s15], [sflag:s17] =	dma.local [hbm:s4], $0x1400  }
0x21: {  	_ =	swait.ge [sflag:s16], $0x1400  }
0x22: {  	[sflag:s16] =	ssyncset.done $0x0  }
0x23: {  	s4 =	simm.s32 $0x0;
	s15 =	rddreg [dreg:$0x7];
	[sflag:s16] =	ssyncadd.s32 $0xFFFFEC00  }
0x24: {  	[tilespmem:s4], [sflag:$0xE] =	stream.linear.gather [hbm4b:s15+s4], $0x4E20, $0x38;
	[tilespmem:$0x1E140] =	vst v63  }
0x25: {  	_ =	swait.ge [sflag:s16], $0x4E20  }
0x26: {  	[sflag:s16] =	ssyncset.done $0x0  }
0x27: {  	s15 =	rddreg [dreg:$0xd];
	[sflag:s16] =	ssyncadd.s32 $0xFFFFB1E0  }
0x28: {  	[tilespmem:s19], [sflag:$0xE] =	stream.linear.gather [hbm4b:s15+s4], $0x4E20, $0x38;
	[tilespmem:$0x1E140] =	vst v63  }
0x29: {  	_ =	swait.ge [sflag:s16], $0x4E20  }
0x2a: {  	[sflag:s16] =	ssyncset.done $0x0  }
0x2b: {  	s15 =	rddreg [dreg:$0x8];
	[sflag:s16] =	ssyncadd.s32 $0xFFFFB1E0  }
0x2c: {  	[spmem:s7], [sflag:s17] =	dma.local [hbm:s15], $0x500  }
0x2d: {  	_ =	swait.ge [sflag:s16], $0x500  }
0x2e: {  	[sflag:s16] =	ssyncset.done $0x0  }
0x2f: {  	s7 =	rddreg [dreg:$0x5];
	[sflag:s16] =	ssyncadd.s32 $0xFFFFFB00  }
0x30: {  	[tilespmem:s20], [sflag:$0xE] =	stream.linear.gather [hbm4b:s7+s4], $0x500, $0x38;
	[tilespmem:$0x1E140] =	vst v63  }
0x31: {  	_ =	swait.ge [sflag:s16], $0x500  }
0x32: {  	[sflag:s16] =	ssyncset.done $0x0  }
0x33: {  	[sflag:s16] =	ssyncadd.s32 $0xFFFFFB00  }
0x34: {  	s15 =	sadd.s32 $0x0, s14;
	s4 =	simm.s32 $0x140;
	[bflag:$0x0] =	sbarrier.arrive $0xFFFF  }
.LBB2_2:
0x35: {  	[spmem:s3] =	stream.indirect.scatter.add.f32 [tilespmem:s20], [sflag:$0xD], $0x10, s15, s21, $0xb8;
	[tilespmem:$0x1E140] =	vst v63  }
0x36: {  	s15 =	smov.u32 s4;
	p0 =	sne.s32 s4, $0x9B00  }
.Ltmp0:
0x37: {  	s4 =	sadd.s32 $0x140, s4;
	(pc) =	sbr.rel @p0 .LBB2_2-.Ltmp0, $3  }
0x38: {  	_ =	sdelay $0x1  }
0x39: {  	s15 =	sshra.s32 s15, $0x2  }
0x3a: {  	s15 =	sadd.s32 s15, s14  }
0x3b: {  	[spmem:s3] =	stream.indirect.scatter.add.f32 [tilespmem:s20], [sflag:$0xD], $0x10, s15, s21, $0xb8;
	[tilespmem:$0x1E140] =	vst v63  }
0x3c: {  	s4 =	simm.s32 $0x0  }
0x3d: {  	[tilespmem:s22], [sflag:$0x1] =	stream.indirect.gather [hbm4b:s10+s21], $0x40, s4, s21, $0xb8;
	[tilespmem:$0x1E140] =	vst v63  }
0x3e: {  	_ = 	snop  }
0x3f: {  	[tilespmem:s23], [sflag:$0x2] =	stream.indirect.gather [hbm4b:s10+s21], $0x40, s21, s21, $0xb8;
	[tilespmem:$0x1E140] =	vst v63  }
0x40: {  	s7 =	simm.s32 $0xA0  }
0x41: {  	[tilespmem:s25], [sflag:$0x3] =	stream.indirect.gather [hbm4b:s10+s21], $0x40, s7, s21, $0xb8;
	[tilespmem:$0x1E140] =	vst v63  }
0x42: {  	s15 =	simm.s32 $0xF0  }
0x43: {  	[tilespmem:s28], [sflag:$0x4] =	stream.indirect.gather [hbm4b:s10+s21], $0x40, s15, s21, $0xb8;
	[tilespmem:$0x1E140] =	vst v63  }
0x44: {  	_ =	swait.ge [sflag:s29], $0x1400  }
0x45: {  	[sflag:s29] =	ssyncset.done $0x0  }
0x46: {  	[sflag:s29] =	ssyncadd.s32 $0xFFFFEC00  }
0x47: {  	[spmem:s2] =	stream.indirect.scatter.add.f32 [tilespmem:s22], [sflag:$0x7], $0x40, s19, s21, $0xb8;
	[tilespmem:$0x1E140] =	vst v63  }
0x48: {  	s7 =	simm.s32 $0x140  }
0x49: {  	[tilespmem:s31], [sflag:$0x5] =	stream.indirect.gather [hbm4b:s10+s21], $0x40, s7, s21, $0xb8;
	[tilespmem:$0x1E140] =	vst v63  }
0x4a: {  	_ =	swait.ge [sflag:s0], $0x1400  }
0x4b: {  	[sflag:s0] =	ssyncset.done $0x0  }
0x4c: {  	s15 =	simm.s32 $0x4E70;
	[sflag:s0] =	ssyncadd.s32 $0xFFFFEC00  }
0x4d: {  	[spmem:s2] =	stream.indirect.scatter.add.f32 [tilespmem:s23], [sflag:$0x8], $0x40, s15, s21, $0xb8;
	[tilespmem:$0x1E140] =	vst v63  }
0x4e: {  	s19 =	simm.s32 $0x190  }
0x4f: {  	[tilespmem:s26], [sflag:$0x6] =	stream.indirect.gather [hbm4b:s10+s21], $0x40, s19, s21, $0xb8;
	[tilespmem:$0x1E140] =	vst v63  }
0x50: {  	_ =	swait.ge [sflag:s30], $0x1400  }
0x51: {  	[sflag:s30] =	ssyncset.done $0x0  }
0x52: {  	s7 =	simm.s32 $0x4EC0;
	[sflag:s30] =	ssyncadd.s32 $0xFFFFEC00  }
0x53: {  	[spmem:s2] =	stream.indirect.scatter.add.f32 [tilespmem:s25], [sflag:$0x9], $0x40, s7, s21, $0xb8;
	[tilespmem:$0x1E140] =	vst v63  }
0x54: {  	_ =	swait.ge [sflag:s24], $0x1400  }
0x55: {  	[sflag:s24] =	ssyncset.done $0x0  }
0x56: {  	s15 =	simm.s32 $0x1E0;
	[sflag:s24] =	ssyncadd.s32 $0xFFFFEC00  }
0x57: {  	[tilespmem:s22], [sflag:$0x1] =	stream.indirect.gather [hbm4b:s10+s21], $0x40, s15, s21, $0xb8;
	[tilespmem:$0x1E140] =	vst v63  }
0x58: {  	_ =	swait.ge [sflag:s1], $0x1400  }
0x59: {  	[sflag:s1] =	ssyncset.done $0x0  }
0x5a: {  	s19 =	simm.s32 $0x4F10;
	[sflag:s1] =	ssyncadd.s32 $0xFFFFEC00  }
0x5b: {  	[spmem:s2] =	stream.indirect.scatter.add.f32 [tilespmem:s28], [sflag:$0xA], $0x40, s19, s21, $0xb8;
	[tilespmem:$0x1E140] =	vst v63  }
0x5c: {  	_ =	swait.ge [sflag:s5], $0x1400  }
0x5d: {  	[sflag:s5] =	ssyncset.done $0x0  }
0x5e: {  	s7 =	simm.s32 $0x230;
	[sflag:s5] =	ssyncadd.s32 $0xFFFFEC00  }
0x5f: {  	[tilespmem:s23], [sflag:$0x2] =	stream.indirect.gather [hbm4b:s10+s21], $0x40, s7, s21, $0xb8;
	[tilespmem:$0x1E140] =	vst v63  }
0x60: {  	_ =	swait.ge [sflag:s6], $0x1400  }
0x61: {  	[sflag:s6] =	ssyncset.done $0x0  }
0x62: {  	s15 =	simm.s32 $0x4F60;
	[sflag:s6] =	ssyncadd.s32 $0xFFFFEC00  }
0x63: {  	[spmem:s2] =	stream.indirect.scatter.add.f32 [tilespmem:s31], [sflag:$0xB], $0x40, s15, s21, $0xb8;
	[tilespmem:$0x1E140] =	vst v63  }
0x64: {  	_ =	swait.ge [sflag:s8], $0x1400  }
0x65: {  	[sflag:s8] =	ssyncset.done $0x0  }
0x66: {  	s19 =	simm.s32 $0x280;
	[sflag:s8] =	ssyncadd.s32 $0xFFFFEC00  }
0x67: {  	[tilespmem:s25], [sflag:$0x3] =	stream.indirect.gather [hbm4b:s10+s21], $0x40, s19, s21, $0xb8;
	[tilespmem:$0x1E140] =	vst v63  }
0x68: {  	_ =	swait.ge [sflag:s9], $0x1400  }
0x69: {  	[sflag:s9] =	ssyncset.done $0x0  }
0x6a: {  	s7 =	simm.s32 $0x4FB0;
	[sflag:s9] =	ssyncadd.s32 $0xFFFFEC00  }
0x6b: {  	[spmem:s2] =	stream.indirect.scatter.add.f32 [tilespmem:s26], [sflag:$0xC], $0x40, s7, s21, $0xb8;
	[tilespmem:$0x1E140] =	vst v63  }
0x6c: {  	_ =	swait.ge [sflag:s11], $0x1400  }
0x6d: {  	[sflag:s11] =	ssyncset.done $0x0  }
0x6e: {  	s15 =	simm.s32 $0x2D0;
	[sflag:s11] =	ssyncadd.s32 $0xFFFFEC00  }
0x6f: {  	[tilespmem:s28], [sflag:$0x4] =	stream.indirect.gather [hbm4b:s10+s21], $0x40, s15, s21, $0xb8;
	[tilespmem:$0x1E140] =	vst v63  }
0x70: {  	_ =	swait.ge [sflag:s29], $0x1400  }
0x71: {  	[sflag:s29] =	ssyncset.done $0x0  }
0x72: {  	s19 =	simm.s32 $0x5000;
	[sflag:s29] =	ssyncadd.s32 $0xFFFFEC00  }
0x73: {  	[spmem:s2] =	stream.indirect.scatter.add.f32 [tilespmem:s22], [sflag:$0x7], $0x40, s19, s21, $0xb8;
	[tilespmem:$0x1E140] =	vst v63  }
0x74: {  	_ =	swait.ge [sflag:s12], $0x1400  }
0x75: {  	[sflag:s12] =	ssyncset.done $0x0  }
0x76: {  	s7 =	simm.s32 $0x320;
	[sflag:s12] =	ssyncadd.s32 $0xFFFFEC00  }
0x77: {  	[tilespmem:s31], [sflag:$0x5] =	stream.indirect.gather [hbm4b:s10+s21], $0x40, s7, s21, $0xb8;
	[tilespmem:$0x1E140] =	vst v63  }
0x78: {  	_ =	swait.ge [sflag:s0], $0x1400  }
0x79: {  	[sflag:s0] =	ssyncset.done $0x0  }
0x7a: {  	s15 =	simm.s32 $0x5050;
	[sflag:s0] =	ssyncadd.s32 $0xFFFFEC00  }
0x7b: {  	[spmem:s2] =	stream.indirect.scatter.add.f32 [tilespmem:s23], [sflag:$0x8], $0x40, s15, s21, $0xb8;
	[tilespmem:$0x1E140] =	vst v63  }
0x7c: {  	_ =	swait.ge [sflag:s18], $0x1400  }
0x7d: {  	[sflag:s18] =	ssyncset.done $0x0  }
0x7e: {  	s19 =	simm.s32 $0x370;
	[sflag:s18] =	ssyncadd.s32 $0xFFFFEC00  }
0x7f: {  	[tilespmem:s26], [sflag:$0x6] =	stream.indirect.gather [hbm4b:s10+s21], $0x40, s19, s21, $0xb8;
	[tilespmem:$0x1E140] =	vst v63  }
0x80: {  	_ =	swait.ge [sflag:s30], $0x1400  }
0x81: {  	[sflag:s30] =	ssyncset.done $0x0  }
0x82: {  	s4 =	simm.s32 $0x780;
	s15 =	simm.s32 $0x50A0;
	[sflag:s30] =	ssyncadd.s32 $0xFFFFEC00  }
.LBB2_4:
0x83: {  	[spmem:s2] =	stream.indirect.scatter.add.f32 [tilespmem:s25], [sflag:$0x9], $0x40, s15, s21, $0xb8;
	[tilespmem:$0x1E140] =	vst v63  }
0x84: {  	s15 =	smov.u32 s4  }
0x85: {  	p0 =	sne.s32 s4, $0x12480;
	s4 =	sadd.s32 $0x780, s4;
	_ =	swait.ge [sflag:s24], $0x1400  }
0x86: {  	s15 =	sshra.s32 s15, $0x2;
	[sflag:s24] =	ssyncset.done $0x0  }
0x87: {  	s19 =	sadd.s32 $0x1E0, s15;
	[sflag:s24] =	ssyncadd.s32 $0xFFFFEC00  }
0x88: {  	[tilespmem:s22], [sflag:$0x1] =	stream.indirect.gather [hbm4b:s10+s21], $0x40, s19, s21, $0xb8;
	[tilespmem:$0x1E140] =	vst v63  }
0x89: {  	_ =	swait.ge [sflag:s1], $0x1400  }
0x8a: {  	[sflag:s1] =	ssyncset.done $0x0  }
0x8b: {  	s19 =	sadd.s32 $0x4F10, s15;
	[sflag:s1] =	ssyncadd.s32 $0xFFFFEC00  }
0x8c: {  	[spmem:s2] =	stream.indirect.scatter.add.f32 [tilespmem:s28], [sflag:$0xA], $0x40, s19, s21, $0xb8;
	[tilespmem:$0x1E140] =	vst v63  }
0x8d: {  	_ =	swait.ge [sflag:s5], $0x1400  }
0x8e: {  	[sflag:s5] =	ssyncset.done $0x0  }
0x8f: {  	s19 =	sadd.s32 $0x230, s15;
	[sflag:s5] =	ssyncadd.s32 $0xFFFFEC00  }
0x90: {  	[tilespmem:s23], [sflag:$0x2] =	stream.indirect.gather [hbm4b:s10+s21], $0x40, s19, s21, $0xb8;
	[tilespmem:$0x1E140] =	vst v63  }
0x91: {  	_ =	swait.ge [sflag:s6], $0x1400  }
0x92: {  	[sflag:s6] =	ssyncset.done $0x0  }
0x93: {  	s19 =	sadd.s32 $0x4F60, s15;
	[sflag:s6] =	ssyncadd.s32 $0xFFFFEC00  }
0x94: {  	[spmem:s2] =	stream.indirect.scatter.add.f32 [tilespmem:s31], [sflag:$0xB], $0x40, s19, s21, $0xb8;
	[tilespmem:$0x1E140] =	vst v63  }
0x95: {  	_ =	swait.ge [sflag:s8], $0x1400  }
0x96: {  	[sflag:s8] =	ssyncset.done $0x0  }
0x97: {  	s19 =	sadd.s32 $0x280, s15;
	[sflag:s8] =	ssyncadd.s32 $0xFFFFEC00  }
0x98: {  	[tilespmem:s25], [sflag:$0x3] =	stream.indirect.gather [hbm4b:s10+s21], $0x40, s19, s21, $0xb8;
	[tilespmem:$0x1E140] =	vst v63  }
0x99: {  	_ =	swait.ge [sflag:s9], $0x1400  }
0x9a: {  	[sflag:s9] =	ssyncset.done $0x0  }
0x9b: {  	s19 =	sadd.s32 $0x4FB0, s15;
	[sflag:s9] =	ssyncadd.s32 $0xFFFFEC00  }
0x9c: {  	[spmem:s2] =	stream.indirect.scatter.add.f32 [tilespmem:s26], [sflag:$0xC], $0x40, s19, s21, $0xb8;
	[tilespmem:$0x1E140] =	vst v63  }
0x9d: {  	_ =	swait.ge [sflag:s11], $0x1400  }
0x9e: {  	[sflag:s11] =	ssyncset.done $0x0  }
0x9f: {  	s19 =	sadd.s32 $0x2D0, s15;
	[sflag:s11] =	ssyncadd.s32 $0xFFFFEC00  }
0xa0: {  	[tilespmem:s28], [sflag:$0x4] =	stream.indirect.gather [hbm4b:s10+s21], $0x40, s19, s21, $0xb8;
	[tilespmem:$0x1E140] =	vst v63  }
0xa1: {  	_ =	swait.ge [sflag:s29], $0x1400  }
0xa2: {  	[sflag:s29] =	ssyncset.done $0x0  }
0xa3: {  	s19 =	sadd.s32 $0x5000, s15;
	[sflag:s29] =	ssyncadd.s32 $0xFFFFEC00  }
0xa4: {  	[spmem:s2] =	stream.indirect.scatter.add.f32 [tilespmem:s22], [sflag:$0x7], $0x40, s19, s21, $0xb8;
	[tilespmem:$0x1E140] =	vst v63  }
0xa5: {  	_ =	swait.ge [sflag:s12], $0x1400  }
0xa6: {  	[sflag:s12] =	ssyncset.done $0x0  }
0xa7: {  	s19 =	sadd.s32 $0x320, s15;
	[sflag:s12] =	ssyncadd.s32 $0xFFFFEC00  }
0xa8: {  	[tilespmem:s31], [sflag:$0x5] =	stream.indirect.gather [hbm4b:s10+s21], $0x40, s19, s21, $0xb8;
	[tilespmem:$0x1E140] =	vst v63  }
0xa9: {  	_ =	swait.ge [sflag:s0], $0x1400  }
0xaa: {  	[sflag:s0] =	ssyncset.done $0x0  }
0xab: {  	s19 =	sadd.s32 $0x5050, s15;
	[sflag:s0] =	ssyncadd.s32 $0xFFFFEC00  }
0xac: {  	[spmem:s2] =	stream.indirect.scatter.add.f32 [tilespmem:s23], [sflag:$0x8], $0x40, s19, s21, $0xb8;
	[tilespmem:$0x1E140] =	vst v63  }
0xad: {  	_ =	swait.ge [sflag:s18], $0x1400  }
0xae: {  	[sflag:s18] =	ssyncset.done $0x0  }
.Ltmp1:
0xaf: {  	s19 =	sadd.s32 $0x370, s15;
	[sflag:s18] =	ssyncadd.s32 $0xFFFFEC00;
	(pc) =	sbr.rel @p0 .LBB2_4-.Ltmp1, $4  }
0xb0: {  	[tilespmem:s26], [sflag:$0x6] =	stream.indirect.gather [hbm4b:s10+s21], $0x40, s19, s21, $0xb8;
	[tilespmem:$0x1E140] =	vst v63  }
0xb1: {  	_ =	swait.ge [sflag:s30], $0x1400  }
0xb2: {  	[sflag:s30] =	ssyncset.done $0x0  }
0xb3: {  	s15 =	sadd.s32 $0x50A0, s15;
	[sflag:s30] =	ssyncadd.s32 $0xFFFFEC00  }
0xb4: {  	[spmem:s2] =	stream.indirect.scatter.add.f32 [tilespmem:s25], [sflag:$0x9], $0x40, s15, s21, $0xb8;
	[tilespmem:$0x1E140] =	vst v63  }
0xb5: {  	_ =	swait.ge [sflag:s24], $0x1400  }
0xb6: {  	[sflag:s24] =	ssyncset.done $0x0  }
0xb7: {  	s4 =	simm.s32 $0x4CE0;
	[sflag:s24] =	ssyncadd.s32 $0xFFFFEC00  }
0xb8: {  	[tilespmem:s22], [sflag:$0x1] =	stream.indirect.gather [hbm4b:s10+s21], $0x40, s4, s21, $0xb8;
	[tilespmem:$0x1E140] =	vst v63  }
0xb9: {  	_ =	swait.ge [sflag:s1], $0x1400  }
0xba: {  	[sflag:s1] =	ssyncset.done $0x0  }
0xbb: {  	s19 =	simm.s32 $0x9A10;
	[sflag:s1] =	ssyncadd.s32 $0xFFFFEC00  }
0xbc: {  	[spmem:s2] =	stream.indirect.scatter.add.f32 [tilespmem:s28], [sflag:$0xA], $0x40, s19, s21, $0xb8;
	[tilespmem:$0x1E140] =	vst v63  }
0xbd: {  	_ =	swait.ge [sflag:s5], $0x1400  }
0xbe: {  	[sflag:s5] =	ssyncset.done $0x0  }
0xbf: {  	s7 =	simm.s32 $0x4D30;
	[sflag:s5] =	ssyncadd.s32 $0xFFFFEC00  }
0xc0: {  	[tilespmem:s23], [sflag:$0x2] =	stream.indirect.gather [hbm4b:s10+s21], $0x40, s7, s21, $0xb8;
	[tilespmem:$0x1E140] =	vst v63  }
0xc1: {  	_ =	swait.ge [sflag:s6], $0x1400  }
0xc2: {  	[sflag:s6] =	ssyncset.done $0x0  }
0xc3: {  	s15 =	simm.s32 $0x9A60;
	[sflag:s6] =	ssyncadd.s32 $0xFFFFEC00  }
0xc4: {  	[spmem:s2] =	stream.indirect.scatter.add.f32 [tilespmem:s31], [sflag:$0xB], $0x40, s15, s21, $0xb8;
	[tilespmem:$0x1E140] =	vst v63  }
0xc5: {  	_ =	swait.ge [sflag:s8], $0x1400  }
0xc6: {  	[sflag:s8] =	ssyncset.done $0x0  }
0xc7: {  	s19 =	simm.s32 $0x4D80;
	[sflag:s8] =	ssyncadd.s32 $0xFFFFEC00  }
0xc8: {  	[tilespmem:s25], [sflag:$0x3] =	stream.indirect.gather [hbm4b:s10+s21], $0x40, s19, s21, $0xb8;
	[tilespmem:$0x1E140] =	vst v63  }
0xc9: {  	_ =	swait.ge [sflag:s9], $0x1400  }
0xca: {  	[sflag:s9] =	ssyncset.done $0x0  }
0xcb: {  	s7 =	simm.s32 $0x9AB0;
	[sflag:s9] =	ssyncadd.s32 $0xFFFFEC00  }
0xcc: {  	[spmem:s2] =	stream.indirect.scatter.add.f32 [tilespmem:s26], [sflag:$0xC], $0x40, s7, s21, $0xb8;
	[tilespmem:$0x1E140] =	vst v63  }
0xcd: {  	_ =	swait.ge [sflag:s11], $0x1400  }
0xce: {  	[sflag:s11] =	ssyncset.done $0x0  }
0xcf: {  	s15 =	simm.s32 $0x4DD0;
	[sflag:s11] =	ssyncadd.s32 $0xFFFFEC00  }
0xd0: {  	[tilespmem:s28], [sflag:$0x4] =	stream.indirect.gather [hbm4b:s10+s21], $0x40, s15, s21, $0xb8;
	[tilespmem:$0x1E140] =	vst v63  }
0xd1: {  	_ =	swait.ge [sflag:s29], $0x1400  }
0xd2: {  	[sflag:s29] =	ssyncset.done $0x0  }
0xd3: {  	s19 =	simm.s32 $0x9B00;
	[sflag:s29] =	ssyncadd.s32 $0xFFFFEC00  }
0xd4: {  	[spmem:s2] =	stream.indirect.scatter.add.f32 [tilespmem:s22], [sflag:$0x7], $0x40, s19, s21, $0xb8;
	[tilespmem:$0x1E140] =	vst v63  }
0xd5: {  	_ =	swait.ge [sflag:s12], $0x1400  }
0xd6: {  	[sflag:s12] =	ssyncset.done $0x0  }
0xd7: {  	[sflag:s12] =	ssyncadd.s32 $0xFFFFEC00  }
0xd8: {  	_ =	swait.ge [sflag:s0], $0x1400  }
0xd9: {  	[sflag:s0] =	ssyncset.done $0x0  }
0xda: {  	s7 =	simm.s32 $0x9B50;
	[sflag:s0] =	ssyncadd.s32 $0xFFFFEC00  }
0xdb: {  	[spmem:s2] =	stream.indirect.scatter.add.f32 [tilespmem:s23], [sflag:$0x8], $0x40, s7, s21, $0xb8;
	[tilespmem:$0x1E140] =	vst v63  }
0xdc: {  	_ =	swait.ge [sflag:s18], $0x1400  }
0xdd: {  	[sflag:s18] =	ssyncset.done $0x0  }
0xde: {  	[sflag:s18] =	ssyncadd.s32 $0xFFFFEC00  }
0xdf: {  	_ =	swait.ge [sflag:s30], $0x1400  }
0xe0: {  	[sflag:s30] =	ssyncset.done $0x0  }
0xe1: {  	s15 =	simm.s32 $0x9BA0;
	[sflag:s30] =	ssyncadd.s32 $0xFFFFEC00  }
0xe2: {  	[spmem:s2] =	stream.indirect.scatter.add.f32 [tilespmem:s25], [sflag:$0x9], $0x40, s15, s21, $0xb8;
	[tilespmem:$0x1E140] =	vst v63  }
0xe3: {  	_ =	swait.ge [sflag:s24], $0x1400  }
0xe4: {  	[sflag:s24] =	ssyncset.done $0x0  }
0xe5: {  	[sflag:s24] =	ssyncadd.s32 $0xFFFFEC00  }
0xe6: {  	_ =	swait.ge [sflag:s1], $0x1400  }
0xe7: {  	[sflag:s1] =	ssyncset.done $0x0  }
0xe8: {  	s19 =	simm.s32 $0x9BF0;
	[sflag:s1] =	ssyncadd.s32 $0xFFFFEC00  }
0xe9: {  	[spmem:s2] =	stream.indirect.scatter.add.f32 [tilespmem:s28], [sflag:$0xA], $0x40, s19, s21, $0xb8;
	[tilespmem:$0x1E140] =	vst v63  }
0xea: {  	_ =	swait.ge [sflag:s5], $0x1400  }
0xeb: {  	[sflag:s5] =	ssyncset.done $0x0  }
0xec: {  	[sflag:s5] =	ssyncadd.s32 $0xFFFFEC00  }
0xed: {  	_ =	swait.ge [sflag:s8], $0x1400  }
0xee: {  	[sflag:s8] =	ssyncset.done $0x0  }
0xef: {  	[sflag:s8] =	ssyncadd.s32 $0xFFFFEC00  }
0xf0: {  	_ =	swait.ge [sflag:s11], $0x1400  }
0xf1: {  	[sflag:s11] =	ssyncset.done $0x0  }
0xf2: {  	[sflag:s11] =	ssyncadd.s32 $0xFFFFEC00  }
0xf3: {  	_ =	swait.ge [sflag:s13], $0x500  }
0xf4: {  	s4 =	simm.s32 $0x7C;
	[sflag:s13] =	ssyncset.done $0x0  }
.LBB2_6:
0xf5: {  	p0 =	sne.s32 s4, $0x1;
	s4 =	sadd.s32 $0xFFFFFFFF, s4;
	[sflag:s13] =	ssyncadd.s32 $0xFFFFFB00  }
.Ltmp2:
0xf6: {  	(pc) =	sbr.rel @p0 .LBB2_6-.Ltmp2, $3  }
0xf7: {  	_ =	sdelay $0x1  }
0xf8: {  	_ =	swait.ge [sflag:s13], $0x500  }
0xf9: {  	[sflag:s13] =	ssyncset.done $0x0  }
0xfa: {  	[sflag:s13] =	ssyncadd.s32 $0xFFFFFB00  }
0xfb: {  	[bflag:$0x0] =	sbarrier.arrive $0xFFFF  }
0xfc: {  	s4 =	rddreg [dreg:$0x9]  }
0xfd: {  	s15 =	rddreg [dreg:$0xc]  }
0xfe: {  	[hbm:s4], [sflag:s17] =	dma.local [spmem:s15], $0x1400  }
0xff: {  	_ =	swait.ge [sflag:s16], $0x1400  }
0x100: {  	[sflag:s16] =	ssyncset.done $0x0;
	s19 =	rddreg [dreg:$0xa]  }
0x101: {  	s7 =	rddreg [dreg:$0xe];
	[sflag:s16] =	ssyncadd.s32 $0xFFFFEC00  }
0x102: {  	[hbm:s19], [sflag:s17] =	dma.local [spmem:s7], $0x500  }
0x103: {  	_ =	swait.ge [sflag:s16], $0x500  }
0x104: {  	s19 =	rddreg [dreg:$0xf]  }
0x105: {  	s4 =	rddreg [dreg:$0xb];
	s19 =	sadd.s32 $0x1, s19  }
0x106: {  	p0 =	sne.s32 s19, s4  }
.Ltmp3:
0x107: {  	_ = 	snop;
	(pc) =	sbr.rel @p0 .LBB2_1-.Ltmp3, $3  }
0x108: {  	_ =	sdelay $0x1  }
0x109: {  	[sflag:s16] =	ssyncset.done $0x0  }
0x10a: {  	[sflag:s16] =	ssyncadd.s32 $0xFFFFFB00;
	[dreg:$0xf] =	wrdreg s19;
	s19 =	simm.s32 $0x4E20  }
0x10b: {  	_ =	sfence.sel $0x180000  }
0x10c: {  	[bflag:$0x0] =	sbarrier.arrive $0xFFFF  }
0x10d: {  	_ =	strace $0x90000047  }
0x10e: {  	s0 =	stileid.u32;
	[bflag:$0x2] =	sbarrier.arrive $0xFFFF  }
0x10f: {  	p0 =	sne.s32 s0, $0x0;
	s0 =	rddreg [dreg:$0x4]  }
0x110: {  	s0 =	sadd.s32 @!p0 $0x100000, s0  }
0x111: {  	[sflag:s0] =	ssyncadd.tile.s32 @!p0 $0x1;
	_ =	shalt  }
.Lfunc_end2:
_tile_overlayer_lowered:
.L_overlay_start_2:
0x112: {  	(tag) =	ssettag $0x2  }
0x113: {  	s0 =	rddreg [dreg:$0x0];
	s2 =	stileid.u32  }
0x114: {  	s1 =	rddreg [dreg:$0x1];
	p0 =	sne.s32 s2, $0x0  }
0x115: {  	s3 =	rddreg [dreg:$0x2];
	[bflag:$0x3] =	sbarrier.arrive $0xFFFF;
	s2 =	simm.s32 @!p0 $0x1C0E  }
0x116: {  	[timem:s3], [sflag:s2] =	dma.local @!p0 [hbm:s0], s1  }
0x117: {  	s0 =	simm.s32 @!p0 $0xE  }
0x118: {  	_ =	swait.ge @!p0 [sflag:s0], s1  }
0x119: {  	s1 =	ssub.s32 @!p0 $0x0, s1;
	[sflag:s0] =	ssyncset.done @!p0 $0x0  }
0x11a: {  	[sflag:s0] =	ssyncadd.s32 @!p0 s1  }
0x11b: {  	[bflag:$0x3] =	sbarrier.arrive $0xFFFF  }
0x11c: {  	_ =	shalt  }

</sc_bundles>
